<compile_context>
chip_gen: v7x
topology: tpu7x:2x2x1
jax: 0.10.2.dev20260603
libtpu: 0.0.44.dev20260713+nightly
codegen_flags: <defaults>
</compile_context>

<pallas_src>
import dataclasses
import functools

import jax
import jax.numpy as jnp
from jax import lax
from jax.experimental import pallas as pl
from jax.experimental.pallas import tpu as pltpu
from jax.experimental.pallas import tpu_sc as plsc

N = 10000
E = 320000
D = 128
G = 16

NC = 2
NS = 16
NW = NC * NS
EPW = E // NW
WWIN = 80
NWIN = 126
EPWP = NWIN * WWIN
PAD = EPWP - EPW
NSINK = 8
CH = 42
NCH = NWIN // CH
NBUF = 3
STRIPE = 632
LAST0 = 15 * STRIPE
LASTN = N - LAST0

_MESH = plsc.VectorSubcoreMesh(core_axis_name="c", subcore_axis_name="s")
_PREC = lax.Precision.HIGHEST

_SC_PARAMS = pltpu.CompilerParams()
if "needs_layout_passes" in pltpu.CompilerParams.__dataclass_fields__:
    _SC_PARAMS = dataclasses.replace(_SC_PARAMS, needs_layout_passes=False)


@functools.partial(
    pl.kernel,
    out_type=jax.ShapeDtypeStruct((NW, N), jnp.float32),
    mesh=_MESH,
    scratch_types=[
        pltpu.VMEM((EPW,), jnp.int32),
        pltpu.VMEM((N,), jnp.float32),
    ],
    compiler_params=_SC_PARAMS,
)
def _deg_kernel(dst_hbm, degp_hbm, idx_v, hist_v):
    c = lax.axis_index("c")
    s = lax.axis_index("s")
    wid = c * NS + s
    pltpu.sync_copy(dst_hbm.at[wid], idx_v)
    zeros16 = jnp.zeros((16,), jnp.float32)
    ones16 = jnp.ones((16,), jnp.float32)

    @pl.loop(0, N // 16)
    def _(i):
        hist_v[pl.ds(i * 16, 16)] = zeros16

    @pl.loop(0, EPW // 16)
    def _(k):
        idx = idx_v[pl.ds(k * 16, 16)]
        plsc.addupdate_scatter(hist_v, [idx], ones16)

    pltpu.sync_copy(hist_v, degp_hbm.at[wid])


def _make_agg_kernel(nbuf, wwin, nwin, ch):
    assert nwin % ch == 0 and ch % nbuf == 0
    nch = nwin // ch
    scratch = [
        pltpu.VMEM((ch, wwin), jnp.int32),
        pltpu.VMEM((ch, wwin), jnp.int32),
    ]
    scratch += [pltpu.VMEM((wwin, D), jnp.float32)] * nbuf
    scratch += [pltpu.VMEM_SHARED((N + NSINK, D), jnp.float32)]
    scratch += [pltpu.SemaphoreType.DMA] * (2 * nbuf)

    @functools.partial(
        pl.kernel,
        out_type=jax.ShapeDtypeStruct((NC, N, D), jnp.float32),
        mesh=_MESH,
        scratch_types=scratch,
    )
    def _agg(hs_hbm, src_hbm, dst_hbm, aggp_hbm, *scr):
        sidx_v, didx_v = scr[0], scr[1]
        rows = scr[2:2 + nbuf]
        agg_sh = scr[2 + nbuf]
        sg = scr[3 + nbuf:3 + 2 * nbuf]
        ss = scr[3 + 2 * nbuf:3 + 3 * nbuf]

        c = lax.axis_index("c")
        s = lax.axis_index("s")
        wid = c * NS + s
        row0 = pl.multiple_of(s * STRIPE, 8)

        @pl.when(s < NS - 1)
        def _():
            pltpu.sync_copy(hs_hbm.at[pl.ds(row0, STRIPE)],
                            agg_sh.at[pl.ds(row0, STRIPE)])

        @pl.when(s == NS - 1)
        def _():
            pltpu.sync_copy(hs_hbm.at[pl.ds(LAST0, LASTN)],
                            agg_sh.at[pl.ds(LAST0, LASTN)])

        plsc.subcore_barrier()

        def _start_g(w, b):
            pltpu.async_copy(hs_hbm.at[sidx_v.at[w]], rows[b], sg[b])

        def _wait_g(b):
            pltpu.make_async_copy(hs_hbm.at[pl.ds(0, wwin)], rows[b],
                                  sg[b]).wait()

        def _start_s(w, b):
            pltpu.async_copy(rows[b], agg_sh.at[didx_v.at[w]], ss[b],
                             add=True)

        def _wait_s(b):
            pltpu.make_async_copy(rows[b], agg_sh.at[pl.ds(0, wwin)],
                                  ss[b]).wait()

        @pl.loop(0, nch)
        def _(k):
            pltpu.sync_copy(src_hbm.at[wid, k], sidx_v)
            pltpu.sync_copy(dst_hbm.at[wid, k], didx_v)
            for b in range(nbuf - 1):
                _start_g(b, b)
            _wait_g(0)
            _start_s(0, 0)
            _start_g(nbuf - 1, nbuf - 1)

            @pl.loop(0, (ch - nbuf) // nbuf)
            def _(g):
                for j in range(nbuf):
                    w = nbuf * g + 1 + j
                    b = (1 + j) % nbuf
                    _wait_g(b)
                    _start_s(w, b)
                    _wait_s((b + nbuf - 1) % nbuf)
                    _start_g(w + nbuf - 1, (b + nbuf - 1) % nbuf)

            for j in range(nbuf - 1):
                w = ch - (nbuf - 1) + j
                _wait_g(w % nbuf)
                _start_s(w, w % nbuf)
            for b in range(nbuf):
                _wait_s(b)

        plsc.subcore_barrier()

        @pl.when(s < NS - 1)
        def _():
            pltpu.sync_copy(agg_sh.at[pl.ds(row0, STRIPE)],
                            aggp_hbm.at[c, pl.ds(row0, STRIPE)])

        @pl.when(s == NS - 1)
        def _():
            pltpu.sync_copy(agg_sh.at[pl.ds(LAST0, LASTN)],
                            aggp_hbm.at[c, pl.ds(LAST0, LASTN)])

    return _agg


_agg_kernel = _make_agg_kernel(NBUF, WWIN, NWIN, CH)


def _matmul_body(x_ref, w_ref, o_ref):
    o_ref[...] = jnp.dot(x_ref[...], w_ref[...],
                         preferred_element_type=jnp.float32, precision=_PREC)


def _dinv_scale_body(degp_ref, h1_ref, dinv_ref, hs1_ref):
    deg = jnp.sum(degp_ref[...], axis=0) + 1.0
    dinv = lax.rsqrt(jnp.maximum(deg, 1e-12))
    dinv_ref[...] = dinv[:, None]
    hs1_ref[...] = h1_ref[...] * dinv[:, None]


RB = 2000


def _combine_body(aggp_ref, hs_ref, dinv_ref, b_ref, w_ref, hs_next_ref):
    agg = aggp_ref[0] + aggp_ref[1] - hs_ref[...]
    h = jnp.maximum(agg * dinv_ref[...] + b_ref[...], 0.0)
    hn = jnp.dot(h, w_ref[...], preferred_element_type=jnp.float32,
                 precision=_PREC)
    hs_next_ref[...] = hn * dinv_ref[...]


def _combine_call(aggp, hs, dinv, b, w):
    return pl.pallas_call(
        _combine_body,
        grid=(N // RB,),
        in_specs=[
            pl.BlockSpec((NC, RB, D), lambda i: (0, i, 0)),
            pl.BlockSpec((RB, D), lambda i: (i, 0)),
            pl.BlockSpec((RB, 1), lambda i: (i, 0)),
            pl.BlockSpec((1, D), lambda i: (0, 0)),
            pl.BlockSpec((D, D), lambda i: (0, 0)),
        ],
        out_specs=pl.BlockSpec((RB, D), lambda i: (i, 0)),
        out_shape=jax.ShapeDtypeStruct((N, D), jnp.float32),
    )(aggp, hs, dinv, b, w)


def _final_body(aggp_ref, hs_ref, dinv_ref, b_ref, batch_ref, wm_ref, bm_ref,
                out_ref, sums_ref, cnt_ref):
    i = pl.program_id(0)

    @pl.when(i == 0)
    def _():
        sums_ref[...] = jnp.zeros_like(sums_ref)
        cnt_ref[...] = jnp.zeros_like(cnt_ref)

    agg = aggp_ref[0] + aggp_ref[1] - hs_ref[...]
    h3 = agg * dinv_ref[...] + b_ref[...]
    seg = batch_ref[...][:, 0]
    onehot = (seg[None, :] == lax.broadcasted_iota(jnp.int32, (G, RB), 0))
    onehot = onehot.astype(jnp.float32)
    sums_ref[...] += jnp.dot(onehot, h3, preferred_element_type=jnp.float32,
                             precision=_PREC)
    cnt_ref[...] += jnp.sum(onehot, axis=1, keepdims=True)

    @pl.when(i == pl.num_programs(0) - 1)
    def _():
        pooled = sums_ref[...] / jnp.maximum(cnt_ref[...], 1.0)
        out_ref[...] = jnp.dot(pooled, wm_ref[...],
                               preferred_element_type=jnp.float32,
                               precision=_PREC) + bm_ref[...]


def _final_call(aggp, hs, dinv, b, batch32, wm, bm):
    return pl.pallas_call(
        _final_body,
        grid=(N // RB,),
        in_specs=[
            pl.BlockSpec((NC, RB, D), lambda i: (0, i, 0)),
            pl.BlockSpec((RB, D), lambda i: (i, 0)),
            pl.BlockSpec((RB, 1), lambda i: (i, 0)),
            pl.BlockSpec((1, D), lambda i: (0, 0)),
            pl.BlockSpec((RB, 1), lambda i: (i, 0)),
            pl.BlockSpec((D, D), lambda i: (0, 0)),
            pl.BlockSpec((1, D), lambda i: (0, 0)),
        ],
        out_specs=pl.BlockSpec((G, D), lambda i: (0, 0)),
        out_shape=jax.ShapeDtypeStruct((G, D), jnp.float32),
        scratch_shapes=[
            pltpu.VMEM((G, D), jnp.float32),
            pltpu.VMEM((G, 1), jnp.float32),
        ],
    )(aggp, hs, dinv, b, batch32, wm, bm)


def _tc_call(body, out_shapes, *args):
    return pl.pallas_call(body, out_shape=out_shapes)(*args)


def kernel(x, adj, batch, W1, b1, W2, b2, W3, b3, Wm, bm):
    src = adj[0].astype(jnp.int32)
    dst = adj[1].astype(jnp.int32)
    padv = (jnp.arange(PAD, dtype=jnp.int32) % NSINK)[None, :]
    pad_src = jnp.tile(padv, (NW, 1))
    pad_dst = pad_src + N
    srcw = jnp.concatenate([src.reshape(NW, EPW), pad_src],
                           axis=1).reshape(NW, NCH, CH, WWIN)
    dstw = jnp.concatenate([dst.reshape(NW, EPW), pad_dst],
                           axis=1).reshape(NW, NCH, CH, WWIN)
    dstf = dst.reshape(NW, EPW)
    batch32 = batch.astype(jnp.int32).reshape(N, 1)

    f32 = jnp.float32
    degp = _deg_kernel(dstf)
    h1 = _tc_call(_matmul_body, jax.ShapeDtypeStruct((N, D), f32), x, W1)
    dinv, hs1 = _tc_call(
        _dinv_scale_body,
        [jax.ShapeDtypeStruct((N, 1), f32), jax.ShapeDtypeStruct((N, D), f32)],
        degp, h1)

    aggp1 = _agg_kernel(hs1, srcw, dstw)
    hs2 = _combine_call(aggp1, hs1, dinv, b1.reshape(1, D), W2)

    aggp2 = _agg_kernel(hs2, srcw, dstw)
    hs3 = _combine_call(aggp2, hs2, dinv, b2.reshape(1, D), W3)

    aggp3 = _agg_kernel(hs3, srcw, dstw)
    out = _final_call(aggp3, hs3, dinv, b3.reshape(1, D), batch32,
                      Wm, bm.reshape(1, D))
    return out

# --- scband reference (transcript-rebuilt; emitter-appended) ---
"""Pipeline reference for scband-gcn-9783935500634 (READ-ONLY COPY).

The authoritative reference and input builder live on the scoring server;
editing this copy changes nothing except your own understanding.
"""

import jax, jax.numpy as jnp
import numpy as np

N = 10000
E = 320000
D = 128
F1 = 128
F2 = 128
F3 = 128
G = 16


def setup_inputs(seed: int = 0) -> dict:
    key = jax.random.key(seed)
    ks = jax.random.split(key, 12)
    x = jax.random.normal(ks[0], (N, D), dtype=jnp.float32)
    adj = jax.random.randint(ks[1], (2, E), 0, N, dtype=jnp.int64)
    batch = jnp.sort(jax.random.randint(ks[2], (N,), 0, G, dtype=jnp.int64))
    # GCNConv weights (xavier-like) and biases
    def xav(k, shp):
        fan_in, fan_out = shp
        lim = float(np.sqrt(6.0 / (fan_in + fan_out)))
        return jax.random.uniform(k, shp, dtype=jnp.float32, minval=-lim, maxval=lim)
    W1 = xav(ks[3], (D, F1))
    b1 = jax.random.uniform(ks[4], (F1,), dtype=jnp.float32)
    W2 = xav(ks[5], (F1, F2))
    b2 = jax.random.uniform(ks[6], (F2,), dtype=jnp.float32)
    W3 = xav(ks[7], (F2, F3))
    b3 = jax.random.uniform(ks[8], (F3,), dtype=jnp.float32)
    Wm = xav(ks[9], (F3, F3))
    bm = jax.random.uniform(ks[10], (F3,), dtype=jnp.float32)
    return {"x": x, "adj": adj, "batch": batch,
            "W1": W1, "b1": b1, "W2": W2, "b2": b2,
            "W3": W3, "b3": b3, "Wm": Wm, "bm": bm}


def gcn_conv(x, edge_index, W, b):
    n = x.shape[0]
    loop = jnp.arange(n, dtype=edge_index.dtype)
    src = jnp.concatenate([edge_index[0], loop])
    dst = jnp.concatenate([edge_index[1], loop])
    deg = jnp.zeros((n,), dtype=jnp.float32).at[dst].add(1.0)
    dinv = jax.lax.rsqrt(jnp.maximum(deg, 1e-12))
    norm = dinv[src] * dinv[dst]
    h = x @ W
    msg = h[src] * norm[:, None]
    out = jax.ops.segment_sum(msg, dst, num_segments=n)
    return out + b


def reference(x, adj, batch, W1, b1, W2, b2, W3, b3, Wm, bm):
    h = jax.nn.relu(gcn_conv(x, adj, W1, b1))
    h = jax.nn.relu(gcn_conv(h, adj, W2, b2))
    h = gcn_conv(h, adj, W3, b3)
    # global_mean_pool
    sums = jax.ops.segment_sum(h, batch, num_segments=G)
    cnt = jax.ops.segment_sum(jnp.ones((h.shape[0],), dtype=jnp.float32), batch, num_segments=G)
    pooled = sums / jnp.maximum(cnt, 1.0)[:, None]
    return pooled @ Wm + bm

if __name__ == "__main__":
    import jax
    _d = setup_inputs()
    print(jax.jit(kernel)(*tuple(_d.values())))

</pallas_src>

<mosaic_0001>
#map = affine_map<(d0, d1) -> (0, 0)>
#map1 = affine_map<(d0, d1) -> (0, 0, 0, 0)>
#map2 = affine_map<(d0, d1) -> (0, 0, 0)>
module attributes {stable_mosaic.version = 14 : i64} {
  func.func @_agg(%arg0: i32, %arg1: i32, %arg2: memref<10000x128xf32, #tpu.memory_space<hbm>>, %arg3: memref<32x3x42x80xi32, #tpu.memory_space<hbm>>, %arg4: memref<32x3x42x80xi32, #tpu.memory_space<hbm>>, %arg5: memref<2x10000x128xf32, #tpu.memory_space<hbm>>, %arg6: memref<42x80xi32, #tpu.memory_space<vmem>>, %arg7: memref<42x80xi32, #tpu.memory_space<vmem>>, %arg8: memref<80x128xf32, #tpu.memory_space<vmem>>, %arg9: memref<80x128xf32, #tpu.memory_space<vmem>>, %arg10: memref<80x128xf32, #tpu.memory_space<vmem>>, %arg11: memref<10008x128xf32, #tpu.memory_space<vmem_shared>>, %arg12: memref<!tpu.dma_semaphore, #tpu.memory_space<semaphore_mem>>, %arg13: memref<!tpu.dma_semaphore, #tpu.memory_space<semaphore_mem>>, %arg14: memref<!tpu.dma_semaphore, #tpu.memory_space<semaphore_mem>>, %arg15: memref<!tpu.dma_semaphore, #tpu.memory_space<semaphore_mem>>, %arg16: memref<!tpu.dma_semaphore, #tpu.memory_space<semaphore_mem>>, %arg17: memref<!tpu.dma_semaphore, #tpu.memory_space<semaphore_mem>>) attributes {dimension_semantics = [#tpu.dimension_semantics<core_parallel>, #tpu.dimension_semantics<subcore_parallel>], iteration_bounds = array<i64: 2, 16>, scalar_prefetch = 0 : i64, scratch_operands = 12 : i64, tpu.core_type = #tpu.core_type<sc_vector_subcore>, window_params = [{transform_indices = #map}, {transform_indices = #map1}, {transform_indices = #map1}, {transform_indices = #map2}]} {
    %mul3A = arith.constant 16 : i32
    %mul3A_0 = arith.muli %arg0, %mul3A : i32
    %add3A = arith.addi %mul3A_0, %arg1 : i32
    %mul3A_1 = arith.constant 632 : i32
    %mul3A_2 = arith.muli %arg1, %mul3A_1 : i32
    %multiple_of3A = tpu.assume_multiple %mul3A_2, 8 : i32
    %lt3A = arith.constant 15 : i32
    %lt3A_3 = arith.cmpi slt, %arg1, %lt3A : i32
    %convert_element_type3A = arith.extui %lt3A_3 : i1 to i32
    %cond3A = arith.constant 0 : i32
    %cond3A_4 = arith.cmpi ne, %convert_element_type3A, %cond3A : i32
    scf.if %cond3A_4 {
      "tpu.region"() ({
        %run_scoped3A = tpu.sem_alloc : memref<!tpu.dma_semaphore, #tpu.memory_space<semaphore_mem>>
        %dma_start3A = arith.constant 0 : i32
        %dma_start3A_24 = tpu.memref_slice %arg11[%multiple_of3A, %dma_start3A] : memref<10008x128xf32, #tpu.memory_space<vmem_shared>> -> memref<632x128xf32, #tpu.memory_space<vmem_shared>>
        %dma_start3A_25 = arith.constant 0 : i32
        %dma_start3A_26 = tpu.memref_slice %arg2[%multiple_of3A, %dma_start3A_25] : memref<10000x128xf32, #tpu.memory_space<hbm>> -> memref<632x128xf32, #tpu.memory_space<hbm>>
        tpu.enqueue_dma source(%dma_start3A_26 : memref<632x128xf32, #tpu.memory_space<hbm>>) target(%dma_start3A_24 : memref<632x128xf32, #tpu.memory_space<vmem_shared>>) target_semaphore(%run_scoped3A : memref<!tpu.dma_semaphore, #tpu.memory_space<semaphore_mem>>)
        %dma_wait3A = arith.constant 0 : i32
        %dma_wait3A_27 = tpu.memref_slice %arg11[%multiple_of3A, %dma_wait3A] : memref<10008x128xf32, #tpu.memory_space<vmem_shared>> -> memref<632x128xf32, #tpu.memory_space<vmem_shared>>
        %dma_wait3A_28 = arith.constant 0 : i32
        %dma_wait3A_29 = tpu.memref_slice %arg2[%multiple_of3A, %dma_wait3A_28] : memref<10000x128xf32, #tpu.memory_space<hbm>> -> memref<632x128xf32, #tpu.memory_space<hbm>>
        tpu.wait_dma2 semaphore(%run_scoped3A : memref<!tpu.dma_semaphore, #tpu.memory_space<semaphore_mem>>) src(%dma_wait3A_29 : memref<632x128xf32, #tpu.memory_space<hbm>>) dst(%dma_wait3A_27 : memref<632x128xf32, #tpu.memory_space<vmem_shared>>)
        tpu.yield
      }) : () -> ()
    } else {
    }
    %eq3A = arith.constant 15 : i32
    %eq3A_5 = arith.cmpi eq, %arg1, %eq3A : i32
    %convert_element_type3A_6 = arith.extui %eq3A_5 : i1 to i32
    %cond3A_7 = arith.constant 0 : i32
    %cond3A_8 = arith.cmpi ne, %convert_element_type3A_6, %cond3A_7 : i32
    scf.if %cond3A_8 {
      "tpu.region"() ({
        %run_scoped3A = tpu.sem_alloc : memref<!tpu.dma_semaphore, #tpu.memory_space<semaphore_mem>>
        %dma_start3A = arith.constant 9480 : i32
        %dma_start3A_24 = arith.constant 0 : i32
        %dma_start3A_25 = tpu.memref_slice %arg11[%dma_start3A, %dma_start3A_24] : memref<10008x128xf32, #tpu.memory_space<vmem_shared>> -> memref<520x128xf32, #tpu.memory_space<vmem_shared>>
        %dma_start3A_26 = arith.constant 9480 : i32
        %dma_start3A_27 = arith.constant 0 : i32
        %dma_start3A_28 = tpu.memref_slice %arg2[%dma_start3A_26, %dma_start3A_27] : memref<10000x128xf32, #tpu.memory_space<hbm>> -> memref<520x128xf32, #tpu.memory_space<hbm>>
        tpu.enqueue_dma source(%dma_start3A_28 : memref<520x128xf32, #tpu.memory_space<hbm>>) target(%dma_start3A_25 : memref<520x128xf32, #tpu.memory_space<vmem_shared>>) target_semaphore(%run_scoped3A : memref<!tpu.dma_semaphore, #tpu.memory_space<semaphore_mem>>)
        %dma_wait3A = arith.constant 9480 : i32
        %dma_wait3A_29 = arith.constant 0 : i32
        %dma_wait3A_30 = tpu.memref_slice %arg11[%dma_wait3A, %dma_wait3A_29] : memref<10008x128xf32, #tpu.memory_space<vmem_shared>> -> memref<520x128xf32, #tpu.memory_space<vmem_shared>>
        %dma_wait3A_31 = arith.constant 9480 : i32
        %dma_wait3A_32 = arith.constant 0 : i32
        %dma_wait3A_33 = tpu.memref_slice %arg2[%dma_wait3A_31, %dma_wait3A_32] : memref<10000x128xf32, #tpu.memory_space<hbm>> -> memref<520x128xf32, #tpu.memory_space<hbm>>
        tpu.wait_dma2 semaphore(%run_scoped3A : memref<!tpu.dma_semaphore, #tpu.memory_space<semaphore_mem>>) src(%dma_wait3A_33 : memref<520x128xf32, #tpu.memory_space<hbm>>) dst(%dma_wait3A_30 : memref<520x128xf32, #tpu.memory_space<vmem_shared>>)
        tpu.yield
      }) : () -> ()
    } else {
    }
    %barrier3A = arith.constant 0 : index
    tpu.barrier barrier_id(%barrier3A)
    %scan3A = arith.constant 0 : i32
    %scan3A_9 = arith.constant 3 : i32
    %scan3A_10 = arith.addi %scan3A, %scan3A_9 : i32
    %scan3A_11 = arith.constant 1 : i32
    scf.for %scan3A_24 = %scan3A to %scan3A_10 step %scan3A_11  : i32 {
      %mul3A_25 = arith.constant 1 : i32
      %mul3A_26 = arith.muli %scan3A_24, %mul3A_25 : i32
      %add3A_27 = arith.constant 0 : i32
      %add3A_28 = arith.addi %add3A_27, %mul3A_26 : i32
      "tpu.region"() ({
        %run_scoped3A = tpu.sem_alloc : memref<!tpu.dma_semaphore, #tpu.memory_space<semaphore_mem>>
        %dma_start3A_110 = arith.constant 0 : i32
        %dma_start3A_111 = arith.constant 0 : i32
        %dma_start3A_112 = tpu.memref_slice %arg3[%add3A, %add3A_28, %dma_start3A_110, %dma_start3A_111] : memref<32x3x42x80xi32, #tpu.memory_space<hbm>> -> memref<1x1x42x80xi32, #tpu.memory_space<hbm>>
        %dma_start3A_113 = tpu.memref_squeeze %dma_start3A_112 : memref<1x1x42x80xi32, #tpu.memory_space<hbm>> -> memref<42x80xi32, #tpu.memory_space<hbm>>
        %dma_start3A_114 = arith.constant 0 : i32
        %dma_start3A_115 = arith.constant 0 : i32
        %dma_start3A_116 = tpu.memref_slice %arg3[%add3A, %add3A_28, %dma_start3A_114, %dma_start3A_115] : memref<32x3x42x80xi32, #tpu.memory_space<hbm>> -> memref<1x1x42x80xi32, #tpu.memory_space<hbm>>
        %dma_start3A_117 = tpu.memref_squeeze %dma_start3A_116 : memref<1x1x42x80xi32, #tpu.memory_space<hbm>> -> memref<42x80xi32, #tpu.memory_space<hbm>>
        tpu.enqueue_dma source(%dma_start3A_117 : memref<42x80xi32, #tpu.memory_space<hbm>>) target(%arg6 : memref<42x80xi32, #tpu.memory_space<vmem>>) target_semaphore(%run_scoped3A : memref<!tpu.dma_semaphore, #tpu.memory_space<semaphore_mem>>)
        %dma_wait3A_118 = arith.constant 0 : i32
        %dma_wait3A_119 = arith.constant 0 : i32
        %dma_wait3A_120 = tpu.memref_slice %arg3[%add3A, %add3A_28, %dma_wait3A_118, %dma_wait3A_119] : memref<32x3x42x80xi32, #tpu.memory_space<hbm>> -> memref<1x1x42x80xi32, #tpu.memory_space<hbm>>
        %dma_wait3A_121 = tpu.memref_squeeze %dma_wait3A_120 : memref<1x1x42x80xi32, #tpu.memory_space<hbm>> -> memref<42x80xi32, #tpu.memory_space<hbm>>
        %dma_wait3A_122 = arith.constant 0 : i32
        %dma_wait3A_123 = arith.constant 0 : i32
        %dma_wait3A_124 = tpu.memref_slice %arg3[%add3A, %add3A_28, %dma_wait3A_122, %dma_wait3A_123] : memref<32x3x42x80xi32, #tpu.memory_space<hbm>> -> memref<1x1x42x80xi32, #tpu.memory_space<hbm>>
        %dma_wait3A_125 = tpu.memref_squeeze %dma_wait3A_124 : memref<1x1x42x80xi32, #tpu.memory_space<hbm>> -> memref<42x80xi32, #tpu.memory_space<hbm>>
        tpu.wait_dma2 semaphore(%run_scoped3A : memref<!tpu.dma_semaphore, #tpu.memory_space<semaphore_mem>>) src(%dma_wait3A_125 : memref<42x80xi32, #tpu.memory_space<hbm>>) dst(%arg6 : memref<42x80xi32, #tpu.memory_space<vmem>>)
        tpu.yield
      }) : () -> ()
      "tpu.region"() ({
        %run_scoped3A = tpu.sem_alloc : memref<!tpu.dma_semaphore, #tpu.memory_space<semaphore_mem>>
        %dma_start3A_110 = arith.constant 0 : i32
        %dma_start3A_111 = arith.constant 0 : i32
        %dma_start3A_112 = tpu.memref_slice %arg4[%add3A, %add3A_28, %dma_start3A_110, %dma_start3A_111] : memref<32x3x42x80xi32, #tpu.memory_space<hbm>> -> memref<1x1x42x80xi32, #tpu.memory_space<hbm>>
        %dma_start3A_113 = tpu.memref_squeeze %dma_start3A_112 : memref<1x1x42x80xi32, #tpu.memory_space<hbm>> -> memref<42x80xi32, #tpu.memory_space<hbm>>
        %dma_start3A_114 = arith.constant 0 : i32
        %dma_start3A_115 = arith.constant 0 : i32
        %dma_start3A_116 = tpu.memref_slice %arg4[%add3A, %add3A_28, %dma_start3A_114, %dma_start3A_115] : memref<32x3x42x80xi32, #tpu.memory_space<hbm>> -> memref<1x1x42x80xi32, #tpu.memory_space<hbm>>
        %dma_start3A_117 = tpu.memref_squeeze %dma_start3A_116 : memref<1x1x42x80xi32, #tpu.memory_space<hbm>> -> memref<42x80xi32, #tpu.memory_space<hbm>>
        tpu.enqueue_dma source(%dma_start3A_117 : memref<42x80xi32, #tpu.memory_space<hbm>>) target(%arg7 : memref<42x80xi32, #tpu.memory_space<vmem>>) target_semaphore(%run_scoped3A : memref<!tpu.dma_semaphore, #tpu.memory_space<semaphore_mem>>)
        %dma_wait3A_118 = arith.constant 0 : i32
        %dma_wait3A_119 = arith.constant 0 : i32
        %dma_wait3A_120 = tpu.memref_slice %arg4[%add3A, %add3A_28, %dma_wait3A_118, %dma_wait3A_119] : memref<32x3x42x80xi32, #tpu.memory_space<hbm>> -> memref<1x1x42x80xi32, #tpu.memory_space<hbm>>
        %dma_wait3A_121 = tpu.memref_squeeze %dma_wait3A_120 : memref<1x1x42x80xi32, #tpu.memory_space<hbm>> -> memref<42x80xi32, #tpu.memory_space<hbm>>
        %dma_wait3A_122 = arith.constant 0 : i32
        %dma_wait3A_123 = arith.constant 0 : i32
        %dma_wait3A_124 = tpu.memref_slice %arg4[%add3A, %add3A_28, %dma_wait3A_122, %dma_wait3A_123] : memref<32x3x42x80xi32, #tpu.memory_space<hbm>> -> memref<1x1x42x80xi32, #tpu.memory_space<hbm>>
        %dma_wait3A_125 = tpu.memref_squeeze %dma_wait3A_124 : memref<1x1x42x80xi32, #tpu.memory_space<hbm>> -> memref<42x80xi32, #tpu.memory_space<hbm>>
        tpu.wait_dma2 semaphore(%run_scoped3A : memref<!tpu.dma_semaphore, #tpu.memory_space<semaphore_mem>>) src(%dma_wait3A_125 : memref<42x80xi32, #tpu.memory_space<hbm>>) dst(%arg7 : memref<42x80xi32, #tpu.memory_space<vmem>>)
        tpu.yield
      }) : () -> ()
      %dma_start3A = arith.constant 0 : i32
      %dma_start3A_29 = arith.constant 0 : i32
      %dma_start3A_30 = tpu.memref_slice %arg6[%dma_start3A, %dma_start3A_29] : memref<42x80xi32, #tpu.memory_space<vmem>> -> memref<1x80xi32, #tpu.memory_space<vmem>>
      %dma_start3A_31 = tpu.memref_squeeze %dma_start3A_30 : memref<1x80xi32, #tpu.memory_space<vmem>> -> memref<80xi32, #tpu.memory_space<vmem>>
      %dma_start3A_32 = arith.constant 0 : i32
      %dma_start3A_33 = arith.constant 0 : i32
      %dma_start3A_34 = tpu.memref_slice %arg2[%dma_start3A_32, %dma_start3A_33] : memref<10000x128xf32, #tpu.memory_space<hbm>> -> memref<10000x128xf32, #tpu.memory_space<hbm>>
      tpu.enqueue_indirect_dma source(%dma_start3A_34 : memref<10000x128xf32, #tpu.memory_space<hbm>>) target(%arg8 : memref<80x128xf32, #tpu.memory_space<vmem>>) offsets(%dma_start3A_31 : memref<80xi32, #tpu.memory_space<vmem>>) semaphore(%arg12 : memref<!tpu.dma_semaphore, #tpu.memory_space<semaphore_mem>>)
      %dma_start3A_35 = arith.constant 1 : i32
      %dma_start3A_36 = arith.constant 0 : i32
      %dma_start3A_37 = tpu.memref_slice %arg6[%dma_start3A_35, %dma_start3A_36] : memref<42x80xi32, #tpu.memory_space<vmem>> -> memref<1x80xi32, #tpu.memory_space<vmem>>
      %dma_start3A_38 = tpu.memref_squeeze %dma_start3A_37 : memref<1x80xi32, #tpu.memory_space<vmem>> -> memref<80xi32, #tpu.memory_space<vmem>>
      %dma_start3A_39 = arith.constant 0 : i32
      %dma_start3A_40 = arith.constant 0 : i32
      %dma_start3A_41 = tpu.memref_slice %arg2[%dma_start3A_39, %dma_start3A_40] : memref<10000x128xf32, #tpu.memory_space<hbm>> -> memref<10000x128xf32, #tpu.memory_space<hbm>>
      tpu.enqueue_indirect_dma source(%dma_start3A_41 : memref<10000x128xf32, #tpu.memory_space<hbm>>) target(%arg9 : memref<80x128xf32, #tpu.memory_space<vmem>>) offsets(%dma_start3A_38 : memref<80xi32, #tpu.memory_space<vmem>>) semaphore(%arg13 : memref<!tpu.dma_semaphore, #tpu.memory_space<semaphore_mem>>)
      %dma_wait3A = arith.constant 0 : i32
      %dma_wait3A_42 = arith.constant 0 : i32
      %dma_wait3A_43 = tpu.memref_slice %arg2[%dma_wait3A, %dma_wait3A_42] : memref<10000x128xf32, #tpu.memory_space<hbm>> -> memref<80x128xf32, #tpu.memory_space<hbm>>
      %dma_wait3A_44 = arith.constant 0 : i32
      %dma_wait3A_45 = arith.constant 0 : i32
      %dma_wait3A_46 = tpu.memref_slice %arg2[%dma_wait3A_44, %dma_wait3A_45] : memref<10000x128xf32, #tpu.memory_space<hbm>> -> memref<80x128xf32, #tpu.memory_space<hbm>>
      tpu.wait_dma2 semaphore(%arg12 : memref<!tpu.dma_semaphore, #tpu.memory_space<semaphore_mem>>) src(%dma_wait3A_46 : memref<80x128xf32, #tpu.memory_space<hbm>>) dst(%arg8 : memref<80x128xf32, #tpu.memory_space<vmem>>)
      %dma_start3A_47 = arith.constant 0 : i32
      %dma_start3A_48 = arith.constant 0 : i32
      %dma_start3A_49 = tpu.memref_slice %arg7[%dma_start3A_47, %dma_start3A_48] : memref<42x80xi32, #tpu.memory_space<vmem>> -> memref<1x80xi32, #tpu.memory_space<vmem>>
      %dma_start3A_50 = tpu.memref_squeeze %dma_start3A_49 : memref<1x80xi32, #tpu.memory_space<vmem>> -> memref<80xi32, #tpu.memory_space<vmem>>
      %dma_start3A_51 = arith.constant 0 : i32
      %dma_start3A_52 = arith.constant 0 : i32
      %dma_start3A_53 = tpu.memref_slice %arg11[%dma_start3A_51, %dma_start3A_52] : memref<10008x128xf32, #tpu.memory_space<vmem_shared>> -> memref<10008x128xf32, #tpu.memory_space<vmem_shared>>
      tpu.enqueue_indirect_dma source(%arg8 : memref<80x128xf32, #tpu.memory_space<vmem>>) target(%dma_start3A_53 : memref<10008x128xf32, #tpu.memory_space<vmem_shared>>) offsets(%dma_start3A_50 : memref<80xi32, #tpu.memory_space<vmem>>) semaphore(%arg15 : memref<!tpu.dma_semaphore, #tpu.memory_space<semaphore_mem>>) {add = true}
      %dma_start3A_54 = arith.constant 2 : i32
      %dma_start3A_55 = arith.constant 0 : i32
      %dma_start3A_56 = tpu.memref_slice %arg6[%dma_start3A_54, %dma_start3A_55] : memref<42x80xi32, #tpu.memory_space<vmem>> -> memref<1x80xi32, #tpu.memory_space<vmem>>
      %dma_start3A_57 = tpu.memref_squeeze %dma_start3A_56 : memref<1x80xi32, #tpu.memory_space<vmem>> -> memref<80xi32, #tpu.memory_space<vmem>>
      %dma_start3A_58 = arith.constant 0 : i32
      %dma_start3A_59 = arith.constant 0 : i32
      %dma_start3A_60 = tpu.memref_slice %arg2[%dma_start3A_58, %dma_start3A_59] : memref<10000x128xf32, #tpu.memory_space<hbm>> -> memref<10000x128xf32, #tpu.memory_space<hbm>>
      tpu.enqueue_indirect_dma source(%dma_start3A_60 : memref<10000x128xf32, #tpu.memory_space<hbm>>) target(%arg10 : memref<80x128xf32, #tpu.memory_space<vmem>>) offsets(%dma_start3A_57 : memref<80xi32, #tpu.memory_space<vmem>>) semaphore(%arg14 : memref<!tpu.dma_semaphore, #tpu.memory_space<semaphore_mem>>)
      %scan3A_61 = arith.constant 0 : i32
      %scan3A_62 = arith.constant 13 : i32
      %scan3A_63 = arith.addi %scan3A_61, %scan3A_62 : i32
      %scan3A_64 = arith.constant 1 : i32
      scf.for %scan3A_110 = %scan3A_61 to %scan3A_63 step %scan3A_64  : i32 {
        %mul3A_111 = arith.constant 1 : i32
        %mul3A_112 = arith.muli %scan3A_110, %mul3A_111 : i32
        %add3A_113 = arith.constant 0 : i32
        %add3A_114 = arith.addi %add3A_113, %mul3A_112 : i32
        %mul3A_115 = arith.constant 3 : i32
        %mul3A_116 = arith.muli %mul3A_115, %add3A_114 : i32
        %add3A_117 = arith.constant 1 : i32
        %add3A_118 = arith.addi %mul3A_116, %add3A_117 : i32
        %add3A_119 = arith.constant 0 : i32
        %add3A_120 = arith.addi %add3A_118, %add3A_119 : i32
        %dma_wait3A_121 = arith.constant 0 : i32
        %dma_wait3A_122 = arith.constant 0 : i32
        %dma_wait3A_123 = tpu.memref_slice %arg2[%dma_wait3A_121, %dma_wait3A_122] : memref<10000x128xf32, #tpu.memory_space<hbm>> -> memref<80x128xf32, #tpu.memory_space<hbm>>
        %dma_wait3A_124 = arith.constant 0 : i32
        %dma_wait3A_125 = arith.constant 0 : i32
        %dma_wait3A_126 = tpu.memref_slice %arg2[%dma_wait3A_124, %dma_wait3A_125] : memref<10000x128xf32, #tpu.memory_space<hbm>> -> memref<80x128xf32, #tpu.memory_space<hbm>>
        tpu.wait_dma2 semaphore(%arg13 : memref<!tpu.dma_semaphore, #tpu.memory_space<semaphore_mem>>) src(%dma_wait3A_126 : memref<80x128xf32, #tpu.memory_space<hbm>>) dst(%arg9 : memref<80x128xf32, #tpu.memory_space<vmem>>)
        %dma_start3A_127 = arith.constant 0 : i32
        %dma_start3A_128 = tpu.memref_slice %arg7[%add3A_120, %dma_start3A_127] : memref<42x80xi32, #tpu.memory_space<vmem>> -> memref<1x80xi32, #tpu.memory_space<vmem>>
        %dma_start3A_129 = tpu.memref_squeeze %dma_start3A_128 : memref<1x80xi32, #tpu.memory_space<vmem>> -> memref<80xi32, #tpu.memory_space<vmem>>
        %dma_start3A_130 = arith.constant 0 : i32
        %dma_start3A_131 = arith.constant 0 : i32
        %dma_start3A_132 = tpu.memref_slice %arg11[%dma_start3A_130, %dma_start3A_131] : memref<10008x128xf32, #tpu.memory_space<vmem_shared>> -> memref<10008x128xf32, #tpu.memory_space<vmem_shared>>
        tpu.enqueue_indirect_dma source(%arg9 : memref<80x128xf32, #tpu.memory_space<vmem>>) target(%dma_start3A_132 : memref<10008x128xf32, #tpu.memory_space<vmem_shared>>) offsets(%dma_start3A_129 : memref<80xi32, #tpu.memory_space<vmem>>) semaphore(%arg16 : memref<!tpu.dma_semaphore, #tpu.memory_space<semaphore_mem>>) {add = true}
        %dma_wait3A_133 = arith.constant 0 : i32
        %dma_wait3A_134 = arith.constant 0 : i32
        %dma_wait3A_135 = tpu.memref_slice %arg11[%dma_wait3A_133, %dma_wait3A_134] : memref<10008x128xf32, #tpu.memory_space<vmem_shared>> -> memref<80x128xf32, #tpu.memory_space<vmem_shared>>
        %dma_wait3A_136 = arith.constant 0 : i32
        %dma_wait3A_137 = arith.constant 0 : i32
        %dma_wait3A_138 = tpu.memref_slice %arg11[%dma_wait3A_136, %dma_wait3A_137] : memref<10008x128xf32, #tpu.memory_space<vmem_shared>> -> memref<80x128xf32, #tpu.memory_space<vmem_shared>>
        tpu.wait_dma2 semaphore(%arg15 : memref<!tpu.dma_semaphore, #tpu.memory_space<semaphore_mem>>) src(%arg8 : memref<80x128xf32, #tpu.memory_space<vmem>>) dst(%dma_wait3A_138 : memref<80x128xf32, #tpu.memory_space<vmem_shared>>)
        %add3A_139 = arith.constant 3 : i32
        %add3A_140 = arith.addi %add3A_120, %add3A_139 : i32
        %sub3A = arith.constant 1 : i32
        %sub3A_141 = arith.subi %add3A_140, %sub3A : i32
        %dma_start3A_142 = arith.constant 0 : i32
        %dma_start3A_143 = tpu.memref_slice %arg6[%sub3A_141, %dma_start3A_142] : memref<42x80xi32, #tpu.memory_space<vmem>> -> memref<1x80xi32, #tpu.memory_space<vmem>>
        %dma_start3A_144 = tpu.memref_squeeze %dma_start3A_143 : memref<1x80xi32, #tpu.memory_space<vmem>> -> memref<80xi32, #tpu.memory_space<vmem>>
        %dma_start3A_145 = arith.constant 0 : i32
        %dma_start3A_146 = arith.constant 0 : i32
        %dma_start3A_147 = tpu.memref_slice %arg2[%dma_start3A_145, %dma_start3A_146] : memref<10000x128xf32, #tpu.memory_space<hbm>> -> memref<10000x128xf32, #tpu.memory_space<hbm>>
        tpu.enqueue_indirect_dma source(%dma_start3A_147 : memref<10000x128xf32, #tpu.memory_space<hbm>>) target(%arg8 : memref<80x128xf32, #tpu.memory_space<vmem>>) offsets(%dma_start3A_144 : memref<80xi32, #tpu.memory_space<vmem>>) semaphore(%arg12 : memref<!tpu.dma_semaphore, #tpu.memory_space<semaphore_mem>>)
        %mul3A_148 = arith.constant 3 : i32
        %mul3A_149 = arith.muli %mul3A_148, %add3A_114 : i32
        %add3A_150 = arith.constant 1 : i32
        %add3A_151 = arith.addi %mul3A_149, %add3A_150 : i32
        %add3A_152 = arith.constant 1 : i32
        %add3A_153 = arith.addi %add3A_151, %add3A_152 : i32
        %dma_wait3A_154 = arith.constant 0 : i32
        %dma_wait3A_155 = arith.constant 0 : i32
        %dma_wait3A_156 = tpu.memref_slice %arg2[%dma_wait3A_154, %dma_wait3A_155] : memref<10000x128xf32, #tpu.memory_space<hbm>> -> memref<80x128xf32, #tpu.memory_space<hbm>>
        %dma_wait3A_157 = arith.constant 0 : i32
        %dma_wait3A_158 = arith.constant 0 : i32
        %dma_wait3A_159 = tpu.memref_slice %arg2[%dma_wait3A_157, %dma_wait3A_158] : memref<10000x128xf32, #tpu.memory_space<hbm>> -> memref<80x128xf32, #tpu.memory_space<hbm>>
        tpu.wait_dma2 semaphore(%arg14 : memref<!tpu.dma_semaphore, #tpu.memory_space<semaphore_mem>>) src(%dma_wait3A_159 : memref<80x128xf32, #tpu.memory_space<hbm>>) dst(%arg10 : memref<80x128xf32, #tpu.memory_space<vmem>>)
        %dma_start3A_160 = arith.constant 0 : i32
        %dma_start3A_161 = tpu.memref_slice %arg7[%add3A_153, %dma_start3A_160] : memref<42x80xi32, #tpu.memory_space<vmem>> -> memref<1x80xi32, #tpu.memory_space<vmem>>
        %dma_start3A_162 = tpu.memref_squeeze %dma_start3A_161 : memref<1x80xi32, #tpu.memory_space<vmem>> -> memref<80xi32, #tpu.memory_space<vmem>>
        %dma_start3A_163 = arith.constant 0 : i32
        %dma_start3A_164 = arith.constant 0 : i32
        %dma_start3A_165 = tpu.memref_slice %arg11[%dma_start3A_163, %dma_start3A_164] : memref<10008x128xf32, #tpu.memory_space<vmem_shared>> -> memref<10008x128xf32, #tpu.memory_space<vmem_shared>>
        tpu.enqueue_indirect_dma source(%arg10 : memref<80x128xf32, #tpu.memory_space<vmem>>) target(%dma_start3A_165 : memref<10008x128xf32, #tpu.memory_space<vmem_shared>>) offsets(%dma_start3A_162 : memref<80xi32, #tpu.memory_space<vmem>>) semaphore(%arg17 : memref<!tpu.dma_semaphore, #tpu.memory_space<semaphore_mem>>) {add = true}
        %dma_wait3A_166 = arith.constant 0 : i32
        %dma_wait3A_167 = arith.constant 0 : i32
        %dma_wait3A_168 = tpu.memref_slice %arg11[%dma_wait3A_166, %dma_wait3A_167] : memref<10008x128xf32, #tpu.memory_space<vmem_shared>> -> memref<80x128xf32, #tpu.memory_space<vmem_shared>>
        %dma_wait3A_169 = arith.constant 0 : i32
        %dma_wait3A_170 = arith.constant 0 : i32
        %dma_wait3A_171 = tpu.memref_slice %arg11[%dma_wait3A_169, %dma_wait3A_170] : memref<10008x128xf32, #tpu.memory_space<vmem_shared>> -> memref<80x128xf32, #tpu.memory_space<vmem_shared>>
        tpu.wait_dma2 semaphore(%arg16 : memref<!tpu.dma_semaphore, #tpu.memory_space<semaphore_mem>>) src(%arg9 : memref<80x128xf32, #tpu.memory_space<vmem>>) dst(%dma_wait3A_171 : memref<80x128xf32, #tpu.memory_space<vmem_shared>>)
        %add3A_172 = arith.constant 3 : i32
        %add3A_173 = arith.addi %add3A_153, %add3A_172 : i32
        %sub3A_174 = arith.constant 1 : i32
        %sub3A_175 = arith.subi %add3A_173, %sub3A_174 : i32
        %dma_start3A_176 = arith.constant 0 : i32
        %dma_start3A_177 = tpu.memref_slice %arg6[%sub3A_175, %dma_start3A_176] : memref<42x80xi32, #tpu.memory_space<vmem>> -> memref<1x80xi32, #tpu.memory_space<vmem>>
        %dma_start3A_178 = tpu.memref_squeeze %dma_start3A_177 : memref<1x80xi32, #tpu.memory_space<vmem>> -> memref<80xi32, #tpu.memory_space<vmem>>
        %dma_start3A_179 = arith.constant 0 : i32
        %dma_start3A_180 = arith.constant 0 : i32
        %dma_start3A_181 = tpu.memref_slice %arg2[%dma_start3A_179, %dma_start3A_180] : memref<10000x128xf32, #tpu.memory_space<hbm>> -> memref<10000x128xf32, #tpu.memory_space<hbm>>
        tpu.enqueue_indirect_dma source(%dma_start3A_181 : memref<10000x128xf32, #tpu.memory_space<hbm>>) target(%arg9 : memref<80x128xf32, #tpu.memory_space<vmem>>) offsets(%dma_start3A_178 : memref<80xi32, #tpu.memory_space<vmem>>) semaphore(%arg13 : memref<!tpu.dma_semaphore, #tpu.memory_space<semaphore_mem>>)
        %mul3A_182 = arith.constant 3 : i32
        %mul3A_183 = arith.muli %mul3A_182, %add3A_114 : i32
        %add3A_184 = arith.constant 1 : i32
        %add3A_185 = arith.addi %mul3A_183, %add3A_184 : i32
        %add3A_186 = arith.constant 2 : i32
        %add3A_187 = arith.addi %add3A_185, %add3A_186 : i32
        %dma_wait3A_188 = arith.constant 0 : i32
        %dma_wait3A_189 = arith.constant 0 : i32
        %dma_wait3A_190 = tpu.memref_slice %arg2[%dma_wait3A_188, %dma_wait3A_189] : memref<10000x128xf32, #tpu.memory_space<hbm>> -> memref<80x128xf32, #tpu.memory_space<hbm>>
        %dma_wait3A_191 = arith.constant 0 : i32
        %dma_wait3A_192 = arith.constant 0 : i32
        %dma_wait3A_193 = tpu.memref_slice %arg2[%dma_wait3A_191, %dma_wait3A_192] : memref<10000x128xf32, #tpu.memory_space<hbm>> -> memref<80x128xf32, #tpu.memory_space<hbm>>
        tpu.wait_dma2 semaphore(%arg12 : memref<!tpu.dma_semaphore, #tpu.memory_space<semaphore_mem>>) src(%dma_wait3A_193 : memref<80x128xf32, #tpu.memory_space<hbm>>) dst(%arg8 : memref<80x128xf32, #tpu.memory_space<vmem>>)
        %dma_start3A_194 = arith.constant 0 : i32
        %dma_start3A_195 = tpu.memref_slice %arg7[%add3A_187, %dma_start3A_194] : memref<42x80xi32, #tpu.memory_space<vmem>> -> memref<1x80xi32, #tpu.memory_space<vmem>>
        %dma_start3A_196 = tpu.memref_squeeze %dma_start3A_195 : memref<1x80xi32, #tpu.memory_space<vmem>> -> memref<80xi32, #tpu.memory_space<vmem>>
        %dma_start3A_197 = arith.constant 0 : i32
        %dma_start3A_198 = arith.constant 0 : i32
        %dma_start3A_199 = tpu.memref_slice %arg11[%dma_start3A_197, %dma_start3A_198] : memref<10008x128xf32, #tpu.memory_space<vmem_shared>> -> memref<10008x128xf32, #tpu.memory_space<vmem_shared>>
        tpu.enqueue_indirect_dma source(%arg8 : memref<80x128xf32, #tpu.memory_space<vmem>>) target(%dma_start3A_199 : memref<10008x128xf32, #tpu.memory_space<vmem_shared>>) offsets(%dma_start3A_196 : memref<80xi32, #tpu.memory_space<vmem>>) semaphore(%arg15 : memref<!tpu.dma_semaphore, #tpu.memory_space<semaphore_mem>>) {add = true}
        %dma_wait3A_200 = arith.constant 0 : i32
        %dma_wait3A_201 = arith.constant 0 : i32
        %dma_wait3A_202 = tpu.memref_slice %arg11[%dma_wait3A_200, %dma_wait3A_201] : memref<10008x128xf32, #tpu.memory_space<vmem_shared>> -> memref<80x128xf32, #tpu.memory_space<vmem_shared>>
        %dma_wait3A_203 = arith.constant 0 : i32
        %dma_wait3A_204 = arith.constant 0 : i32
        %dma_wait3A_205 = tpu.memref_slice %arg11[%dma_wait3A_203, %dma_wait3A_204] : memref<10008x128xf32, #tpu.memory_space<vmem_shared>> -> memref<80x128xf32, #tpu.memory_space<vmem_shared>>
        tpu.wait_dma2 semaphore(%arg17 : memref<!tpu.dma_semaphore, #tpu.memory_space<semaphore_mem>>) src(%arg10 : memref<80x128xf32, #tpu.memory_space<vmem>>) dst(%dma_wait3A_205 : memref<80x128xf32, #tpu.memory_space<vmem_shared>>)
        %add3A_206 = arith.constant 3 : i32
        %add3A_207 = arith.addi %add3A_187, %add3A_206 : i32
        %sub3A_208 = arith.constant 1 : i32
        %sub3A_209 = arith.subi %add3A_207, %sub3A_208 : i32
        %dma_start3A_210 = arith.constant 0 : i32
        %dma_start3A_211 = tpu.memref_slice %arg6[%sub3A_209, %dma_start3A_210] : memref<42x80xi32, #tpu.memory_space<vmem>> -> memref<1x80xi32, #tpu.memory_space<vmem>>
        %dma_start3A_212 = tpu.memref_squeeze %dma_start3A_211 : memref<1x80xi32, #tpu.memory_space<vmem>> -> memref<80xi32, #tpu.memory_space<vmem>>
        %dma_start3A_213 = arith.constant 0 : i32
        %dma_start3A_214 = arith.constant 0 : i32
        %dma_start3A_215 = tpu.memref_slice %arg2[%dma_start3A_213, %dma_start3A_214] : memref<10000x128xf32, #tpu.memory_space<hbm>> -> memref<10000x128xf32, #tpu.memory_space<hbm>>
        tpu.enqueue_indirect_dma source(%dma_start3A_215 : memref<10000x128xf32, #tpu.memory_space<hbm>>) target(%arg10 : memref<80x128xf32, #tpu.memory_space<vmem>>) offsets(%dma_start3A_212 : memref<80xi32, #tpu.memory_space<vmem>>) semaphore(%arg14 : memref<!tpu.dma_semaphore, #tpu.memory_space<semaphore_mem>>)
      }
      %scan3A_65 = arith.constant 13 : i32
      %dma_wait3A_66 = arith.constant 0 : i32
      %dma_wait3A_67 = arith.constant 0 : i32
      %dma_wait3A_68 = tpu.memref_slice %arg2[%dma_wait3A_66, %dma_wait3A_67] : memref<10000x128xf32, #tpu.memory_space<hbm>> -> memref<80x128xf32, #tpu.memory_space<hbm>>
      %dma_wait3A_69 = arith.constant 0 : i32
      %dma_wait3A_70 = arith.constant 0 : i32
      %dma_wait3A_71 = tpu.memref_slice %arg2[%dma_wait3A_69, %dma_wait3A_70] : memref<10000x128xf32, #tpu.memory_space<hbm>> -> memref<80x128xf32, #tpu.memory_space<hbm>>
      tpu.wait_dma2 semaphore(%arg13 : memref<!tpu.dma_semaphore, #tpu.memory_space<semaphore_mem>>) src(%dma_wait3A_71 : memref<80x128xf32, #tpu.memory_space<hbm>>) dst(%arg9 : memref<80x128xf32, #tpu.memory_space<vmem>>)
      %dma_start3A_72 = arith.constant 40 : i32
      %dma_start3A_73 = arith.constant 0 : i32
      %dma_start3A_74 = tpu.memref_slice %arg7[%dma_start3A_72, %dma_start3A_73] : memref<42x80xi32, #tpu.memory_space<vmem>> -> memref<1x80xi32, #tpu.memory_space<vmem>>
      %dma_start3A_75 = tpu.memref_squeeze %dma_start3A_74 : memref<1x80xi32, #tpu.memory_space<vmem>> -> memref<80xi32, #tpu.memory_space<vmem>>
      %dma_start3A_76 = arith.constant 0 : i32
      %dma_start3A_77 = arith.constant 0 : i32
      %dma_start3A_78 = tpu.memref_slice %arg11[%dma_start3A_76, %dma_start3A_77] : memref<10008x128xf32, #tpu.memory_space<vmem_shared>> -> memref<10008x128xf32, #tpu.memory_space<vmem_shared>>
      tpu.enqueue_indirect_dma source(%arg9 : memref<80x128xf32, #tpu.memory_space<vmem>>) target(%dma_start3A_78 : memref<10008x128xf32, #tpu.memory_space<vmem_shared>>) offsets(%dma_start3A_75 : memref<80xi32, #tpu.memory_space<vmem>>) semaphore(%arg16 : memref<!tpu.dma_semaphore, #tpu.memory_space<semaphore_mem>>) {add = true}
      %dma_wait3A_79 = arith.constant 0 : i32
      %dma_wait3A_80 = arith.constant 0 : i32
      %dma_wait3A_81 = tpu.memref_slice %arg2[%dma_wait3A_79, %dma_wait3A_80] : memref<10000x128xf32, #tpu.memory_space<hbm>> -> memref<80x128xf32, #tpu.memory_space<hbm>>
      %dma_wait3A_82 = arith.constant 0 : i32
      %dma_wait3A_83 = arith.constant 0 : i32
      %dma_wait3A_84 = tpu.memref_slice %arg2[%dma_wait3A_82, %dma_wait3A_83] : memref<10000x128xf32, #tpu.memory_space<hbm>> -> memref<80x128xf32, #tpu.memory_space<hbm>>
      tpu.wait_dma2 semaphore(%arg14 : memref<!tpu.dma_semaphore, #tpu.memory_space<semaphore_mem>>) src(%dma_wait3A_84 : memref<80x128xf32, #tpu.memory_space<hbm>>) dst(%arg10 : memref<80x128xf32, #tpu.memory_space<vmem>>)
      %dma_start3A_85 = arith.constant 41 : i32
      %dma_start3A_86 = arith.constant 0 : i32
      %dma_start3A_87 = tpu.memref_slice %arg7[%dma_start3A_85, %dma_start3A_86] : memref<42x80xi32, #tpu.memory_space<vmem>> -> memref<1x80xi32, #tpu.memory_space<vmem>>
      %dma_start3A_88 = tpu.memref_squeeze %dma_start3A_87 : memref<1x80xi32, #tpu.memory_space<vmem>> -> memref<80xi32, #tpu.memory_space<vmem>>
      %dma_start3A_89 = arith.constant 0 : i32
      %dma_start3A_90 = arith.constant 0 : i32
      %dma_start3A_91 = tpu.memref_slice %arg11[%dma_start3A_89, %dma_start3A_90] : memref<10008x128xf32, #tpu.memory_space<vmem_shared>> -> memref<10008x128xf32, #tpu.memory_space<vmem_shared>>
      tpu.enqueue_indirect_dma source(%arg10 : memref<80x128xf32, #tpu.memory_space<vmem>>) target(%dma_start3A_91 : memref<10008x128xf32, #tpu.memory_space<vmem_shared>>) offsets(%dma_start3A_88 : memref<80xi32, #tpu.memory_space<vmem>>) semaphore(%arg17 : memref<!tpu.dma_semaphore, #tpu.memory_space<semaphore_mem>>) {add = true}
      %dma_wait3A_92 = arith.constant 0 : i32
      %dma_wait3A_93 = arith.constant 0 : i32
      %dma_wait3A_94 = tpu.memref_slice %arg11[%dma_wait3A_92, %dma_wait3A_93] : memref<10008x128xf32, #tpu.memory_space<vmem_shared>> -> memref<80x128xf32, #tpu.memory_space<vmem_shared>>
      %dma_wait3A_95 = arith.constant 0 : i32
      %dma_wait3A_96 = arith.constant 0 : i32
      %dma_wait3A_97 = tpu.memref_slice %arg11[%dma_wait3A_95, %dma_wait3A_96] : memref<10008x128xf32, #tpu.memory_space<vmem_shared>> -> memref<80x128xf32, #tpu.memory_space<vmem_shared>>
      tpu.wait_dma2 semaphore(%arg15 : memref<!tpu.dma_semaphore, #tpu.memory_space<semaphore_mem>>) src(%arg8 : memref<80x128xf32, #tpu.memory_space<vmem>>) dst(%dma_wait3A_97 : memref<80x128xf32, #tpu.memory_space<vmem_shared>>)
      %dma_wait3A_98 = arith.constant 0 : i32
      %dma_wait3A_99 = arith.constant 0 : i32
      %dma_wait3A_100 = tpu.memref_slice %arg11[%dma_wait3A_98, %dma_wait3A_99] : memref<10008x128xf32, #tpu.memory_space<vmem_shared>> -> memref<80x128xf32, #tpu.memory_space<vmem_shared>>
      %dma_wait3A_101 = arith.constant 0 : i32
      %dma_wait3A_102 = arith.constant 0 : i32
      %dma_wait3A_103 = tpu.memref_slice %arg11[%dma_wait3A_101, %dma_wait3A_102] : memref<10008x128xf32, #tpu.memory_space<vmem_shared>> -> memref<80x128xf32, #tpu.memory_space<vmem_shared>>
      tpu.wait_dma2 semaphore(%arg16 : memref<!tpu.dma_semaphore, #tpu.memory_space<semaphore_mem>>) src(%arg9 : memref<80x128xf32, #tpu.memory_space<vmem>>) dst(%dma_wait3A_103 : memref<80x128xf32, #tpu.memory_space<vmem_shared>>)
      %dma_wait3A_104 = arith.constant 0 : i32
      %dma_wait3A_105 = arith.constant 0 : i32
      %dma_wait3A_106 = tpu.memref_slice %arg11[%dma_wait3A_104, %dma_wait3A_105] : memref<10008x128xf32, #tpu.memory_space<vmem_shared>> -> memref<80x128xf32, #tpu.memory_space<vmem_shared>>
      %dma_wait3A_107 = arith.constant 0 : i32
      %dma_wait3A_108 = arith.constant 0 : i32
      %dma_wait3A_109 = tpu.memref_slice %arg11[%dma_wait3A_107, %dma_wait3A_108] : memref<10008x128xf32, #tpu.memory_space<vmem_shared>> -> memref<80x128xf32, #tpu.memory_space<vmem_shared>>
      tpu.wait_dma2 semaphore(%arg17 : memref<!tpu.dma_semaphore, #tpu.memory_space<semaphore_mem>>) src(%arg10 : memref<80x128xf32, #tpu.memory_space<vmem>>) dst(%dma_wait3A_109 : memref<80x128xf32, #tpu.memory_space<vmem_shared>>)
    }
    %scan3A_12 = arith.constant 3 : i32
    %barrier3A_13 = arith.constant 0 : index
    tpu.barrier barrier_id(%barrier3A_13)
    %lt3A_14 = arith.constant 15 : i32
    %lt3A_15 = arith.cmpi slt, %arg1, %lt3A_14 : i32
    %convert_element_type3A_16 = arith.extui %lt3A_15 : i1 to i32
    %cond3A_17 = arith.constant 0 : i32
    %cond3A_18 = arith.cmpi ne, %convert_element_type3A_16, %cond3A_17 : i32
    scf.if %cond3A_18 {
      "tpu.region"() ({
        %run_scoped3A = tpu.sem_alloc : memref<!tpu.dma_semaphore, #tpu.memory_space<semaphore_mem>>
        %dma_start3A = arith.constant 0 : i32
        %dma_start3A_24 = tpu.memref_slice %arg5[%arg0, %multiple_of3A, %dma_start3A] : memref<2x10000x128xf32, #tpu.memory_space<hbm>> -> memref<1x632x128xf32, #tpu.memory_space<hbm>>
        %dma_start3A_25 = tpu.memref_squeeze %dma_start3A_24 : memref<1x632x128xf32, #tpu.memory_space<hbm>> -> memref<632x128xf32, #tpu.memory_space<hbm>>
        %dma_start3A_26 = arith.constant 0 : i32
        %dma_start3A_27 = tpu.memref_slice %arg11[%multiple_of3A, %dma_start3A_26] : memref<10008x128xf32, #tpu.memory_space<vmem_shared>> -> memref<632x128xf32, #tpu.memory_space<vmem_shared>>
        tpu.enqueue_dma source(%dma_start3A_27 : memref<632x128xf32, #tpu.memory_space<vmem_shared>>) target(%dma_start3A_25 : memref<632x128xf32, #tpu.memory_space<hbm>>) target_semaphore(%run_scoped3A : memref<!tpu.dma_semaphore, #tpu.memory_space<semaphore_mem>>)
        %dma_wait3A = arith.constant 0 : i32
        %dma_wait3A_28 = tpu.memref_slice %arg5[%arg0, %multiple_of3A, %dma_wait3A] : memref<2x10000x128xf32, #tpu.memory_space<hbm>> -> memref<1x632x128xf32, #tpu.memory_space<hbm>>
        %dma_wait3A_29 = tpu.memref_squeeze %dma_wait3A_28 : memref<1x632x128xf32, #tpu.memory_space<hbm>> -> memref<632x128xf32, #tpu.memory_space<hbm>>
        %dma_wait3A_30 = arith.constant 0 : i32
        %dma_wait3A_31 = tpu.memref_slice %arg11[%multiple_of3A, %dma_wait3A_30] : memref<10008x128xf32, #tpu.memory_space<vmem_shared>> -> memref<632x128xf32, #tpu.memory_space<vmem_shared>>
        tpu.wait_dma2 semaphore(%run_scoped3A : memref<!tpu.dma_semaphore, #tpu.memory_space<semaphore_mem>>) src(%dma_wait3A_31 : memref<632x128xf32, #tpu.memory_space<vmem_shared>>) dst(%dma_wait3A_29 : memref<632x128xf32, #tpu.memory_space<hbm>>)
        tpu.yield
      }) : () -> ()
    } else {
    }
    %eq3A_19 = arith.constant 15 : i32
    %eq3A_20 = arith.cmpi eq, %arg1, %eq3A_19 : i32
    %convert_element_type3A_21 = arith.extui %eq3A_20 : i1 to i32
    %cond3A_22 = arith.constant 0 : i32
    %cond3A_23 = arith.cmpi ne, %convert_element_type3A_21, %cond3A_22 : i32
    scf.if %cond3A_23 {
      "tpu.region"() ({
        %run_scoped3A = tpu.sem_alloc : memref<!tpu.dma_semaphore, #tpu.memory_space<semaphore_mem>>
        %dma_start3A = arith.constant 9480 : i32
        %dma_start3A_24 = arith.constant 0 : i32
        %dma_start3A_25 = tpu.memref_slice %arg5[%arg0, %dma_start3A, %dma_start3A_24] : memref<2x10000x128xf32, #tpu.memory_space<hbm>> -> memref<1x520x128xf32, #tpu.memory_space<hbm>>
        %dma_start3A_26 = tpu.memref_squeeze %dma_start3A_25 : memref<1x520x128xf32, #tpu.memory_space<hbm>> -> memref<520x128xf32, #tpu.memory_space<hbm>>
        %dma_start3A_27 = arith.constant 9480 : i32
        %dma_start3A_28 = arith.constant 0 : i32
        %dma_start3A_29 = tpu.memref_slice %arg11[%dma_start3A_27, %dma_start3A_28] : memref<10008x128xf32, #tpu.memory_space<vmem_shared>> -> memref<520x128xf32, #tpu.memory_space<vmem_shared>>
        tpu.enqueue_dma source(%dma_start3A_29 : memref<520x128xf32, #tpu.memory_space<vmem_shared>>) target(%dma_start3A_26 : memref<520x128xf32, #tpu.memory_space<hbm>>) target_semaphore(%run_scoped3A : memref<!tpu.dma_semaphore, #tpu.memory_space<semaphore_mem>>)
        %dma_wait3A = arith.constant 9480 : i32
        %dma_wait3A_30 = arith.constant 0 : i32
        %dma_wait3A_31 = tpu.memref_slice %arg5[%arg0, %dma_wait3A, %dma_wait3A_30] : memref<2x10000x128xf32, #tpu.memory_space<hbm>> -> memref<1x520x128xf32, #tpu.memory_space<hbm>>
        %dma_wait3A_32 = tpu.memref_squeeze %dma_wait3A_31 : memref<1x520x128xf32, #tpu.memory_space<hbm>> -> memref<520x128xf32, #tpu.memory_space<hbm>>
        %dma_wait3A_33 = arith.constant 9480 : i32
        %dma_wait3A_34 = arith.constant 0 : i32
        %dma_wait3A_35 = tpu.memref_slice %arg11[%dma_wait3A_33, %dma_wait3A_34] : memref<10008x128xf32, #tpu.memory_space<vmem_shared>> -> memref<520x128xf32, #tpu.memory_space<vmem_shared>>
        tpu.wait_dma2 semaphore(%run_scoped3A : memref<!tpu.dma_semaphore, #tpu.memory_space<semaphore_mem>>) src(%dma_wait3A_35 : memref<520x128xf32, #tpu.memory_space<vmem_shared>>) dst(%dma_wait3A_32 : memref<520x128xf32, #tpu.memory_space<hbm>>)
        tpu.yield
      }) : () -> ()
    } else {
    }
    return
  }
}

#map = affine_map<(d0, d1) -> (0, 0)>
module attributes {stable_mosaic.version = 14 : i64} {
  func.func @_deg_kernel(%arg0: i32, %arg1: i32, %arg2: memref<32x10000xi32, #tpu.memory_space<hbm>>, %arg3: memref<32x10000xf32, #tpu.memory_space<hbm>>, %arg4: memref<10000xi32, #tpu.memory_space<vmem>>, %arg5: memref<10000xf32, #tpu.memory_space<vmem>>) attributes {dimension_semantics = [#tpu.dimension_semantics<core_parallel>, #tpu.dimension_semantics<subcore_parallel>], iteration_bounds = array<i64: 2, 16>, scalar_prefetch = 0 : i64, scratch_operands = 2 : i64, tpu.core_type = #tpu.core_type<sc_vector_subcore>, window_params = [{transform_indices = #map}, {transform_indices = #map}]} {
    %mul3A = arith.constant 16 : i32
    %mul3A_0 = arith.muli %arg0, %mul3A : i32
    %add3A = arith.addi %mul3A_0, %arg1 : i32
    "tpu.region"() ({
      %run_scoped3A = tpu.sem_alloc : memref<!tpu.dma_semaphore, #tpu.memory_space<semaphore_mem>>
      %dma_start3A = arith.constant 0 : i32
      %dma_start3A_13 = tpu.memref_slice %arg2[%add3A, %dma_start3A] : memref<32x10000xi32, #tpu.memory_space<hbm>> -> memref<1x10000xi32, #tpu.memory_space<hbm>>
      %dma_start3A_14 = tpu.memref_squeeze %dma_start3A_13 : memref<1x10000xi32, #tpu.memory_space<hbm>> -> memref<10000xi32, #tpu.memory_space<hbm>>
      %dma_start3A_15 = arith.constant 0 : i32
      %dma_start3A_16 = tpu.memref_slice %arg2[%add3A, %dma_start3A_15] : memref<32x10000xi32, #tpu.memory_space<hbm>> -> memref<1x10000xi32, #tpu.memory_space<hbm>>
      %dma_start3A_17 = tpu.memref_squeeze %dma_start3A_16 : memref<1x10000xi32, #tpu.memory_space<hbm>> -> memref<10000xi32, #tpu.memory_space<hbm>>
      tpu.enqueue_dma source(%dma_start3A_17 : memref<10000xi32, #tpu.memory_space<hbm>>) target(%arg4 : memref<10000xi32, #tpu.memory_space<vmem>>) target_semaphore(%run_scoped3A : memref<!tpu.dma_semaphore, #tpu.memory_space<semaphore_mem>>)
      %dma_wait3A = arith.constant 0 : i32
      %dma_wait3A_18 = tpu.memref_slice %arg2[%add3A, %dma_wait3A] : memref<32x10000xi32, #tpu.memory_space<hbm>> -> memref<1x10000xi32, #tpu.memory_space<hbm>>
      %dma_wait3A_19 = tpu.memref_squeeze %dma_wait3A_18 : memref<1x10000xi32, #tpu.memory_space<hbm>> -> memref<10000xi32, #tpu.memory_space<hbm>>
      %dma_wait3A_20 = arith.constant 0 : i32
      %dma_wait3A_21 = tpu.memref_slice %arg2[%add3A, %dma_wait3A_20] : memref<32x10000xi32, #tpu.memory_space<hbm>> -> memref<1x10000xi32, #tpu.memory_space<hbm>>
      %dma_wait3A_22 = tpu.memref_squeeze %dma_wait3A_21 : memref<1x10000xi32, #tpu.memory_space<hbm>> -> memref<10000xi32, #tpu.memory_space<hbm>>
      tpu.wait_dma2 semaphore(%run_scoped3A : memref<!tpu.dma_semaphore, #tpu.memory_space<semaphore_mem>>) src(%dma_wait3A_22 : memref<10000xi32, #tpu.memory_space<hbm>>) dst(%arg4 : memref<10000xi32, #tpu.memory_space<vmem>>)
      tpu.yield
    }) : () -> ()
    %broadcast_in_dim3A = arith.constant 0.000000e+00 : f32
    %broadcast_in_dim3A_1 = vector.broadcast %broadcast_in_dim3A : f32 to vector<16xf32>
    %broadcast_in_dim3A_2 = arith.constant 1.000000e+00 : f32
    %broadcast_in_dim3A_3 = vector.broadcast %broadcast_in_dim3A_2 : f32 to vector<16xf32>
    %scan3A = arith.constant 0 : i32
    %scan3A_4 = arith.constant 625 : i32
    %scan3A_5 = arith.addi %scan3A, %scan3A_4 : i32
    %scan3A_6 = arith.constant 1 : i32
    scf.for %scan3A_13 = %scan3A to %scan3A_5 step %scan3A_6  : i32 {
      %mul3A_14 = arith.constant 1 : i32
      %mul3A_15 = arith.muli %scan3A_13, %mul3A_14 : i32
      %add3A_16 = arith.constant 0 : i32
      %add3A_17 = arith.addi %add3A_16, %mul3A_15 : i32
      %mul3A_18 = arith.constant 16 : i32
      %mul3A_19 = arith.muli %add3A_17, %mul3A_18 : i32
      %swap3A = arith.index_cast %mul3A_19 : i32 to index
      %swap3A_20 = tpu.vector_load %arg5[%swap3A] {strides = array<i32>} : memref<10000xf32, #tpu.memory_space<vmem>>, vector<16xf32>,
      tpu.vector_store %arg5[%swap3A], %broadcast_in_dim3A_1 {strides = array<i32>} : memref<10000xf32, #tpu.memory_space<vmem>>, vector<16xf32>,
    }
    %scan3A_7 = arith.constant 625 : i32
    %scan3A_8 = arith.constant 0 : i32
    %scan3A_9 = arith.constant 625 : i32
    %scan3A_10 = arith.addi %scan3A_8, %scan3A_9 : i32
    %scan3A_11 = arith.constant 1 : i32
    scf.for %scan3A_13 = %scan3A_8 to %scan3A_10 step %scan3A_11  : i32 {
      %mul3A_14 = arith.constant 1 : i32
      %mul3A_15 = arith.muli %scan3A_13, %mul3A_14 : i32
      %add3A_16 = arith.constant 0 : i32
      %add3A_17 = arith.addi %add3A_16, %mul3A_15 : i32
      %mul3A_18 = arith.constant 16 : i32
      %mul3A_19 = arith.muli %add3A_17, %mul3A_18 : i32
      %get3A = arith.index_cast %mul3A_19 : i32 to index
      %get3A_20 = tpu.vector_load %arg4[%get3A] {strides = array<i32>} : memref<10000xi32, #tpu.memory_space<vmem>>, vector<16xi32>,
      tpu.vector_store_idx %arg5[%get3A_20], %broadcast_in_dim3A_3 {add = true} : memref<10000xf32, #tpu.memory_space<vmem>>[vector<16xi32>], vector<16xf32>,
    }
    %scan3A_12 = arith.constant 625 : i32
    "tpu.region"() ({
      %run_scoped3A = tpu.sem_alloc : memref<!tpu.dma_semaphore, #tpu.memory_space<semaphore_mem>>
      %dma_start3A = arith.constant 0 : i32
      %dma_start3A_13 = tpu.memref_slice %arg3[%add3A, %dma_start3A] : memref<32x10000xf32, #tpu.memory_space<hbm>> -> memref<1x10000xf32, #tpu.memory_space<hbm>>
      %dma_start3A_14 = tpu.memref_squeeze %dma_start3A_13 : memref<1x10000xf32, #tpu.memory_space<hbm>> -> memref<10000xf32, #tpu.memory_space<hbm>>
      %dma_start3A_15 = arith.constant 0 : i32
      %dma_start3A_16 = tpu.memref_slice %arg3[%add3A, %dma_start3A_15] : memref<32x10000xf32, #tpu.memory_space<hbm>> -> memref<1x10000xf32, #tpu.memory_space<hbm>>
      %dma_start3A_17 = tpu.memref_squeeze %dma_start3A_16 : memref<1x10000xf32, #tpu.memory_space<hbm>> -> memref<10000xf32, #tpu.memory_space<hbm>>
      tpu.enqueue_dma source(%arg5 : memref<10000xf32, #tpu.memory_space<vmem>>) target(%dma_start3A_17 : memref<10000xf32, #tpu.memory_space<hbm>>) target_semaphore(%run_scoped3A : memref<!tpu.dma_semaphore, #tpu.memory_space<semaphore_mem>>)
      %dma_wait3A = arith.constant 0 : i32
      %dma_wait3A_18 = tpu.memref_slice %arg3[%add3A, %dma_wait3A] : memref<32x10000xf32, #tpu.memory_space<hbm>> -> memref<1x10000xf32, #tpu.memory_space<hbm>>
      %dma_wait3A_19 = tpu.memref_squeeze %dma_wait3A_18 : memref<1x10000xf32, #tpu.memory_space<hbm>> -> memref<10000xf32, #tpu.memory_space<hbm>>
      %dma_wait3A_20 = arith.constant 0 : i32
      %dma_wait3A_21 = tpu.memref_slice %arg3[%add3A, %dma_wait3A_20] : memref<32x10000xf32, #tpu.memory_space<hbm>> -> memref<1x10000xf32, #tpu.memory_space<hbm>>
      %dma_wait3A_22 = tpu.memref_squeeze %dma_wait3A_21 : memref<1x10000xf32, #tpu.memory_space<hbm>> -> memref<10000xf32, #tpu.memory_space<hbm>>
      tpu.wait_dma2 semaphore(%run_scoped3A : memref<!tpu.dma_semaphore, #tpu.memory_space<semaphore_mem>>) src(%arg5 : memref<10000xf32, #tpu.memory_space<vmem>>) dst(%dma_wait3A_22 : memref<10000xf32, #tpu.memory_space<hbm>>)
      tpu.yield
    }) : () -> ()
    return
  }
}

#map = affine_map<(d0, d1) -> (0, 0)>
#map1 = affine_map<(d0, d1) -> (0, 0, 0, 0)>
#map2 = affine_map<(d0, d1) -> (0, 0, 0)>
module attributes {stable_mosaic.version = 14 : i64} {
  func.func @_agg(%arg0: i32, %arg1: i32, %arg2: memref<10000x128xf32, #tpu.memory_space<hbm>>, %arg3: memref<32x3x42x80xi32, #tpu.memory_space<hbm>>, %arg4: memref<32x3x42x80xi32, #tpu.memory_space<hbm>>, %arg5: memref<2x10000x128xf32, #tpu.memory_space<hbm>>, %arg6: memref<42x80xi32, #tpu.memory_space<vmem>>, %arg7: memref<42x80xi32, #tpu.memory_space<vmem>>, %arg8: memref<80x128xf32, #tpu.memory_space<vmem>>, %arg9: memref<80x128xf32, #tpu.memory_space<vmem>>, %arg10: memref<80x128xf32, #tpu.memory_space<vmem>>, %arg11: memref<10008x128xf32, #tpu.memory_space<vmem_shared>>, %arg12: memref<!tpu.dma_semaphore, #tpu.memory_space<semaphore_mem>>, %arg13: memref<!tpu.dma_semaphore, #tpu.memory_space<semaphore_mem>>, %arg14: memref<!tpu.dma_semaphore, #tpu.memory_space<semaphore_mem>>, %arg15: memref<!tpu.dma_semaphore, #tpu.memory_space<semaphore_mem>>, %arg16: memref<!tpu.dma_semaphore, #tpu.memory_space<semaphore_mem>>, %arg17: memref<!tpu.dma_semaphore, #tpu.memory_space<semaphore_mem>>) attributes {dimension_semantics = [#tpu.dimension_semantics<core_parallel>, #tpu.dimension_semantics<subcore_parallel>], iteration_bounds = array<i64: 2, 16>, scalar_prefetch = 0 : i64, scratch_operands = 12 : i64, tpu.core_type = #tpu.core_type<sc_vector_subcore>, window_params = [{transform_indices = #map}, {transform_indices = #map1}, {transform_indices = #map1}, {transform_indices = #map2}]} {
    %mul3A = arith.constant 16 : i32
    %mul3A_0 = arith.muli %arg0, %mul3A : i32
    %add3A = arith.addi %mul3A_0, %arg1 : i32
    %mul3A_1 = arith.constant 632 : i32
    %mul3A_2 = arith.muli %arg1, %mul3A_1 : i32
    %multiple_of3A = tpu.assume_multiple %mul3A_2, 8 : i32
    %lt3A = arith.constant 15 : i32
    %lt3A_3 = arith.cmpi slt, %arg1, %lt3A : i32
    %convert_element_type3A = arith.extui %lt3A_3 : i1 to i32
    %cond3A = arith.constant 0 : i32
    %cond3A_4 = arith.cmpi ne, %convert_element_type3A, %cond3A : i32
    scf.if %cond3A_4 {
      "tpu.region"() ({
        %run_scoped3A = tpu.sem_alloc : memref<!tpu.dma_semaphore, #tpu.memory_space<semaphore_mem>>
        %dma_start3A = arith.constant 0 : i32
        %dma_start3A_24 = tpu.memref_slice %arg11[%multiple_of3A, %dma_start3A] : memref<10008x128xf32, #tpu.memory_space<vmem_shared>> -> memref<632x128xf32, #tpu.memory_space<vmem_shared>>
        %dma_start3A_25 = arith.constant 0 : i32
        %dma_start3A_26 = tpu.memref_slice %arg2[%multiple_of3A, %dma_start3A_25] : memref<10000x128xf32, #tpu.memory_space<hbm>> -> memref<632x128xf32, #tpu.memory_space<hbm>>
        tpu.enqueue_dma source(%dma_start3A_26 : memref<632x128xf32, #tpu.memory_space<hbm>>) target(%dma_start3A_24 : memref<632x128xf32, #tpu.memory_space<vmem_shared>>) target_semaphore(%run_scoped3A : memref<!tpu.dma_semaphore, #tpu.memory_space<semaphore_mem>>)
        %dma_wait3A = arith.constant 0 : i32
        %dma_wait3A_27 = tpu.memref_slice %arg11[%multiple_of3A, %dma_wait3A] : memref<10008x128xf32, #tpu.memory_space<vmem_shared>> -> memref<632x128xf32, #tpu.memory_space<vmem_shared>>
        %dma_wait3A_28 = arith.constant 0 : i32
        %dma_wait3A_29 = tpu.memref_slice %arg2[%multiple_of3A, %dma_wait3A_28] : memref<10000x128xf32, #tpu.memory_space<hbm>> -> memref<632x128xf32, #tpu.memory_space<hbm>>
        tpu.wait_dma2 semaphore(%run_scoped3A : memref<!tpu.dma_semaphore, #tpu.memory_space<semaphore_mem>>) src(%dma_wait3A_29 : memref<632x128xf32, #tpu.memory_space<hbm>>) dst(%dma_wait3A_27 : memref<632x128xf32, #tpu.memory_space<vmem_shared>>)
        tpu.yield
      }) : () -> ()
    } else {
    }
    %eq3A = arith.constant 15 : i32
    %eq3A_5 = arith.cmpi eq, %arg1, %eq3A : i32
    %convert_element_type3A_6 = arith.extui %eq3A_5 : i1 to i32
    %cond3A_7 = arith.constant 0 : i32
    %cond3A_8 = arith.cmpi ne, %convert_element_type3A_6, %cond3A_7 : i32
    scf.if %cond3A_8 {
      "tpu.region"() ({
        %run_scoped3A = tpu.sem_alloc : memref<!tpu.dma_semaphore, #tpu.memory_space<semaphore_mem>>
        %dma_start3A = arith.constant 9480 : i32
        %dma_start3A_24 = arith.constant 0 : i32
        %dma_start3A_25 = tpu.memref_slice %arg11[%dma_start3A, %dma_start3A_24] : memref<10008x128xf32, #tpu.memory_space<vmem_shared>> -> memref<520x128xf32, #tpu.memory_space<vmem_shared>>
        %dma_start3A_26 = arith.constant 9480 : i32
        %dma_start3A_27 = arith.constant 0 : i32
        %dma_start3A_28 = tpu.memref_slice %arg2[%dma_start3A_26, %dma_start3A_27] : memref<10000x128xf32, #tpu.memory_space<hbm>> -> memref<520x128xf32, #tpu.memory_space<hbm>>
        tpu.enqueue_dma source(%dma_start3A_28 : memref<520x128xf32, #tpu.memory_space<hbm>>) target(%dma_start3A_25 : memref<520x128xf32, #tpu.memory_space<vmem_shared>>) target_semaphore(%run_scoped3A : memref<!tpu.dma_semaphore, #tpu.memory_space<semaphore_mem>>)
        %dma_wait3A = arith.constant 9480 : i32
        %dma_wait3A_29 = arith.constant 0 : i32
        %dma_wait3A_30 = tpu.memref_slice %arg11[%dma_wait3A, %dma_wait3A_29] : memref<10008x128xf32, #tpu.memory_space<vmem_shared>> -> memref<520x128xf32, #tpu.memory_space<vmem_shared>>
        %dma_wait3A_31 = arith.constant 9480 : i32
        %dma_wait3A_32 = arith.constant 0 : i32
        %dma_wait3A_33 = tpu.memref_slice %arg2[%dma_wait3A_31, %dma_wait3A_32] : memref<10000x128xf32, #tpu.memory_space<hbm>> -> memref<520x128xf32, #tpu.memory_space<hbm>>
        tpu.wait_dma2 semaphore(%run_scoped3A : memref<!tpu.dma_semaphore, #tpu.memory_space<semaphore_mem>>) src(%dma_wait3A_33 : memref<520x128xf32, #tpu.memory_space<hbm>>) dst(%dma_wait3A_30 : memref<520x128xf32, #tpu.memory_space<vmem_shared>>)
        tpu.yield
      }) : () -> ()
    } else {
    }
    %barrier3A = arith.constant 0 : index
    tpu.barrier barrier_id(%barrier3A)
    %scan3A = arith.constant 0 : i32
    %scan3A_9 = arith.constant 3 : i32
    %scan3A_10 = arith.addi %scan3A, %scan3A_9 : i32
    %scan3A_11 = arith.constant 1 : i32
    scf.for %scan3A_24 = %scan3A to %scan3A_10 step %scan3A_11  : i32 {
      %mul3A_25 = arith.constant 1 : i32
      %mul3A_26 = arith.muli %scan3A_24, %mul3A_25 : i32
      %add3A_27 = arith.constant 0 : i32
      %add3A_28 = arith.addi %add3A_27, %mul3A_26 : i32
      "tpu.region"() ({
        %run_scoped3A = tpu.sem_alloc : memref<!tpu.dma_semaphore, #tpu.memory_space<semaphore_mem>>
        %dma_start3A_110 = arith.constant 0 : i32
        %dma_start3A_111 = arith.constant 0 : i32
        %dma_start3A_112 = tpu.memref_slice %arg3[%add3A, %add3A_28, %dma_start3A_110, %dma_start3A_111] : memref<32x3x42x80xi32, #tpu.memory_space<hbm>> -> memref<1x1x42x80xi32, #tpu.memory_space<hbm>>
        %dma_start3A_113 = tpu.memref_squeeze %dma_start3A_112 : memref<1x1x42x80xi32, #tpu.memory_space<hbm>> -> memref<42x80xi32, #tpu.memory_space<hbm>>
        %dma_start3A_114 = arith.constant 0 : i32
        %dma_start3A_115 = arith.constant 0 : i32
        %dma_start3A_116 = tpu.memref_slice %arg3[%add3A, %add3A_28, %dma_start3A_114, %dma_start3A_115] : memref<32x3x42x80xi32, #tpu.memory_space<hbm>> -> memref<1x1x42x80xi32, #tpu.memory_space<hbm>>
        %dma_start3A_117 = tpu.memref_squeeze %dma_start3A_116 : memref<1x1x42x80xi32, #tpu.memory_space<hbm>> -> memref<42x80xi32, #tpu.memory_space<hbm>>
        tpu.enqueue_dma source(%dma_start3A_117 : memref<42x80xi32, #tpu.memory_space<hbm>>) target(%arg6 : memref<42x80xi32, #tpu.memory_space<vmem>>) target_semaphore(%run_scoped3A : memref<!tpu.dma_semaphore, #tpu.memory_space<semaphore_mem>>)
        %dma_wait3A_118 = arith.constant 0 : i32
        %dma_wait3A_119 = arith.constant 0 : i32
        %dma_wait3A_120 = tpu.memref_slice %arg3[%add3A, %add3A_28, %dma_wait3A_118, %dma_wait3A_119] : memref<32x3x42x80xi32, #tpu.memory_space<hbm>> -> memref<1x1x42x80xi32, #tpu.memory_space<hbm>>
        %dma_wait3A_121 = tpu.memref_squeeze %dma_wait3A_120 : memref<1x1x42x80xi32, #tpu.memory_space<hbm>> -> memref<42x80xi32, #tpu.memory_space<hbm>>
        %dma_wait3A_122 = arith.constant 0 : i32
        %dma_wait3A_123 = arith.constant 0 : i32
        %dma_wait3A_124 = tpu.memref_slice %arg3[%add3A, %add3A_28, %dma_wait3A_122, %dma_wait3A_123] : memref<32x3x42x80xi32, #tpu.memory_space<hbm>> -> memref<1x1x42x80xi32, #tpu.memory_space<hbm>>
        %dma_wait3A_125 = tpu.memref_squeeze %dma_wait3A_124 : memref<1x1x42x80xi32, #tpu.memory_space<hbm>> -> memref<42x80xi32, #tpu.memory_space<hbm>>
        tpu.wait_dma2 semaphore(%run_scoped3A : memref<!tpu.dma_semaphore, #tpu.memory_space<semaphore_mem>>) src(%dma_wait3A_125 : memref<42x80xi32, #tpu.memory_space<hbm>>) dst(%arg6 : memref<42x80xi32, #tpu.memory_space<vmem>>)
        tpu.yield
      }) : () -> ()
      "tpu.region"() ({
        %run_scoped3A = tpu.sem_alloc : memref<!tpu.dma_semaphore, #tpu.memory_space<semaphore_mem>>
        %dma_start3A_110 = arith.constant 0 : i32
        %dma_start3A_111 = arith.constant 0 : i32
        %dma_start3A_112 = tpu.memref_slice %arg4[%add3A, %add3A_28, %dma_start3A_110, %dma_start3A_111] : memref<32x3x42x80xi32, #tpu.memory_space<hbm>> -> memref<1x1x42x80xi32, #tpu.memory_space<hbm>>
        %dma_start3A_113 = tpu.memref_squeeze %dma_start3A_112 : memref<1x1x42x80xi32, #tpu.memory_space<hbm>> -> memref<42x80xi32, #tpu.memory_space<hbm>>
        %dma_start3A_114 = arith.constant 0 : i32
        %dma_start3A_115 = arith.constant 0 : i32
        %dma_start3A_116 = tpu.memref_slice %arg4[%add3A, %add3A_28, %dma_start3A_114, %dma_start3A_115] : memref<32x3x42x80xi32, #tpu.memory_space<hbm>> -> memref<1x1x42x80xi32, #tpu.memory_space<hbm>>
        %dma_start3A_117 = tpu.memref_squeeze %dma_start3A_116 : memref<1x1x42x80xi32, #tpu.memory_space<hbm>> -> memref<42x80xi32, #tpu.memory_space<hbm>>
        tpu.enqueue_dma source(%dma_start3A_117 : memref<42x80xi32, #tpu.memory_space<hbm>>) target(%arg7 : memref<42x80xi32, #tpu.memory_space<vmem>>) target_semaphore(%run_scoped3A : memref<!tpu.dma_semaphore, #tpu.memory_space<semaphore_mem>>)
        %dma_wait3A_118 = arith.constant 0 : i32
        %dma_wait3A_119 = arith.constant 0 : i32
        %dma_wait3A_120 = tpu.memref_slice %arg4[%add3A, %add3A_28, %dma_wait3A_118, %dma_wait3A_119] : memref<32x3x42x80xi32, #tpu.memory_space<hbm>> -> memref<1x1x42x80xi32, #tpu.memory_space<hbm>>
        %dma_wait3A_121 = tpu.memref_squeeze %dma_wait3A_120 : memref<1x1x42x80xi32, #tpu.memory_space<hbm>> -> memref<42x80xi32, #tpu.memory_space<hbm>>
        %dma_wait3A_122 = arith.constant 0 : i32
        %dma_wait3A_123 = arith.constant 0 : i32
        %dma_wait3A_124 = tpu.memref_slice %arg4[%add3A, %add3A_28, %dma_wait3A_122, %dma_wait3A_123] : memref<32x3x42x80xi32, #tpu.memory_space<hbm>> -> memref<1x1x42x80xi32, #tpu.memory_space<hbm>>
        %dma_wait3A_125 = tpu.memref_squeeze %dma_wait3A_124 : memref<1x1x42x80xi32, #tpu.memory_space<hbm>> -> memref<42x80xi32, #tpu.memory_space<hbm>>
        tpu.wait_dma2 semaphore(%run_scoped3A : memref<!tpu.dma_semaphore, #tpu.memory_space<semaphore_mem>>) src(%dma_wait3A_125 : memref<42x80xi32, #tpu.memory_space<hbm>>) dst(%arg7 : memref<42x80xi32, #tpu.memory_space<vmem>>)
        tpu.yield
      }) : () -> ()
      %dma_start3A = arith.constant 0 : i32
      %dma_start3A_29 = arith.constant 0 : i32
      %dma_start3A_30 = tpu.memref_slice %arg6[%dma_start3A, %dma_start3A_29] : memref<42x80xi32, #tpu.memory_space<vmem>> -> memref<1x80xi32, #tpu.memory_space<vmem>>
      %dma_start3A_31 = tpu.memref_squeeze %dma_start3A_30 : memref<1x80xi32, #tpu.memory_space<vmem>> -> memref<80xi32, #tpu.memory_space<vmem>>
      %dma_start3A_32 = arith.constant 0 : i32
      %dma_start3A_33 = arith.constant 0 : i32
      %dma_start3A_34 = tpu.memref_slice %arg2[%dma_start3A_32, %dma_start3A_33] : memref<10000x128xf32, #tpu.memory_space<hbm>> -> memref<10000x128xf32, #tpu.memory_space<hbm>>
      tpu.enqueue_indirect_dma source(%dma_start3A_34 : memref<10000x128xf32, #tpu.memory_space<hbm>>) target(%arg8 : memref<80x128xf32, #tpu.memory_space<vmem>>) offsets(%dma_start3A_31 : memref<80xi32, #tpu.memory_space<vmem>>) semaphore(%arg12 : memref<!tpu.dma_semaphore, #tpu.memory_space<semaphore_mem>>)
      %dma_start3A_35 = arith.constant 1 : i32
      %dma_start3A_36 = arith.constant 0 : i32
      %dma_start3A_37 = tpu.memref_slice %arg6[%dma_start3A_35, %dma_start3A_36] : memref<42x80xi32, #tpu.memory_space<vmem>> -> memref<1x80xi32, #tpu.memory_space<vmem>>
      %dma_start3A_38 = tpu.memref_squeeze %dma_start3A_37 : memref<1x80xi32, #tpu.memory_space<vmem>> -> memref<80xi32, #tpu.memory_space<vmem>>
      %dma_start3A_39 = arith.constant 0 : i32
      %dma_start3A_40 = arith.constant 0 : i32
      %dma_start3A_41 = tpu.memref_slice %arg2[%dma_start3A_39, %dma_start3A_40] : memref<10000x128xf32, #tpu.memory_space<hbm>> -> memref<10000x128xf32, #tpu.memory_space<hbm>>
      tpu.enqueue_indirect_dma source(%dma_start3A_41 : memref<10000x128xf32, #tpu.memory_space<hbm>>) target(%arg9 : memref<80x128xf32, #tpu.memory_space<vmem>>) offsets(%dma_start3A_38 : memref<80xi32, #tpu.memory_space<vmem>>) semaphore(%arg13 : memref<!tpu.dma_semaphore, #tpu.memory_space<semaphore_mem>>)
      %dma_wait3A = arith.constant 0 : i32
      %dma_wait3A_42 = arith.constant 0 : i32
      %dma_wait3A_43 = tpu.memref_slice %arg2[%dma_wait3A, %dma_wait3A_42] : memref<10000x128xf32, #tpu.memory_space<hbm>> -> memref<80x128xf32, #tpu.memory_space<hbm>>
      %dma_wait3A_44 = arith.constant 0 : i32
      %dma_wait3A_45 = arith.constant 0 : i32
      %dma_wait3A_46 = tpu.memref_slice %arg2[%dma_wait3A_44, %dma_wait3A_45] : memref<10000x128xf32, #tpu.memory_space<hbm>> -> memref<80x128xf32, #tpu.memory_space<hbm>>
      tpu.wait_dma2 semaphore(%arg12 : memref<!tpu.dma_semaphore, #tpu.memory_space<semaphore_mem>>) src(%dma_wait3A_46 : memref<80x128xf32, #tpu.memory_space<hbm>>) dst(%arg8 : memref<80x128xf32, #tpu.memory_space<vmem>>)
      %dma_start3A_47 = arith.constant 0 : i32
      %dma_start3A_48 = arith.constant 0 : i32
      %dma_start3A_49 = tpu.memref_slice %arg7[%dma_start3A_47, %dma_start3A_48] : memref<42x80xi32, #tpu.memory_space<vmem>> -> memref<1x80xi32, #tpu.memory_space<vmem>>
      %dma_start3A_50 = tpu.memref_squeeze %dma_start3A_49 : memref<1x80xi32, #tpu.memory_space<vmem>> -> memref<80xi32, #tpu.memory_space<vmem>>
      %dma_start3A_51 = arith.constant 0 : i32
      %dma_start3A_52 = arith.constant 0 : i32
      %dma_start3A_53 = tpu.memref_slice %arg11[%dma_start3A_51, %dma_start3A_52] : memref<10008x128xf32, #tpu.memory_space<vmem_shared>> -> memref<10008x128xf32, #tpu.memory_space<vmem_shared>>
      tpu.enqueue_indirect_dma source(%arg8 : memref<80x128xf32, #tpu.memory_space<vmem>>) target(%dma_start3A_53 : memref<10008x128xf32, #tpu.memory_space<vmem_shared>>) offsets(%dma_start3A_50 : memref<80xi32, #tpu.memory_space<vmem>>) semaphore(%arg15 : memref<!tpu.dma_semaphore, #tpu.memory_space<semaphore_mem>>) {add = true}
      %dma_start3A_54 = arith.constant 2 : i32
      %dma_start3A_55 = arith.constant 0 : i32
      %dma_start3A_56 = tpu.memref_slice %arg6[%dma_start3A_54, %dma_start3A_55] : memref<42x80xi32, #tpu.memory_space<vmem>> -> memref<1x80xi32, #tpu.memory_space<vmem>>
      %dma_start3A_57 = tpu.memref_squeeze %dma_start3A_56 : memref<1x80xi32, #tpu.memory_space<vmem>> -> memref<80xi32, #tpu.memory_space<vmem>>
      %dma_start3A_58 = arith.constant 0 : i32
      %dma_start3A_59 = arith.constant 0 : i32
      %dma_start3A_60 = tpu.memref_slice %arg2[%dma_start3A_58, %dma_start3A_59] : memref<10000x128xf32, #tpu.memory_space<hbm>> -> memref<10000x128xf32, #tpu.memory_space<hbm>>
      tpu.enqueue_indirect_dma source(%dma_start3A_60 : memref<10000x128xf32, #tpu.memory_space<hbm>>) target(%arg10 : memref<80x128xf32, #tpu.memory_space<vmem>>) offsets(%dma_start3A_57 : memref<80xi32, #tpu.memory_space<vmem>>) semaphore(%arg14 : memref<!tpu.dma_semaphore, #tpu.memory_space<semaphore_mem>>)
      %scan3A_61 = arith.constant 0 : i32
      %scan3A_62 = arith.constant 13 : i32
      %scan3A_63 = arith.addi %scan3A_61, %scan3A_62 : i32
      %scan3A_64 = arith.constant 1 : i32
      scf.for %scan3A_110 = %scan3A_61 to %scan3A_63 step %scan3A_64  : i32 {
        %mul3A_111 = arith.constant 1 : i32
        %mul3A_112 = arith.muli %scan3A_110, %mul3A_111 : i32
        %add3A_113 = arith.constant 0 : i32
        %add3A_114 = arith.addi %add3A_113, %mul3A_112 : i32
        %mul3A_115 = arith.constant 3 : i32
        %mul3A_116 = arith.muli %mul3A_115, %add3A_114 : i32
        %add3A_117 = arith.constant 1 : i32
        %add3A_118 = arith.addi %mul3A_116, %add3A_117 : i32
        %add3A_119 = arith.constant 0 : i32
        %add3A_120 = arith.addi %add3A_118, %add3A_119 : i32
        %dma_wait3A_121 = arith.constant 0 : i32
        %dma_wait3A_122 = arith.constant 0 : i32
        %dma_wait3A_123 = tpu.memref_slice %arg2[%dma_wait3A_121, %dma_wait3A_122] : memref<10000x128xf32, #tpu.memory_space<hbm>> -> memref<80x128xf32, #tpu.memory_space<hbm>>
        %dma_wait3A_124 = arith.constant 0 : i32
        %dma_wait3A_125 = arith.constant 0 : i32
        %dma_wait3A_126 = tpu.memref_slice %arg2[%dma_wait3A_124, %dma_wait3A_125] : memref<10000x128xf32, #tpu.memory_space<hbm>> -> memref<80x128xf32, #tpu.memory_space<hbm>>
        tpu.wait_dma2 semaphore(%arg13 : memref<!tpu.dma_semaphore, #tpu.memory_space<semaphore_mem>>) src(%dma_wait3A_126 : memref<80x128xf32, #tpu.memory_space<hbm>>) dst(%arg9 : memref<80x128xf32, #tpu.memory_space<vmem>>)
        %dma_start3A_127 = arith.constant 0 : i32
        %dma_start3A_128 = tpu.memref_slice %arg7[%add3A_120, %dma_start3A_127] : memref<42x80xi32, #tpu.memory_space<vmem>> -> memref<1x80xi32, #tpu.memory_space<vmem>>
        %dma_start3A_129 = tpu.memref_squeeze %dma_start3A_128 : memref<1x80xi32, #tpu.memory_space<vmem>> -> memref<80xi32, #tpu.memory_space<vmem>>
        %dma_start3A_130 = arith.constant 0 : i32
        %dma_start3A_131 = arith.constant 0 : i32
        %dma_start3A_132 = tpu.memref_slice %arg11[%dma_start3A_130, %dma_start3A_131] : memref<10008x128xf32, #tpu.memory_space<vmem_shared>> -> memref<10008x128xf32, #tpu.memory_space<vmem_shared>>
        tpu.enqueue_indirect_dma source(%arg9 : memref<80x128xf32, #tpu.memory_space<vmem>>) target(%dma_start3A_132 : memref<10008x128xf32, #tpu.memory_space<vmem_shared>>) offsets(%dma_start3A_129 : memref<80xi32, #tpu.memory_space<vmem>>) semaphore(%arg16 : memref<!tpu.dma_semaphore, #tpu.memory_space<semaphore_mem>>) {add = true}
        %dma_wait3A_133 = arith.constant 0 : i32
        %dma_wait3A_134 = arith.constant 0 : i32
        %dma_wait3A_135 = tpu.memref_slice %arg11[%dma_wait3A_133, %dma_wait3A_134] : memref<10008x128xf32, #tpu.memory_space<vmem_shared>> -> memref<80x128xf32, #tpu.memory_space<vmem_shared>>
        %dma_wait3A_136 = arith.constant 0 : i32
        %dma_wait3A_137 = arith.constant 0 : i32
        %dma_wait3A_138 = tpu.memref_slice %arg11[%dma_wait3A_136, %dma_wait3A_137] : memref<10008x128xf32, #tpu.memory_space<vmem_shared>> -> memref<80x128xf32, #tpu.memory_space<vmem_shared>>
        tpu.wait_dma2 semaphore(%arg15 : memref<!tpu.dma_semaphore, #tpu.memory_space<semaphore_mem>>) src(%arg8 : memref<80x128xf32, #tpu.memory_space<vmem>>) dst(%dma_wait3A_138 : memref<80x128xf32, #tpu.memory_space<vmem_shared>>)
        %add3A_139 = arith.constant 3 : i32
        %add3A_140 = arith.addi %add3A_120, %add3A_139 : i32
        %sub3A = arith.constant 1 : i32
        %sub3A_141 = arith.subi %add3A_140, %sub3A : i32
        %dma_start3A_142 = arith.constant 0 : i32
        %dma_start3A_143 = tpu.memref_slice %arg6[%sub3A_141, %dma_start3A_142] : memref<42x80xi32, #tpu.memory_space<vmem>> -> memref<1x80xi32, #tpu.memory_space<vmem>>
        %dma_start3A_144 = tpu.memref_squeeze %dma_start3A_143 : memref<1x80xi32, #tpu.memory_space<vmem>> -> memref<80xi32, #tpu.memory_space<vmem>>
        %dma_start3A_145 = arith.constant 0 : i32
        %dma_start3A_146 = arith.constant 0 : i32
        %dma_start3A_147 = tpu.memref_slice %arg2[%dma_start3A_145, %dma_start3A_146] : memref<10000x128xf32, #tpu.memory_space<hbm>> -> memref<10000x128xf32, #tpu.memory_space<hbm>>
        tpu.enqueue_indirect_dma source(%dma_start3A_147 : memref<10000x128xf32, #tpu.memory_space<hbm>>) target(%arg8 : memref<80x128xf32, #tpu.memory_space<vmem>>) offsets(%dma_start3A_144 : memref<80xi32, #tpu.memory_space<vmem>>) semaphore(%arg12 : memref<!tpu.dma_semaphore, #tpu.memory_space<semaphore_mem>>)
        %mul3A_148 = arith.constant 3 : i32
        %mul3A_149 = arith.muli %mul3A_148, %add3A_114 : i32
        %add3A_150 = arith.constant 1 : i32
        %add3A_151 = arith.addi %mul3A_149, %add3A_150 : i32
        %add3A_152 = arith.constant 1 : i32
        %add3A_153 = arith.addi %add3A_151, %add3A_152 : i32
        %dma_wait3A_154 = arith.constant 0 : i32
        %dma_wait3A_155 = arith.constant 0 : i32
        %dma_wait3A_156 = tpu.memref_slice %arg2[%dma_wait3A_154, %dma_wait3A_155] : memref<10000x128xf32, #tpu.memory_space<hbm>> -> memref<80x128xf32, #tpu.memory_space<hbm>>
        %dma_wait3A_157 = arith.constant 0 : i32
        %dma_wait3A_158 = arith.constant 0 : i32
        %dma_wait3A_159 = tpu.memref_slice %arg2[%dma_wait3A_157, %dma_wait3A_158] : memref<10000x128xf32, #tpu.memory_space<hbm>> -> memref<80x128xf32, #tpu.memory_space<hbm>>
        tpu.wait_dma2 semaphore(%arg14 : memref<!tpu.dma_semaphore, #tpu.memory_space<semaphore_mem>>) src(%dma_wait3A_159 : memref<80x128xf32, #tpu.memory_space<hbm>>) dst(%arg10 : memref<80x128xf32, #tpu.memory_space<vmem>>)
        %dma_start3A_160 = arith.constant 0 : i32
        %dma_start3A_161 = tpu.memref_slice %arg7[%add3A_153, %dma_start3A_160] : memref<42x80xi32, #tpu.memory_space<vmem>> -> memref<1x80xi32, #tpu.memory_space<vmem>>
        %dma_start3A_162 = tpu.memref_squeeze %dma_start3A_161 : memref<1x80xi32, #tpu.memory_space<vmem>> -> memref<80xi32, #tpu.memory_space<vmem>>
        %dma_start3A_163 = arith.constant 0 : i32
        %dma_start3A_164 = arith.constant 0 : i32
        %dma_start3A_165 = tpu.memref_slice %arg11[%dma_start3A_163, %dma_start3A_164] : memref<10008x128xf32, #tpu.memory_space<vmem_shared>> -> memref<10008x128xf32, #tpu.memory_space<vmem_shared>>
        tpu.enqueue_indirect_dma source(%arg10 : memref<80x128xf32, #tpu.memory_space<vmem>>) target(%dma_start3A_165 : memref<10008x128xf32, #tpu.memory_space<vmem_shared>>) offsets(%dma_start3A_162 : memref<80xi32, #tpu.memory_space<vmem>>) semaphore(%arg17 : memref<!tpu.dma_semaphore, #tpu.memory_space<semaphore_mem>>) {add = true}
        %dma_wait3A_166 = arith.constant 0 : i32
        %dma_wait3A_167 = arith.constant 0 : i32
        %dma_wait3A_168 = tpu.memref_slice %arg11[%dma_wait3A_166, %dma_wait3A_167] : memref<10008x128xf32, #tpu.memory_space<vmem_shared>> -> memref<80x128xf32, #tpu.memory_space<vmem_shared>>
        %dma_wait3A_169 = arith.constant 0 : i32
        %dma_wait3A_170 = arith.constant 0 : i32
        %dma_wait3A_171 = tpu.memref_slice %arg11[%dma_wait3A_169, %dma_wait3A_170] : memref<10008x128xf32, #tpu.memory_space<vmem_shared>> -> memref<80x128xf32, #tpu.memory_space<vmem_shared>>
        tpu.wait_dma2 semaphore(%arg16 : memref<!tpu.dma_semaphore, #tpu.memory_space<semaphore_mem>>) src(%arg9 : memref<80x128xf32, #tpu.memory_space<vmem>>) dst(%dma_wait3A_171 : memref<80x128xf32, #tpu.memory_space<vmem_shared>>)
        %add3A_172 = arith.constant 3 : i32
        %add3A_173 = arith.addi %add3A_153, %add3A_172 : i32
        %sub3A_174 = arith.constant 1 : i32
        %sub3A_175 = arith.subi %add3A_173, %sub3A_174 : i32
        %dma_start3A_176 = arith.constant 0 : i32
        %dma_start3A_177 = tpu.memref_slice %arg6[%sub3A_175, %dma_start3A_176] : memref<42x80xi32, #tpu.memory_space<vmem>> -> memref<1x80xi32, #tpu.memory_space<vmem>>
        %dma_start3A_178 = tpu.memref_squeeze %dma_start3A_177 : memref<1x80xi32, #tpu.memory_space<vmem>> -> memref<80xi32, #tpu.memory_space<vmem>>
        %dma_start3A_179 = arith.constant 0 : i32
        %dma_start3A_180 = arith.constant 0 : i32
        %dma_start3A_181 = tpu.memref_slice %arg2[%dma_start3A_179, %dma_start3A_180] : memref<10000x128xf32, #tpu.memory_space<hbm>> -> memref<10000x128xf32, #tpu.memory_space<hbm>>
        tpu.enqueue_indirect_dma source(%dma_start3A_181 : memref<10000x128xf32, #tpu.memory_space<hbm>>) target(%arg9 : memref<80x128xf32, #tpu.memory_space<vmem>>) offsets(%dma_start3A_178 : memref<80xi32, #tpu.memory_space<vmem>>) semaphore(%arg13 : memref<!tpu.dma_semaphore, #tpu.memory_space<semaphore_mem>>)
        %mul3A_182 = arith.constant 3 : i32
        %mul3A_183 = arith.muli %mul3A_182, %add3A_114 : i32
        %add3A_184 = arith.constant 1 : i32
        %add3A_185 = arith.addi %mul3A_183, %add3A_184 : i32
        %add3A_186 = arith.constant 2 : i32
        %add3A_187 = arith.addi %add3A_185, %add3A_186 : i32
        %dma_wait3A_188 = arith.constant 0 : i32
        %dma_wait3A_189 = arith.constant 0 : i32
        %dma_wait3A_190 = tpu.memref_slice %arg2[%dma_wait3A_188, %dma_wait3A_189] : memref<10000x128xf32, #tpu.memory_space<hbm>> -> memref<80x128xf32, #tpu.memory_space<hbm>>
        %dma_wait3A_191 = arith.constant 0 : i32
        %dma_wait3A_192 = arith.constant 0 : i32
        %dma_wait3A_193 = tpu.memref_slice %arg2[%dma_wait3A_191, %dma_wait3A_192] : memref<10000x128xf32, #tpu.memory_space<hbm>> -> memref<80x128xf32, #tpu.memory_space<hbm>>
        tpu.wait_dma2 semaphore(%arg12 : memref<!tpu.dma_semaphore, #tpu.memory_space<semaphore_mem>>) src(%dma_wait3A_193 : memref<80x128xf32, #tpu.memory_space<hbm>>) dst(%arg8 : memref<80x128xf32, #tpu.memory_space<vmem>>)
        %dma_start3A_194 = arith.constant 0 : i32
        %dma_start3A_195 = tpu.memref_slice %arg7[%add3A_187, %dma_start3A_194] : memref<42x80xi32, #tpu.memory_space<vmem>> -> memref<1x80xi32, #tpu.memory_space<vmem>>
        %dma_start3A_196 = tpu.memref_squeeze %dma_start3A_195 : memref<1x80xi32, #tpu.memory_space<vmem>> -> memref<80xi32, #tpu.memory_space<vmem>>
        %dma_start3A_197 = arith.constant 0 : i32
        %dma_start3A_198 = arith.constant 0 : i32
        %dma_start3A_199 = tpu.memref_slice %arg11[%dma_start3A_197, %dma_start3A_198] : memref<10008x128xf32, #tpu.memory_space<vmem_shared>> -> memref<10008x128xf32, #tpu.memory_space<vmem_shared>>
        tpu.enqueue_indirect_dma source(%arg8 : memref<80x128xf32, #tpu.memory_space<vmem>>) target(%dma_start3A_199 : memref<10008x128xf32, #tpu.memory_space<vmem_shared>>) offsets(%dma_start3A_196 : memref<80xi32, #tpu.memory_space<vmem>>) semaphore(%arg15 : memref<!tpu.dma_semaphore, #tpu.memory_space<semaphore_mem>>) {add = true}
        %dma_wait3A_200 = arith.constant 0 : i32
        %dma_wait3A_201 = arith.constant 0 : i32
        %dma_wait3A_202 = tpu.memref_slice %arg11[%dma_wait3A_200, %dma_wait3A_201] : memref<10008x128xf32, #tpu.memory_space<vmem_shared>> -> memref<80x128xf32, #tpu.memory_space<vmem_shared>>
        %dma_wait3A_203 = arith.constant 0 : i32
        %dma_wait3A_204 = arith.constant 0 : i32
        %dma_wait3A_205 = tpu.memref_slice %arg11[%dma_wait3A_203, %dma_wait3A_204] : memref<10008x128xf32, #tpu.memory_space<vmem_shared>> -> memref<80x128xf32, #tpu.memory_space<vmem_shared>>
        tpu.wait_dma2 semaphore(%arg17 : memref<!tpu.dma_semaphore, #tpu.memory_space<semaphore_mem>>) src(%arg10 : memref<80x128xf32, #tpu.memory_space<vmem>>) dst(%dma_wait3A_205 : memref<80x128xf32, #tpu.memory_space<vmem_shared>>)
        %add3A_206 = arith.constant 3 : i32
        %add3A_207 = arith.addi %add3A_187, %add3A_206 : i32
        %sub3A_208 = arith.constant 1 : i32
        %sub3A_209 = arith.subi %add3A_207, %sub3A_208 : i32
        %dma_start3A_210 = arith.constant 0 : i32
        %dma_start3A_211 = tpu.memref_slice %arg6[%sub3A_209, %dma_start3A_210] : memref<42x80xi32, #tpu.memory_space<vmem>> -> memref<1x80xi32, #tpu.memory_space<vmem>>
        %dma_start3A_212 = tpu.memref_squeeze %dma_start3A_211 : memref<1x80xi32, #tpu.memory_space<vmem>> -> memref<80xi32, #tpu.memory_space<vmem>>
        %dma_start3A_213 = arith.constant 0 : i32
        %dma_start3A_214 = arith.constant 0 : i32
        %dma_start3A_215 = tpu.memref_slice %arg2[%dma_start3A_213, %dma_start3A_214] : memref<10000x128xf32, #tpu.memory_space<hbm>> -> memref<10000x128xf32, #tpu.memory_space<hbm>>
        tpu.enqueue_indirect_dma source(%dma_start3A_215 : memref<10000x128xf32, #tpu.memory_space<hbm>>) target(%arg10 : memref<80x128xf32, #tpu.memory_space<vmem>>) offsets(%dma_start3A_212 : memref<80xi32, #tpu.memory_space<vmem>>) semaphore(%arg14 : memref<!tpu.dma_semaphore, #tpu.memory_space<semaphore_mem>>)
      }
      %scan3A_65 = arith.constant 13 : i32
      %dma_wait3A_66 = arith.constant 0 : i32
      %dma_wait3A_67 = arith.constant 0 : i32
      %dma_wait3A_68 = tpu.memref_slice %arg2[%dma_wait3A_66, %dma_wait3A_67] : memref<10000x128xf32, #tpu.memory_space<hbm>> -> memref<80x128xf32, #tpu.memory_space<hbm>>
      %dma_wait3A_69 = arith.constant 0 : i32
      %dma_wait3A_70 = arith.constant 0 : i32
      %dma_wait3A_71 = tpu.memref_slice %arg2[%dma_wait3A_69, %dma_wait3A_70] : memref<10000x128xf32, #tpu.memory_space<hbm>> -> memref<80x128xf32, #tpu.memory_space<hbm>>
      tpu.wait_dma2 semaphore(%arg13 : memref<!tpu.dma_semaphore, #tpu.memory_space<semaphore_mem>>) src(%dma_wait3A_71 : memref<80x128xf32, #tpu.memory_space<hbm>>) dst(%arg9 : memref<80x128xf32, #tpu.memory_space<vmem>>)
      %dma_start3A_72 = arith.constant 40 : i32
      %dma_start3A_73 = arith.constant 0 : i32
      %dma_start3A_74 = tpu.memref_slice %arg7[%dma_start3A_72, %dma_start3A_73] : memref<42x80xi32, #tpu.memory_space<vmem>> -> memref<1x80xi32, #tpu.memory_space<vmem>>
      %dma_start3A_75 = tpu.memref_squeeze %dma_start3A_74 : memref<1x80xi32, #tpu.memory_space<vmem>> -> memref<80xi32, #tpu.memory_space<vmem>>
      %dma_start3A_76 = arith.constant 0 : i32
      %dma_start3A_77 = arith.constant 0 : i32
      %dma_start3A_78 = tpu.memref_slice %arg11[%dma_start3A_76, %dma_start3A_77] : memref<10008x128xf32, #tpu.memory_space<vmem_shared>> -> memref<10008x128xf32, #tpu.memory_space<vmem_shared>>
      tpu.enqueue_indirect_dma source(%arg9 : memref<80x128xf32, #tpu.memory_space<vmem>>) target(%dma_start3A_78 : memref<10008x128xf32, #tpu.memory_space<vmem_shared>>) offsets(%dma_start3A_75 : memref<80xi32, #tpu.memory_space<vmem>>) semaphore(%arg16 : memref<!tpu.dma_semaphore, #tpu.memory_space<semaphore_mem>>) {add = true}
      %dma_wait3A_79 = arith.constant 0 : i32
      %dma_wait3A_80 = arith.constant 0 : i32
      %dma_wait3A_81 = tpu.memref_slice %arg2[%dma_wait3A_79, %dma_wait3A_80] : memref<10000x128xf32, #tpu.memory_space<hbm>> -> memref<80x128xf32, #tpu.memory_space<hbm>>
      %dma_wait3A_82 = arith.constant 0 : i32
      %dma_wait3A_83 = arith.constant 0 : i32
      %dma_wait3A_84 = tpu.memref_slice %arg2[%dma_wait3A_82, %dma_wait3A_83] : memref<10000x128xf32, #tpu.memory_space<hbm>> -> memref<80x128xf32, #tpu.memory_space<hbm>>
      tpu.wait_dma2 semaphore(%arg14 : memref<!tpu.dma_semaphore, #tpu.memory_space<semaphore_mem>>) src(%dma_wait3A_84 : memref<80x128xf32, #tpu.memory_space<hbm>>) dst(%arg10 : memref<80x128xf32, #tpu.memory_space<vmem>>)
      %dma_start3A_85 = arith.constant 41 : i32
      %dma_start3A_86 = arith.constant 0 : i32
      %dma_start3A_87 = tpu.memref_slice %arg7[%dma_start3A_85, %dma_start3A_86] : memref<42x80xi32, #tpu.memory_space<vmem>> -> memref<1x80xi32, #tpu.memory_space<vmem>>
      %dma_start3A_88 = tpu.memref_squeeze %dma_start3A_87 : memref<1x80xi32, #tpu.memory_space<vmem>> -> memref<80xi32, #tpu.memory_space<vmem>>
      %dma_start3A_89 = arith.constant 0 : i32
      %dma_start3A_90 = arith.constant 0 : i32
      %dma_start3A_91 = tpu.memref_slice %arg11[%dma_start3A_89, %dma_start3A_90] : memref<10008x128xf32, #tpu.memory_space<vmem_shared>> -> memref<10008x128xf32, #tpu.memory_space<vmem_shared>>
      tpu.enqueue_indirect_dma source(%arg10 : memref<80x128xf32, #tpu.memory_space<vmem>>) target(%dma_start3A_91 : memref<10008x128xf32, #tpu.memory_space<vmem_shared>>) offsets(%dma_start3A_88 : memref<80xi32, #tpu.memory_space<vmem>>) semaphore(%arg17 : memref<!tpu.dma_semaphore, #tpu.memory_space<semaphore_mem>>) {add = true}
      %dma_wait3A_92 = arith.constant 0 : i32
      %dma_wait3A_93 = arith.constant 0 : i32
      %dma_wait3A_94 = tpu.memref_slice %arg11[%dma_wait3A_92, %dma_wait3A_93] : memref<10008x128xf32, #tpu.memory_space<vmem_shared>> -> memref<80x128xf32, #tpu.memory_space<vmem_shared>>
      %dma_wait3A_95 = arith.constant 0 : i32
      %dma_wait3A_96 = arith.constant 0 : i32
      %dma_wait3A_97 = tpu.memref_slice %arg11[%dma_wait3A_95, %dma_wait3A_96] : memref<10008x128xf32, #tpu.memory_space<vmem_shared>> -> memref<80x128xf32, #tpu.memory_space<vmem_shared>>
      tpu.wait_dma2 semaphore(%arg15 : memref<!tpu.dma_semaphore, #tpu.memory_space<semaphore_mem>>) src(%arg8 : memref<80x128xf32, #tpu.memory_space<vmem>>) dst(%dma_wait3A_97 : memref<80x128xf32, #tpu.memory_space<vmem_shared>>)
      %dma_wait3A_98 = arith.constant 0 : i32
      %dma_wait3A_99 = arith.constant 0 : i32
      %dma_wait3A_100 = tpu.memref_slice %arg11[%dma_wait3A_98, %dma_wait3A_99] : memref<10008x128xf32, #tpu.memory_space<vmem_shared>> -> memref<80x128xf32, #tpu.memory_space<vmem_shared>>
      %dma_wait3A_101 = arith.constant 0 : i32
      %dma_wait3A_102 = arith.constant 0 : i32
      %dma_wait3A_103 = tpu.memref_slice %arg11[%dma_wait3A_101, %dma_wait3A_102] : memref<10008x128xf32, #tpu.memory_space<vmem_shared>> -> memref<80x128xf32, #tpu.memory_space<vmem_shared>>
      tpu.wait_dma2 semaphore(%arg16 : memref<!tpu.dma_semaphore, #tpu.memory_space<semaphore_mem>>) src(%arg9 : memref<80x128xf32, #tpu.memory_space<vmem>>) dst(%dma_wait3A_103 : memref<80x128xf32, #tpu.memory_space<vmem_shared>>)
      %dma_wait3A_104 = arith.constant 0 : i32
      %dma_wait3A_105 = arith.constant 0 : i32
      %dma_wait3A_106 = tpu.memref_slice %arg11[%dma_wait3A_104, %dma_wait3A_105] : memref<10008x128xf32, #tpu.memory_space<vmem_shared>> -> memref<80x128xf32, #tpu.memory_space<vmem_shared>>
      %dma_wait3A_107 = arith.constant 0 : i32
      %dma_wait3A_108 = arith.constant 0 : i32
      %dma_wait3A_109 = tpu.memref_slice %arg11[%dma_wait3A_107, %dma_wait3A_108] : memref<10008x128xf32, #tpu.memory_space<vmem_shared>> -> memref<80x128xf32, #tpu.memory_space<vmem_shared>>
      tpu.wait_dma2 semaphore(%arg17 : memref<!tpu.dma_semaphore, #tpu.memory_space<semaphore_mem>>) src(%arg10 : memref<80x128xf32, #tpu.memory_space<vmem>>) dst(%dma_wait3A_109 : memref<80x128xf32, #tpu.memory_space<vmem_shared>>)
    }
    %scan3A_12 = arith.constant 3 : i32
    %barrier3A_13 = arith.constant 0 : index
    tpu.barrier barrier_id(%barrier3A_13)
    %lt3A_14 = arith.constant 15 : i32
    %lt3A_15 = arith.cmpi slt, %arg1, %lt3A_14 : i32
    %convert_element_type3A_16 = arith.extui %lt3A_15 : i1 to i32
    %cond3A_17 = arith.constant 0 : i32
    %cond3A_18 = arith.cmpi ne, %convert_element_type3A_16, %cond3A_17 : i32
    scf.if %cond3A_18 {
      "tpu.region"() ({
        %run_scoped3A = tpu.sem_alloc : memref<!tpu.dma_semaphore, #tpu.memory_space<semaphore_mem>>
        %dma_start3A = arith.constant 0 : i32
        %dma_start3A_24 = tpu.memref_slice %arg5[%arg0, %multiple_of3A, %dma_start3A] : memref<2x10000x128xf32, #tpu.memory_space<hbm>> -> memref<1x632x128xf32, #tpu.memory_space<hbm>>
        %dma_start3A_25 = tpu.memref_squeeze %dma_start3A_24 : memref<1x632x128xf32, #tpu.memory_space<hbm>> -> memref<632x128xf32, #tpu.memory_space<hbm>>
        %dma_start3A_26 = arith.constant 0 : i32
        %dma_start3A_27 = tpu.memref_slice %arg11[%multiple_of3A, %dma_start3A_26] : memref<10008x128xf32, #tpu.memory_space<vmem_shared>> -> memref<632x128xf32, #tpu.memory_space<vmem_shared>>
        tpu.enqueue_dma source(%dma_start3A_27 : memref<632x128xf32, #tpu.memory_space<vmem_shared>>) target(%dma_start3A_25 : memref<632x128xf32, #tpu.memory_space<hbm>>) target_semaphore(%run_scoped3A : memref<!tpu.dma_semaphore, #tpu.memory_space<semaphore_mem>>)
        %dma_wait3A = arith.constant 0 : i32
        %dma_wait3A_28 = tpu.memref_slice %arg5[%arg0, %multiple_of3A, %dma_wait3A] : memref<2x10000x128xf32, #tpu.memory_space<hbm>> -> memref<1x632x128xf32, #tpu.memory_space<hbm>>
        %dma_wait3A_29 = tpu.memref_squeeze %dma_wait3A_28 : memref<1x632x128xf32, #tpu.memory_space<hbm>> -> memref<632x128xf32, #tpu.memory_space<hbm>>
        %dma_wait3A_30 = arith.constant 0 : i32
        %dma_wait3A_31 = tpu.memref_slice %arg11[%multiple_of3A, %dma_wait3A_30] : memref<10008x128xf32, #tpu.memory_space<vmem_shared>> -> memref<632x128xf32, #tpu.memory_space<vmem_shared>>
        tpu.wait_dma2 semaphore(%run_scoped3A : memref<!tpu.dma_semaphore, #tpu.memory_space<semaphore_mem>>) src(%dma_wait3A_31 : memref<632x128xf32, #tpu.memory_space<vmem_shared>>) dst(%dma_wait3A_29 : memref<632x128xf32, #tpu.memory_space<hbm>>)
        tpu.yield
      }) : () -> ()
    } else {
    }
    %eq3A_19 = arith.constant 15 : i32
    %eq3A_20 = arith.cmpi eq, %arg1, %eq3A_19 : i32
    %convert_element_type3A_21 = arith.extui %eq3A_20 : i1 to i32
    %cond3A_22 = arith.constant 0 : i32
    %cond3A_23 = arith.cmpi ne, %convert_element_type3A_21, %cond3A_22 : i32
    scf.if %cond3A_23 {
      "tpu.region"() ({
        %run_scoped3A = tpu.sem_alloc : memref<!tpu.dma_semaphore, #tpu.memory_space<semaphore_mem>>
        %dma_start3A = arith.constant 9480 : i32
        %dma_start3A_24 = arith.constant 0 : i32
        %dma_start3A_25 = tpu.memref_slice %arg5[%arg0, %dma_start3A, %dma_start3A_24] : memref<2x10000x128xf32, #tpu.memory_space<hbm>> -> memref<1x520x128xf32, #tpu.memory_space<hbm>>
        %dma_start3A_26 = tpu.memref_squeeze %dma_start3A_25 : memref<1x520x128xf32, #tpu.memory_space<hbm>> -> memref<520x128xf32, #tpu.memory_space<hbm>>
        %dma_start3A_27 = arith.constant 9480 : i32
        %dma_start3A_28 = arith.constant 0 : i32
        %dma_start3A_29 = tpu.memref_slice %arg11[%dma_start3A_27, %dma_start3A_28] : memref<10008x128xf32, #tpu.memory_space<vmem_shared>> -> memref<520x128xf32, #tpu.memory_space<vmem_shared>>
        tpu.enqueue_dma source(%dma_start3A_29 : memref<520x128xf32, #tpu.memory_space<vmem_shared>>) target(%dma_start3A_26 : memref<520x128xf32, #tpu.memory_space<hbm>>) target_semaphore(%run_scoped3A : memref<!tpu.dma_semaphore, #tpu.memory_space<semaphore_mem>>)
        %dma_wait3A = arith.constant 9480 : i32
        %dma_wait3A_30 = arith.constant 0 : i32
        %dma_wait3A_31 = tpu.memref_slice %arg5[%arg0, %dma_wait3A, %dma_wait3A_30] : memref<2x10000x128xf32, #tpu.memory_space<hbm>> -> memref<1x520x128xf32, #tpu.memory_space<hbm>>
        %dma_wait3A_32 = tpu.memref_squeeze %dma_wait3A_31 : memref<1x520x128xf32, #tpu.memory_space<hbm>> -> memref<520x128xf32, #tpu.memory_space<hbm>>
        %dma_wait3A_33 = arith.constant 9480 : i32
        %dma_wait3A_34 = arith.constant 0 : i32
        %dma_wait3A_35 = tpu.memref_slice %arg11[%dma_wait3A_33, %dma_wait3A_34] : memref<10008x128xf32, #tpu.memory_space<vmem_shared>> -> memref<520x128xf32, #tpu.memory_space<vmem_shared>>
        tpu.wait_dma2 semaphore(%run_scoped3A : memref<!tpu.dma_semaphore, #tpu.memory_space<semaphore_mem>>) src(%dma_wait3A_35 : memref<520x128xf32, #tpu.memory_space<vmem_shared>>) dst(%dma_wait3A_32 : memref<520x128xf32, #tpu.memory_space<hbm>>)
        tpu.yield
      }) : () -> ()
    } else {
    }
    return
  }
}

#map = affine_map<(d0, d1) -> (0, 0)>
#map1 = affine_map<(d0, d1) -> (0, 0, 0, 0)>
#map2 = affine_map<(d0, d1) -> (0, 0, 0)>
module attributes {stable_mosaic.version = 14 : i64} {
  func.func @_agg(%arg0: i32, %arg1: i32, %arg2: memref<10000x128xf32, #tpu.memory_space<hbm>>, %arg3: memref<32x3x42x80xi32, #tpu.memory_space<hbm>>, %arg4: memref<32x3x42x80xi32, #tpu.memory_space<hbm>>, %arg5: memref<2x10000x128xf32, #tpu.memory_space<hbm>>, %arg6: memref<42x80xi32, #tpu.memory_space<vmem>>, %arg7: memref<42x80xi32, #tpu.memory_space<vmem>>, %arg8: memref<80x128xf32, #tpu.memory_space<vmem>>, %arg9: memref<80x128xf32, #tpu.memory_space<vmem>>, %arg10: memref<80x128xf32, #tpu.memory_space<vmem>>, %arg11: memref<10008x128xf32, #tpu.memory_space<vmem_shared>>, %arg12: memref<!tpu.dma_semaphore, #tpu.memory_space<semaphore_mem>>, %arg13: memref<!tpu.dma_semaphore, #tpu.memory_space<semaphore_mem>>, %arg14: memref<!tpu.dma_semaphore, #tpu.memory_space<semaphore_mem>>, %arg15: memref<!tpu.dma_semaphore, #tpu.memory_space<semaphore_mem>>, %arg16: memref<!tpu.dma_semaphore, #tpu.memory_space<semaphore_mem>>, %arg17: memref<!tpu.dma_semaphore, #tpu.memory_space<semaphore_mem>>) attributes {dimension_semantics = [#tpu.dimension_semantics<core_parallel>, #tpu.dimension_semantics<subcore_parallel>], iteration_bounds = array<i64: 2, 16>, scalar_prefetch = 0 : i64, scratch_operands = 12 : i64, tpu.core_type = #tpu.core_type<sc_vector_subcore>, window_params = [{transform_indices = #map}, {transform_indices = #map1}, {transform_indices = #map1}, {transform_indices = #map2}]} {
    %mul3A = arith.constant 16 : i32
    %mul3A_0 = arith.muli %arg0, %mul3A : i32
    %add3A = arith.addi %mul3A_0, %arg1 : i32
    %mul3A_1 = arith.constant 632 : i32
    %mul3A_2 = arith.muli %arg1, %mul3A_1 : i32
    %multiple_of3A = tpu.assume_multiple %mul3A_2, 8 : i32
    %lt3A = arith.constant 15 : i32
    %lt3A_3 = arith.cmpi slt, %arg1, %lt3A : i32
    %convert_element_type3A = arith.extui %lt3A_3 : i1 to i32
    %cond3A = arith.constant 0 : i32
    %cond3A_4 = arith.cmpi ne, %convert_element_type3A, %cond3A : i32
    scf.if %cond3A_4 {
      "tpu.region"() ({
        %run_scoped3A = tpu.sem_alloc : memref<!tpu.dma_semaphore, #tpu.memory_space<semaphore_mem>>
        %dma_start3A = arith.constant 0 : i32
        %dma_start3A_24 = tpu.memref_slice %arg11[%multiple_of3A, %dma_start3A] : memref<10008x128xf32, #tpu.memory_space<vmem_shared>> -> memref<632x128xf32, #tpu.memory_space<vmem_shared>>
        %dma_start3A_25 = arith.constant 0 : i32
        %dma_start3A_26 = tpu.memref_slice %arg2[%multiple_of3A, %dma_start3A_25] : memref<10000x128xf32, #tpu.memory_space<hbm>> -> memref<632x128xf32, #tpu.memory_space<hbm>>
        tpu.enqueue_dma source(%dma_start3A_26 : memref<632x128xf32, #tpu.memory_space<hbm>>) target(%dma_start3A_24 : memref<632x128xf32, #tpu.memory_space<vmem_shared>>) target_semaphore(%run_scoped3A : memref<!tpu.dma_semaphore, #tpu.memory_space<semaphore_mem>>)
        %dma_wait3A = arith.constant 0 : i32
        %dma_wait3A_27 = tpu.memref_slice %arg11[%multiple_of3A, %dma_wait3A] : memref<10008x128xf32, #tpu.memory_space<vmem_shared>> -> memref<632x128xf32, #tpu.memory_space<vmem_shared>>
        %dma_wait3A_28 = arith.constant 0 : i32
        %dma_wait3A_29 = tpu.memref_slice %arg2[%multiple_of3A, %dma_wait3A_28] : memref<10000x128xf32, #tpu.memory_space<hbm>> -> memref<632x128xf32, #tpu.memory_space<hbm>>
        tpu.wait_dma2 semaphore(%run_scoped3A : memref<!tpu.dma_semaphore, #tpu.memory_space<semaphore_mem>>) src(%dma_wait3A_29 : memref<632x128xf32, #tpu.memory_space<hbm>>) dst(%dma_wait3A_27 : memref<632x128xf32, #tpu.memory_space<vmem_shared>>)
        tpu.yield
      }) : () -> ()
    } else {
    }
    %eq3A = arith.constant 15 : i32
    %eq3A_5 = arith.cmpi eq, %arg1, %eq3A : i32
    %convert_element_type3A_6 = arith.extui %eq3A_5 : i1 to i32
    %cond3A_7 = arith.constant 0 : i32
    %cond3A_8 = arith.cmpi ne, %convert_element_type3A_6, %cond3A_7 : i32
    scf.if %cond3A_8 {
      "tpu.region"() ({
        %run_scoped3A = tpu.sem_alloc : memref<!tpu.dma_semaphore, #tpu.memory_space<semaphore_mem>>
        %dma_start3A = arith.constant 9480 : i32
        %dma_start3A_24 = arith.constant 0 : i32
        %dma_start3A_25 = tpu.memref_slice %arg11[%dma_start3A, %dma_start3A_24] : memref<10008x128xf32, #tpu.memory_space<vmem_shared>> -> memref<520x128xf32, #tpu.memory_space<vmem_shared>>
        %dma_start3A_26 = arith.constant 9480 : i32
        %dma_start3A_27 = arith.constant 0 : i32
        %dma_start3A_28 = tpu.memref_slice %arg2[%dma_start3A_26, %dma_start3A_27] : memref<10000x128xf32, #tpu.memory_space<hbm>> -> memref<520x128xf32, #tpu.memory_space<hbm>>
        tpu.enqueue_dma source(%dma_start3A_28 : memref<520x128xf32, #tpu.memory_space<hbm>>) target(%dma_start3A_25 : memref<520x128xf32, #tpu.memory_space<vmem_shared>>) target_semaphore(%run_scoped3A : memref<!tpu.dma_semaphore, #tpu.memory_space<semaphore_mem>>)
        %dma_wait3A = arith.constant 9480 : i32
        %dma_wait3A_29 = arith.constant 0 : i32
        %dma_wait3A_30 = tpu.memref_slice %arg11[%dma_wait3A, %dma_wait3A_29] : memref<10008x128xf32, #tpu.memory_space<vmem_shared>> -> memref<520x128xf32, #tpu.memory_space<vmem_shared>>
        %dma_wait3A_31 = arith.constant 9480 : i32
        %dma_wait3A_32 = arith.constant 0 : i32
        %dma_wait3A_33 = tpu.memref_slice %arg2[%dma_wait3A_31, %dma_wait3A_32] : memref<10000x128xf32, #tpu.memory_space<hbm>> -> memref<520x128xf32, #tpu.memory_space<hbm>>
        tpu.wait_dma2 semaphore(%run_scoped3A : memref<!tpu.dma_semaphore, #tpu.memory_space<semaphore_mem>>) src(%dma_wait3A_33 : memref<520x128xf32, #tpu.memory_space<hbm>>) dst(%dma_wait3A_30 : memref<520x128xf32, #tpu.memory_space<vmem_shared>>)
        tpu.yield
      }) : () -> ()
    } else {
    }
    %barrier3A = arith.constant 0 : index
    tpu.barrier barrier_id(%barrier3A)
    %scan3A = arith.constant 0 : i32
    %scan3A_9 = arith.constant 3 : i32
    %scan3A_10 = arith.addi %scan3A, %scan3A_9 : i32
    %scan3A_11 = arith.constant 1 : i32
    scf.for %scan3A_24 = %scan3A to %scan3A_10 step %scan3A_11  : i32 {
      %mul3A_25 = arith.constant 1 : i32
      %mul3A_26 = arith.muli %scan3A_24, %mul3A_25 : i32
      %add3A_27 = arith.constant 0 : i32
      %add3A_28 = arith.addi %add3A_27, %mul3A_26 : i32
      "tpu.region"() ({
        %run_scoped3A = tpu.sem_alloc : memref<!tpu.dma_semaphore, #tpu.memory_space<semaphore_mem>>
        %dma_start3A_110 = arith.constant 0 : i32
        %dma_start3A_111 = arith.constant 0 : i32
        %dma_start3A_112 = tpu.memref_slice %arg3[%add3A, %add3A_28, %dma_start3A_110, %dma_start3A_111] : memref<32x3x42x80xi32, #tpu.memory_space<hbm>> -> memref<1x1x42x80xi32, #tpu.memory_space<hbm>>
        %dma_start3A_113 = tpu.memref_squeeze %dma_start3A_112 : memref<1x1x42x80xi32, #tpu.memory_space<hbm>> -> memref<42x80xi32, #tpu.memory_space<hbm>>
        %dma_start3A_114 = arith.constant 0 : i32
        %dma_start3A_115 = arith.constant 0 : i32
        %dma_start3A_116 = tpu.memref_slice %arg3[%add3A, %add3A_28, %dma_start3A_114, %dma_start3A_115] : memref<32x3x42x80xi32, #tpu.memory_space<hbm>> -> memref<1x1x42x80xi32, #tpu.memory_space<hbm>>
        %dma_start3A_117 = tpu.memref_squeeze %dma_start3A_116 : memref<1x1x42x80xi32, #tpu.memory_space<hbm>> -> memref<42x80xi32, #tpu.memory_space<hbm>>
        tpu.enqueue_dma source(%dma_start3A_117 : memref<42x80xi32, #tpu.memory_space<hbm>>) target(%arg6 : memref<42x80xi32, #tpu.memory_space<vmem>>) target_semaphore(%run_scoped3A : memref<!tpu.dma_semaphore, #tpu.memory_space<semaphore_mem>>)
        %dma_wait3A_118 = arith.constant 0 : i32
        %dma_wait3A_119 = arith.constant 0 : i32
        %dma_wait3A_120 = tpu.memref_slice %arg3[%add3A, %add3A_28, %dma_wait3A_118, %dma_wait3A_119] : memref<32x3x42x80xi32, #tpu.memory_space<hbm>> -> memref<1x1x42x80xi32, #tpu.memory_space<hbm>>
        %dma_wait3A_121 = tpu.memref_squeeze %dma_wait3A_120 : memref<1x1x42x80xi32, #tpu.memory_space<hbm>> -> memref<42x80xi32, #tpu.memory_space<hbm>>
        %dma_wait3A_122 = arith.constant 0 : i32
        %dma_wait3A_123 = arith.constant 0 : i32
        %dma_wait3A_124 = tpu.memref_slice %arg3[%add3A, %add3A_28, %dma_wait3A_122, %dma_wait3A_123] : memref<32x3x42x80xi32, #tpu.memory_space<hbm>> -> memref<1x1x42x80xi32, #tpu.memory_space<hbm>>
        %dma_wait3A_125 = tpu.memref_squeeze %dma_wait3A_124 : memref<1x1x42x80xi32, #tpu.memory_space<hbm>> -> memref<42x80xi32, #tpu.memory_space<hbm>>
        tpu.wait_dma2 semaphore(%run_scoped3A : memref<!tpu.dma_semaphore, #tpu.memory_space<semaphore_mem>>) src(%dma_wait3A_125 : memref<42x80xi32, #tpu.memory_space<hbm>>) dst(%arg6 : memref<42x80xi32, #tpu.memory_space<vmem>>)
        tpu.yield
      }) : () -> ()
      "tpu.region"() ({
        %run_scoped3A = tpu.sem_alloc : memref<!tpu.dma_semaphore, #tpu.memory_space<semaphore_mem>>
        %dma_start3A_110 = arith.constant 0 : i32
        %dma_start3A_111 = arith.constant 0 : i32
        %dma_start3A_112 = tpu.memref_slice %arg4[%add3A, %add3A_28, %dma_start3A_110, %dma_start3A_111] : memref<32x3x42x80xi32, #tpu.memory_space<hbm>> -> memref<1x1x42x80xi32, #tpu.memory_space<hbm>>
        %dma_start3A_113 = tpu.memref_squeeze %dma_start3A_112 : memref<1x1x42x80xi32, #tpu.memory_space<hbm>> -> memref<42x80xi32, #tpu.memory_space<hbm>>
        %dma_start3A_114 = arith.constant 0 : i32
        %dma_start3A_115 = arith.constant 0 : i32
        %dma_start3A_116 = tpu.memref_slice %arg4[%add3A, %add3A_28, %dma_start3A_114, %dma_start3A_115] : memref<32x3x42x80xi32, #tpu.memory_space<hbm>> -> memref<1x1x42x80xi32, #tpu.memory_space<hbm>>
        %dma_start3A_117 = tpu.memref_squeeze %dma_start3A_116 : memref<1x1x42x80xi32, #tpu.memory_space<hbm>> -> memref<42x80xi32, #tpu.memory_space<hbm>>
        tpu.enqueue_dma source(%dma_start3A_117 : memref<42x80xi32, #tpu.memory_space<hbm>>) target(%arg7 : memref<42x80xi32, #tpu.memory_space<vmem>>) target_semaphore(%run_scoped3A : memref<!tpu.dma_semaphore, #tpu.memory_space<semaphore_mem>>)
        %dma_wait3A_118 = arith.constant 0 : i32
        %dma_wait3A_119 = arith.constant 0 : i32
        %dma_wait3A_120 = tpu.memref_slice %arg4[%add3A, %add3A_28, %dma_wait3A_118, %dma_wait3A_119] : memref<32x3x42x80xi32, #tpu.memory_space<hbm>> -> memref<1x1x42x80xi32, #tpu.memory_space<hbm>>
        %dma_wait3A_121 = tpu.memref_squeeze %dma_wait3A_120 : memref<1x1x42x80xi32, #tpu.memory_space<hbm>> -> memref<42x80xi32, #tpu.memory_space<hbm>>
        %dma_wait3A_122 = arith.constant 0 : i32
        %dma_wait3A_123 = arith.constant 0 : i32
        %dma_wait3A_124 = tpu.memref_slice %arg4[%add3A, %add3A_28, %dma_wait3A_122, %dma_wait3A_123] : memref<32x3x42x80xi32, #tpu.memory_space<hbm>> -> memref<1x1x42x80xi32, #tpu.memory_space<hbm>>
        %dma_wait3A_125 = tpu.memref_squeeze %dma_wait3A_124 : memref<1x1x42x80xi32, #tpu.memory_space<hbm>> -> memref<42x80xi32, #tpu.memory_space<hbm>>
        tpu.wait_dma2 semaphore(%run_scoped3A : memref<!tpu.dma_semaphore, #tpu.memory_space<semaphore_mem>>) src(%dma_wait3A_125 : memref<42x80xi32, #tpu.memory_space<hbm>>) dst(%arg7 : memref<42x80xi32, #tpu.memory_space<vmem>>)
        tpu.yield
      }) : () -> ()
      %dma_start3A = arith.constant 0 : i32
      %dma_start3A_29 = arith.constant 0 : i32
      %dma_start3A_30 = tpu.memref_slice %arg6[%dma_start3A, %dma_start3A_29] : memref<42x80xi32, #tpu.memory_space<vmem>> -> memref<1x80xi32, #tpu.memory_space<vmem>>
      %dma_start3A_31 = tpu.memref_squeeze %dma_start3A_30 : memref<1x80xi32, #tpu.memory_space<vmem>> -> memref<80xi32, #tpu.memory_space<vmem>>
      %dma_start3A_32 = arith.constant 0 : i32
      %dma_start3A_33 = arith.constant 0 : i32
      %dma_start3A_34 = tpu.memref_slice %arg2[%dma_start3A_32, %dma_start3A_33] : memref<10000x128xf32, #tpu.memory_space<hbm>> -> memref<10000x128xf32, #tpu.memory_space<hbm>>
      tpu.enqueue_indirect_dma source(%dma_start3A_34 : memref<10000x128xf32, #tpu.memory_space<hbm>>) target(%arg8 : memref<80x128xf32, #tpu.memory_space<vmem>>) offsets(%dma_start3A_31 : memref<80xi32, #tpu.memory_space<vmem>>) semaphore(%arg12 : memref<!tpu.dma_semaphore, #tpu.memory_space<semaphore_mem>>)
      %dma_start3A_35 = arith.constant 1 : i32
      %dma_start3A_36 = arith.constant 0 : i32
      %dma_start3A_37 = tpu.memref_slice %arg6[%dma_start3A_35, %dma_start3A_36] : memref<42x80xi32, #tpu.memory_space<vmem>> -> memref<1x80xi32, #tpu.memory_space<vmem>>
      %dma_start3A_38 = tpu.memref_squeeze %dma_start3A_37 : memref<1x80xi32, #tpu.memory_space<vmem>> -> memref<80xi32, #tpu.memory_space<vmem>>
      %dma_start3A_39 = arith.constant 0 : i32
      %dma_start3A_40 = arith.constant 0 : i32
      %dma_start3A_41 = tpu.memref_slice %arg2[%dma_start3A_39, %dma_start3A_40] : memref<10000x128xf32, #tpu.memory_space<hbm>> -> memref<10000x128xf32, #tpu.memory_space<hbm>>
      tpu.enqueue_indirect_dma source(%dma_start3A_41 : memref<10000x128xf32, #tpu.memory_space<hbm>>) target(%arg9 : memref<80x128xf32, #tpu.memory_space<vmem>>) offsets(%dma_start3A_38 : memref<80xi32, #tpu.memory_space<vmem>>) semaphore(%arg13 : memref<!tpu.dma_semaphore, #tpu.memory_space<semaphore_mem>>)
      %dma_wait3A = arith.constant 0 : i32
      %dma_wait3A_42 = arith.constant 0 : i32
      %dma_wait3A_43 = tpu.memref_slice %arg2[%dma_wait3A, %dma_wait3A_42] : memref<10000x128xf32, #tpu.memory_space<hbm>> -> memref<80x128xf32, #tpu.memory_space<hbm>>
      %dma_wait3A_44 = arith.constant 0 : i32
      %dma_wait3A_45 = arith.constant 0 : i32
      %dma_wait3A_46 = tpu.memref_slice %arg2[%dma_wait3A_44, %dma_wait3A_45] : memref<10000x128xf32, #tpu.memory_space<hbm>> -> memref<80x128xf32, #tpu.memory_space<hbm>>
      tpu.wait_dma2 semaphore(%arg12 : memref<!tpu.dma_semaphore, #tpu.memory_space<semaphore_mem>>) src(%dma_wait3A_46 : memref<80x128xf32, #tpu.memory_space<hbm>>) dst(%arg8 : memref<80x128xf32, #tpu.memory_space<vmem>>)
      %dma_start3A_47 = arith.constant 0 : i32
      %dma_start3A_48 = arith.constant 0 : i32
      %dma_start3A_49 = tpu.memref_slice %arg7[%dma_start3A_47, %dma_start3A_48] : memref<42x80xi32, #tpu.memory_space<vmem>> -> memref<1x80xi32, #tpu.memory_space<vmem>>
      %dma_start3A_50 = tpu.memref_squeeze %dma_start3A_49 : memref<1x80xi32, #tpu.memory_space<vmem>> -> memref<80xi32, #tpu.memory_space<vmem>>
      %dma_start3A_51 = arith.constant 0 : i32
      %dma_start3A_52 = arith.constant 0 : i32
      %dma_start3A_53 = tpu.memref_slice %arg11[%dma_start3A_51, %dma_start3A_52] : memref<10008x128xf32, #tpu.memory_space<vmem_shared>> -> memref<10008x128xf32, #tpu.memory_space<vmem_shared>>
      tpu.enqueue_indirect_dma source(%arg8 : memref<80x128xf32, #tpu.memory_space<vmem>>) target(%dma_start3A_53 : memref<10008x128xf32, #tpu.memory_space<vmem_shared>>) offsets(%dma_start3A_50 : memref<80xi32, #tpu.memory_space<vmem>>) semaphore(%arg15 : memref<!tpu.dma_semaphore, #tpu.memory_space<semaphore_mem>>) {add = true}
      %dma_start3A_54 = arith.constant 2 : i32
      %dma_start3A_55 = arith.constant 0 : i32
      %dma_start3A_56 = tpu.memref_slice %arg6[%dma_start3A_54, %dma_start3A_55] : memref<42x80xi32, #tpu.memory_space<vmem>> -> memref<1x80xi32, #tpu.memory_space<vmem>>
      %dma_start3A_57 = tpu.memref_squeeze %dma_start3A_56 : memref<1x80xi32, #tpu.memory_space<vmem>> -> memref<80xi32, #tpu.memory_space<vmem>>
      %dma_start3A_58 = arith.constant 0 : i32
      %dma_start3A_59 = arith.constant 0 : i32
      %dma_start3A_60 = tpu.memref_slice %arg2[%dma_start3A_58, %dma_start3A_59] : memref<10000x128xf32, #tpu.memory_space<hbm>> -> memref<10000x128xf32, #tpu.memory_space<hbm>>
      tpu.enqueue_indirect_dma source(%dma_start3A_60 : memref<10000x128xf32, #tpu.memory_space<hbm>>) target(%arg10 : memref<80x128xf32, #tpu.memory_space<vmem>>) offsets(%dma_start3A_57 : memref<80xi32, #tpu.memory_space<vmem>>) semaphore(%arg14 : memref<!tpu.dma_semaphore, #tpu.memory_space<semaphore_mem>>)
      %scan3A_61 = arith.constant 0 : i32
      %scan3A_62 = arith.constant 13 : i32
      %scan3A_63 = arith.addi %scan3A_61, %scan3A_62 : i32
      %scan3A_64 = arith.constant 1 : i32
      scf.for %scan3A_110 = %scan3A_61 to %scan3A_63 step %scan3A_64  : i32 {
        %mul3A_111 = arith.constant 1 : i32
        %mul3A_112 = arith.muli %scan3A_110, %mul3A_111 : i32
        %add3A_113 = arith.constant 0 : i32
        %add3A_114 = arith.addi %add3A_113, %mul3A_112 : i32
        %mul3A_115 = arith.constant 3 : i32
        %mul3A_116 = arith.muli %mul3A_115, %add3A_114 : i32
        %add3A_117 = arith.constant 1 : i32
        %add3A_118 = arith.addi %mul3A_116, %add3A_117 : i32
        %add3A_119 = arith.constant 0 : i32
        %add3A_120 = arith.addi %add3A_118, %add3A_119 : i32
        %dma_wait3A_121 = arith.constant 0 : i32
        %dma_wait3A_122 = arith.constant 0 : i32
        %dma_wait3A_123 = tpu.memref_slice %arg2[%dma_wait3A_121, %dma_wait3A_122] : memref<10000x128xf32, #tpu.memory_space<hbm>> -> memref<80x128xf32, #tpu.memory_space<hbm>>
        %dma_wait3A_124 = arith.constant 0 : i32
        %dma_wait3A_125 = arith.constant 0 : i32
        %dma_wait3A_126 = tpu.memref_slice %arg2[%dma_wait3A_124, %dma_wait3A_125] : memref<10000x128xf32, #tpu.memory_space<hbm>> -> memref<80x128xf32, #tpu.memory_space<hbm>>
        tpu.wait_dma2 semaphore(%arg13 : memref<!tpu.dma_semaphore, #tpu.memory_space<semaphore_mem>>) src(%dma_wait3A_126 : memref<80x128xf32, #tpu.memory_space<hbm>>) dst(%arg9 : memref<80x128xf32, #tpu.memory_space<vmem>>)
        %dma_start3A_127 = arith.constant 0 : i32
        %dma_start3A_128 = tpu.memref_slice %arg7[%add3A_120, %dma_start3A_127] : memref<42x80xi32, #tpu.memory_space<vmem>> -> memref<1x80xi32, #tpu.memory_space<vmem>>
        %dma_start3A_129 = tpu.memref_squeeze %dma_start3A_128 : memref<1x80xi32, #tpu.memory_space<vmem>> -> memref<80xi32, #tpu.memory_space<vmem>>
        %dma_start3A_130 = arith.constant 0 : i32
        %dma_start3A_131 = arith.constant 0 : i32
        %dma_start3A_132 = tpu.memref_slice %arg11[%dma_start3A_130, %dma_start3A_131] : memref<10008x128xf32, #tpu.memory_space<vmem_shared>> -> memref<10008x128xf32, #tpu.memory_space<vmem_shared>>
        tpu.enqueue_indirect_dma source(%arg9 : memref<80x128xf32, #tpu.memory_space<vmem>>) target(%dma_start3A_132 : memref<10008x128xf32, #tpu.memory_space<vmem_shared>>) offsets(%dma_start3A_129 : memref<80xi32, #tpu.memory_space<vmem>>) semaphore(%arg16 : memref<!tpu.dma_semaphore, #tpu.memory_space<semaphore_mem>>) {add = true}
        %dma_wait3A_133 = arith.constant 0 : i32
        %dma_wait3A_134 = arith.constant 0 : i32
        %dma_wait3A_135 = tpu.memref_slice %arg11[%dma_wait3A_133, %dma_wait3A_134] : memref<10008x128xf32, #tpu.memory_space<vmem_shared>> -> memref<80x128xf32, #tpu.memory_space<vmem_shared>>
        %dma_wait3A_136 = arith.constant 0 : i32
        %dma_wait3A_137 = arith.constant 0 : i32
        %dma_wait3A_138 = tpu.memref_slice %arg11[%dma_wait3A_136, %dma_wait3A_137] : memref<10008x128xf32, #tpu.memory_space<vmem_shared>> -> memref<80x128xf32, #tpu.memory_space<vmem_shared>>
        tpu.wait_dma2 semaphore(%arg15 : memref<!tpu.dma_semaphore, #tpu.memory_space<semaphore_mem>>) src(%arg8 : memref<80x128xf32, #tpu.memory_space<vmem>>) dst(%dma_wait3A_138 : memref<80x128xf32, #tpu.memory_space<vmem_shared>>)
        %add3A_139 = arith.constant 3 : i32
        %add3A_140 = arith.addi %add3A_120, %add3A_139 : i32
        %sub3A = arith.constant 1 : i32
        %sub3A_141 = arith.subi %add3A_140, %sub3A : i32
        %dma_start3A_142 = arith.constant 0 : i32
        %dma_start3A_143 = tpu.memref_slice %arg6[%sub3A_141, %dma_start3A_142] : memref<42x80xi32, #tpu.memory_space<vmem>> -> memref<1x80xi32, #tpu.memory_space<vmem>>
        %dma_start3A_144 = tpu.memref_squeeze %dma_start3A_143 : memref<1x80xi32, #tpu.memory_space<vmem>> -> memref<80xi32, #tpu.memory_space<vmem>>
        %dma_start3A_145 = arith.constant 0 : i32
        %dma_start3A_146 = arith.constant 0 : i32
        %dma_start3A_147 = tpu.memref_slice %arg2[%dma_start3A_145, %dma_start3A_146] : memref<10000x128xf32, #tpu.memory_space<hbm>> -> memref<10000x128xf32, #tpu.memory_space<hbm>>
        tpu.enqueue_indirect_dma source(%dma_start3A_147 : memref<10000x128xf32, #tpu.memory_space<hbm>>) target(%arg8 : memref<80x128xf32, #tpu.memory_space<vmem>>) offsets(%dma_start3A_144 : memref<80xi32, #tpu.memory_space<vmem>>) semaphore(%arg12 : memref<!tpu.dma_semaphore, #tpu.memory_space<semaphore_mem>>)
        %mul3A_148 = arith.constant 3 : i32
        %mul3A_149 = arith.muli %mul3A_148, %add3A_114 : i32
        %add3A_150 = arith.constant 1 : i32
        %add3A_151 = arith.addi %mul3A_149, %add3A_150 : i32
        %add3A_152 = arith.constant 1 : i32
        %add3A_153 = arith.addi %add3A_151, %add3A_152 : i32
        %dma_wait3A_154 = arith.constant 0 : i32
        %dma_wait3A_155 = arith.constant 0 : i32
        %dma_wait3A_156 = tpu.memref_slice %arg2[%dma_wait3A_154, %dma_wait3A_155] : memref<10000x128xf32, #tpu.memory_space<hbm>> -> memref<80x128xf32, #tpu.memory_space<hbm>>
        %dma_wait3A_157 = arith.constant 0 : i32
        %dma_wait3A_158 = arith.constant 0 : i32
        %dma_wait3A_159 = tpu.memref_slice %arg2[%dma_wait3A_157, %dma_wait3A_158] : memref<10000x128xf32, #tpu.memory_space<hbm>> -> memref<80x128xf32, #tpu.memory_space<hbm>>
        tpu.wait_dma2 semaphore(%arg14 : memref<!tpu.dma_semaphore, #tpu.memory_space<semaphore_mem>>) src(%dma_wait3A_159 : memref<80x128xf32, #tpu.memory_space<hbm>>) dst(%arg10 : memref<80x128xf32, #tpu.memory_space<vmem>>)
        %dma_start3A_160 = arith.constant 0 : i32
        %dma_start3A_161 = tpu.memref_slice %arg7[%add3A_153, %dma_start3A_160] : memref<42x80xi32, #tpu.memory_space<vmem>> -> memref<1x80xi32, #tpu.memory_space<vmem>>
        %dma_start3A_162 = tpu.memref_squeeze %dma_start3A_161 : memref<1x80xi32, #tpu.memory_space<vmem>> -> memref<80xi32, #tpu.memory_space<vmem>>
        %dma_start3A_163 = arith.constant 0 : i32
        %dma_start3A_164 = arith.constant 0 : i32
        %dma_start3A_165 = tpu.memref_slice %arg11[%dma_start3A_163, %dma_start3A_164] : memref<10008x128xf32, #tpu.memory_space<vmem_shared>> -> memref<10008x128xf32, #tpu.memory_space<vmem_shared>>
        tpu.enqueue_indirect_dma source(%arg10 : memref<80x128xf32, #tpu.memory_space<vmem>>) target(%dma_start3A_165 : memref<10008x128xf32, #tpu.memory_space<vmem_shared>>) offsets(%dma_start3A_162 : memref<80xi32, #tpu.memory_space<vmem>>) semaphore(%arg17 : memref<!tpu.dma_semaphore, #tpu.memory_space<semaphore_mem>>) {add = true}
        %dma_wait3A_166 = arith.constant 0 : i32
        %dma_wait3A_167 = arith.constant 0 : i32
        %dma_wait3A_168 = tpu.memref_slice %arg11[%dma_wait3A_166, %dma_wait3A_167] : memref<10008x128xf32, #tpu.memory_space<vmem_shared>> -> memref<80x128xf32, #tpu.memory_space<vmem_shared>>
        %dma_wait3A_169 = arith.constant 0 : i32
        %dma_wait3A_170 = arith.constant 0 : i32
        %dma_wait3A_171 = tpu.memref_slice %arg11[%dma_wait3A_169, %dma_wait3A_170] : memref<10008x128xf32, #tpu.memory_space<vmem_shared>> -> memref<80x128xf32, #tpu.memory_space<vmem_shared>>
        tpu.wait_dma2 semaphore(%arg16 : memref<!tpu.dma_semaphore, #tpu.memory_space<semaphore_mem>>) src(%arg9 : memref<80x128xf32, #tpu.memory_space<vmem>>) dst(%dma_wait3A_171 : memref<80x128xf32, #tpu.memory_space<vmem_shared>>)
        %add3A_172 = arith.constant 3 : i32
        %add3A_173 = arith.addi %add3A_153, %add3A_172 : i32
        %sub3A_174 = arith.constant 1 : i32
        %sub3A_175 = arith.subi %add3A_173, %sub3A_174 : i32
        %dma_start3A_176 = arith.constant 0 : i32
        %dma_start3A_177 = tpu.memref_slice %arg6[%sub3A_175, %dma_start3A_176] : memref<42x80xi32, #tpu.memory_space<vmem>> -> memref<1x80xi32, #tpu.memory_space<vmem>>
        %dma_start3A_178 = tpu.memref_squeeze %dma_start3A_177 : memref<1x80xi32, #tpu.memory_space<vmem>> -> memref<80xi32, #tpu.memory_space<vmem>>
        %dma_start3A_179 = arith.constant 0 : i32
        %dma_start3A_180 = arith.constant 0 : i32
        %dma_start3A_181 = tpu.memref_slice %arg2[%dma_start3A_179, %dma_start3A_180] : memref<10000x128xf32, #tpu.memory_space<hbm>> -> memref<10000x128xf32, #tpu.memory_space<hbm>>
        tpu.enqueue_indirect_dma source(%dma_start3A_181 : memref<10000x128xf32, #tpu.memory_space<hbm>>) target(%arg9 : memref<80x128xf32, #tpu.memory_space<vmem>>) offsets(%dma_start3A_178 : memref<80xi32, #tpu.memory_space<vmem>>) semaphore(%arg13 : memref<!tpu.dma_semaphore, #tpu.memory_space<semaphore_mem>>)
        %mul3A_182 = arith.constant 3 : i32
        %mul3A_183 = arith.muli %mul3A_182, %add3A_114 : i32
        %add3A_184 = arith.constant 1 : i32
        %add3A_185 = arith.addi %mul3A_183, %add3A_184 : i32
        %add3A_186 = arith.constant 2 : i32
        %add3A_187 = arith.addi %add3A_185, %add3A_186 : i32
        %dma_wait3A_188 = arith.constant 0 : i32
        %dma_wait3A_189 = arith.constant 0 : i32
        %dma_wait3A_190 = tpu.memref_slice %arg2[%dma_wait3A_188, %dma_wait3A_189] : memref<10000x128xf32, #tpu.memory_space<hbm>> -> memref<80x128xf32, #tpu.memory_space<hbm>>
        %dma_wait3A_191 = arith.constant 0 : i32
        %dma_wait3A_192 = arith.constant 0 : i32
        %dma_wait3A_193 = tpu.memref_slice %arg2[%dma_wait3A_191, %dma_wait3A_192] : memref<10000x128xf32, #tpu.memory_space<hbm>> -> memref<80x128xf32, #tpu.memory_space<hbm>>
        tpu.wait_dma2 semaphore(%arg12 : memref<!tpu.dma_semaphore, #tpu.memory_space<semaphore_mem>>) src(%dma_wait3A_193 : memref<80x128xf32, #tpu.memory_space<hbm>>) dst(%arg8 : memref<80x128xf32, #tpu.memory_space<vmem>>)
        %dma_start3A_194 = arith.constant 0 : i32
        %dma_start3A_195 = tpu.memref_slice %arg7[%add3A_187, %dma_start3A_194] : memref<42x80xi32, #tpu.memory_space<vmem>> -> memref<1x80xi32, #tpu.memory_space<vmem>>
        %dma_start3A_196 = tpu.memref_squeeze %dma_start3A_195 : memref<1x80xi32, #tpu.memory_space<vmem>> -> memref<80xi32, #tpu.memory_space<vmem>>
        %dma_start3A_197 = arith.constant 0 : i32
        %dma_start3A_198 = arith.constant 0 : i32
        %dma_start3A_199 = tpu.memref_slice %arg11[%dma_start3A_197, %dma_start3A_198] : memref<10008x128xf32, #tpu.memory_space<vmem_shared>> -> memref<10008x128xf32, #tpu.memory_space<vmem_shared>>
        tpu.enqueue_indirect_dma source(%arg8 : memref<80x128xf32, #tpu.memory_space<vmem>>) target(%dma_start3A_199 : memref<10008x128xf32, #tpu.memory_space<vmem_shared>>) offsets(%dma_start3A_196 : memref<80xi32, #tpu.memory_space<vmem>>) semaphore(%arg15 : memref<!tpu.dma_semaphore, #tpu.memory_space<semaphore_mem>>) {add = true}
        %dma_wait3A_200 = arith.constant 0 : i32
        %dma_wait3A_201 = arith.constant 0 : i32
        %dma_wait3A_202 = tpu.memref_slice %arg11[%dma_wait3A_200, %dma_wait3A_201] : memref<10008x128xf32, #tpu.memory_space<vmem_shared>> -> memref<80x128xf32, #tpu.memory_space<vmem_shared>>
        %dma_wait3A_203 = arith.constant 0 : i32
        %dma_wait3A_204 = arith.constant 0 : i32
        %dma_wait3A_205 = tpu.memref_slice %arg11[%dma_wait3A_203, %dma_wait3A_204] : memref<10008x128xf32, #tpu.memory_space<vmem_shared>> -> memref<80x128xf32, #tpu.memory_space<vmem_shared>>
        tpu.wait_dma2 semaphore(%arg17 : memref<!tpu.dma_semaphore, #tpu.memory_space<semaphore_mem>>) src(%arg10 : memref<80x128xf32, #tpu.memory_space<vmem>>) dst(%dma_wait3A_205 : memref<80x128xf32, #tpu.memory_space<vmem_shared>>)
        %add3A_206 = arith.constant 3 : i32
        %add3A_207 = arith.addi %add3A_187, %add3A_206 : i32
        %sub3A_208 = arith.constant 1 : i32
        %sub3A_209 = arith.subi %add3A_207, %sub3A_208 : i32
        %dma_start3A_210 = arith.constant 0 : i32
        %dma_start3A_211 = tpu.memref_slice %arg6[%sub3A_209, %dma_start3A_210] : memref<42x80xi32, #tpu.memory_space<vmem>> -> memref<1x80xi32, #tpu.memory_space<vmem>>
        %dma_start3A_212 = tpu.memref_squeeze %dma_start3A_211 : memref<1x80xi32, #tpu.memory_space<vmem>> -> memref<80xi32, #tpu.memory_space<vmem>>
        %dma_start3A_213 = arith.constant 0 : i32
        %dma_start3A_214 = arith.constant 0 : i32
        %dma_start3A_215 = tpu.memref_slice %arg2[%dma_start3A_213, %dma_start3A_214] : memref<10000x128xf32, #tpu.memory_space<hbm>> -> memref<10000x128xf32, #tpu.memory_space<hbm>>
        tpu.enqueue_indirect_dma source(%dma_start3A_215 : memref<10000x128xf32, #tpu.memory_space<hbm>>) target(%arg10 : memref<80x128xf32, #tpu.memory_space<vmem>>) offsets(%dma_start3A_212 : memref<80xi32, #tpu.memory_space<vmem>>) semaphore(%arg14 : memref<!tpu.dma_semaphore, #tpu.memory_space<semaphore_mem>>)
      }
      %scan3A_65 = arith.constant 13 : i32
      %dma_wait3A_66 = arith.constant 0 : i32
      %dma_wait3A_67 = arith.constant 0 : i32
      %dma_wait3A_68 = tpu.memref_slice %arg2[%dma_wait3A_66, %dma_wait3A_67] : memref<10000x128xf32, #tpu.memory_space<hbm>> -> memref<80x128xf32, #tpu.memory_space<hbm>>
      %dma_wait3A_69 = arith.constant 0 : i32
      %dma_wait3A_70 = arith.constant 0 : i32
      %dma_wait3A_71 = tpu.memref_slice %arg2[%dma_wait3A_69, %dma_wait3A_70] : memref<10000x128xf32, #tpu.memory_space<hbm>> -> memref<80x128xf32, #tpu.memory_space<hbm>>
      tpu.wait_dma2 semaphore(%arg13 : memref<!tpu.dma_semaphore, #tpu.memory_space<semaphore_mem>>) src(%dma_wait3A_71 : memref<80x128xf32, #tpu.memory_space<hbm>>) dst(%arg9 : memref<80x128xf32, #tpu.memory_space<vmem>>)
      %dma_start3A_72 = arith.constant 40 : i32
      %dma_start3A_73 = arith.constant 0 : i32
      %dma_start3A_74 = tpu.memref_slice %arg7[%dma_start3A_72, %dma_start3A_73] : memref<42x80xi32, #tpu.memory_space<vmem>> -> memref<1x80xi32, #tpu.memory_space<vmem>>
      %dma_start3A_75 = tpu.memref_squeeze %dma_start3A_74 : memref<1x80xi32, #tpu.memory_space<vmem>> -> memref<80xi32, #tpu.memory_space<vmem>>
      %dma_start3A_76 = arith.constant 0 : i32
      %dma_start3A_77 = arith.constant 0 : i32
      %dma_start3A_78 = tpu.memref_slice %arg11[%dma_start3A_76, %dma_start3A_77] : memref<10008x128xf32, #tpu.memory_space<vmem_shared>> -> memref<10008x128xf32, #tpu.memory_space<vmem_shared>>
      tpu.enqueue_indirect_dma source(%arg9 : memref<80x128xf32, #tpu.memory_space<vmem>>) target(%dma_start3A_78 : memref<10008x128xf32, #tpu.memory_space<vmem_shared>>) offsets(%dma_start3A_75 : memref<80xi32, #tpu.memory_space<vmem>>) semaphore(%arg16 : memref<!tpu.dma_semaphore, #tpu.memory_space<semaphore_mem>>) {add = true}
      %dma_wait3A_79 = arith.constant 0 : i32
      %dma_wait3A_80 = arith.constant 0 : i32
      %dma_wait3A_81 = tpu.memref_slice %arg2[%dma_wait3A_79, %dma_wait3A_80] : memref<10000x128xf32, #tpu.memory_space<hbm>> -> memref<80x128xf32, #tpu.memory_space<hbm>>
      %dma_wait3A_82 = arith.constant 0 : i32
      %dma_wait3A_83 = arith.constant 0 : i32
      %dma_wait3A_84 = tpu.memref_slice %arg2[%dma_wait3A_82, %dma_wait3A_83] : memref<10000x128xf32, #tpu.memory_space<hbm>> -> memref<80x128xf32, #tpu.memory_space<hbm>>
      tpu.wait_dma2 semaphore(%arg14 : memref<!tpu.dma_semaphore, #tpu.memory_space<semaphore_mem>>) src(%dma_wait3A_84 : memref<80x128xf32, #tpu.memory_space<hbm>>) dst(%arg10 : memref<80x128xf32, #tpu.memory_space<vmem>>)
      %dma_start3A_85 = arith.constant 41 : i32
      %dma_start3A_86 = arith.constant 0 : i32
      %dma_start3A_87 = tpu.memref_slice %arg7[%dma_start3A_85, %dma_start3A_86] : memref<42x80xi32, #tpu.memory_space<vmem>> -> memref<1x80xi32, #tpu.memory_space<vmem>>
      %dma_start3A_88 = tpu.memref_squeeze %dma_start3A_87 : memref<1x80xi32, #tpu.memory_space<vmem>> -> memref<80xi32, #tpu.memory_space<vmem>>
      %dma_start3A_89 = arith.constant 0 : i32
      %dma_start3A_90 = arith.constant 0 : i32
      %dma_start3A_91 = tpu.memref_slice %arg11[%dma_start3A_89, %dma_start3A_90] : memref<10008x128xf32, #tpu.memory_space<vmem_shared>> -> memref<10008x128xf32, #tpu.memory_space<vmem_shared>>
      tpu.enqueue_indirect_dma source(%arg10 : memref<80x128xf32, #tpu.memory_space<vmem>>) target(%dma_start3A_91 : memref<10008x128xf32, #tpu.memory_space<vmem_shared>>) offsets(%dma_start3A_88 : memref<80xi32, #tpu.memory_space<vmem>>) semaphore(%arg17 : memref<!tpu.dma_semaphore, #tpu.memory_space<semaphore_mem>>) {add = true}
      %dma_wait3A_92 = arith.constant 0 : i32
      %dma_wait3A_93 = arith.constant 0 : i32
      %dma_wait3A_94 = tpu.memref_slice %arg11[%dma_wait3A_92, %dma_wait3A_93] : memref<10008x128xf32, #tpu.memory_space<vmem_shared>> -> memref<80x128xf32, #tpu.memory_space<vmem_shared>>
      %dma_wait3A_95 = arith.constant 0 : i32
      %dma_wait3A_96 = arith.constant 0 : i32
      %dma_wait3A_97 = tpu.memref_slice %arg11[%dma_wait3A_95, %dma_wait3A_96] : memref<10008x128xf32, #tpu.memory_space<vmem_shared>> -> memref<80x128xf32, #tpu.memory_space<vmem_shared>>
      tpu.wait_dma2 semaphore(%arg15 : memref<!tpu.dma_semaphore, #tpu.memory_space<semaphore_mem>>) src(%arg8 : memref<80x128xf32, #tpu.memory_space<vmem>>) dst(%dma_wait3A_97 : memref<80x128xf32, #tpu.memory_space<vmem_shared>>)
      %dma_wait3A_98 = arith.constant 0 : i32
      %dma_wait3A_99 = arith.constant 0 : i32
      %dma_wait3A_100 = tpu.memref_slice %arg11[%dma_wait3A_98, %dma_wait3A_99] : memref<10008x128xf32, #tpu.memory_space<vmem_shared>> -> memref<80x128xf32, #tpu.memory_space<vmem_shared>>
      %dma_wait3A_101 = arith.constant 0 : i32
      %dma_wait3A_102 = arith.constant 0 : i32
      %dma_wait3A_103 = tpu.memref_slice %arg11[%dma_wait3A_101, %dma_wait3A_102] : memref<10008x128xf32, #tpu.memory_space<vmem_shared>> -> memref<80x128xf32, #tpu.memory_space<vmem_shared>>
      tpu.wait_dma2 semaphore(%arg16 : memref<!tpu.dma_semaphore, #tpu.memory_space<semaphore_mem>>) src(%arg9 : memref<80x128xf32, #tpu.memory_space<vmem>>) dst(%dma_wait3A_103 : memref<80x128xf32, #tpu.memory_space<vmem_shared>>)
      %dma_wait3A_104 = arith.constant 0 : i32
      %dma_wait3A_105 = arith.constant 0 : i32
      %dma_wait3A_106 = tpu.memref_slice %arg11[%dma_wait3A_104, %dma_wait3A_105] : memref<10008x128xf32, #tpu.memory_space<vmem_shared>> -> memref<80x128xf32, #tpu.memory_space<vmem_shared>>
      %dma_wait3A_107 = arith.constant 0 : i32
      %dma_wait3A_108 = arith.constant 0 : i32
      %dma_wait3A_109 = tpu.memref_slice %arg11[%dma_wait3A_107, %dma_wait3A_108] : memref<10008x128xf32, #tpu.memory_space<vmem_shared>> -> memref<80x128xf32, #tpu.memory_space<vmem_shared>>
      tpu.wait_dma2 semaphore(%arg17 : memref<!tpu.dma_semaphore, #tpu.memory_space<semaphore_mem>>) src(%arg10 : memref<80x128xf32, #tpu.memory_space<vmem>>) dst(%dma_wait3A_109 : memref<80x128xf32, #tpu.memory_space<vmem_shared>>)
    }
    %scan3A_12 = arith.constant 3 : i32
    %barrier3A_13 = arith.constant 0 : index
    tpu.barrier barrier_id(%barrier3A_13)
    %lt3A_14 = arith.constant 15 : i32
    %lt3A_15 = arith.cmpi slt, %arg1, %lt3A_14 : i32
    %convert_element_type3A_16 = arith.extui %lt3A_15 : i1 to i32
    %cond3A_17 = arith.constant 0 : i32
    %cond3A_18 = arith.cmpi ne, %convert_element_type3A_16, %cond3A_17 : i32
    scf.if %cond3A_18 {
      "tpu.region"() ({
        %run_scoped3A = tpu.sem_alloc : memref<!tpu.dma_semaphore, #tpu.memory_space<semaphore_mem>>
        %dma_start3A = arith.constant 0 : i32
        %dma_start3A_24 = tpu.memref_slice %arg5[%arg0, %multiple_of3A, %dma_start3A] : memref<2x10000x128xf32, #tpu.memory_space<hbm>> -> memref<1x632x128xf32, #tpu.memory_space<hbm>>
        %dma_start3A_25 = tpu.memref_squeeze %dma_start3A_24 : memref<1x632x128xf32, #tpu.memory_space<hbm>> -> memref<632x128xf32, #tpu.memory_space<hbm>>
        %dma_start3A_26 = arith.constant 0 : i32
        %dma_start3A_27 = tpu.memref_slice %arg11[%multiple_of3A, %dma_start3A_26] : memref<10008x128xf32, #tpu.memory_space<vmem_shared>> -> memref<632x128xf32, #tpu.memory_space<vmem_shared>>
        tpu.enqueue_dma source(%dma_start3A_27 : memref<632x128xf32, #tpu.memory_space<vmem_shared>>) target(%dma_start3A_25 : memref<632x128xf32, #tpu.memory_space<hbm>>) target_semaphore(%run_scoped3A : memref<!tpu.dma_semaphore, #tpu.memory_space<semaphore_mem>>)
        %dma_wait3A = arith.constant 0 : i32
        %dma_wait3A_28 = tpu.memref_slice %arg5[%arg0, %multiple_of3A, %dma_wait3A] : memref<2x10000x128xf32, #tpu.memory_space<hbm>> -> memref<1x632x128xf32, #tpu.memory_space<hbm>>
        %dma_wait3A_29 = tpu.memref_squeeze %dma_wait3A_28 : memref<1x632x128xf32, #tpu.memory_space<hbm>> -> memref<632x128xf32, #tpu.memory_space<hbm>>
        %dma_wait3A_30 = arith.constant 0 : i32
        %dma_wait3A_31 = tpu.memref_slice %arg11[%multiple_of3A, %dma_wait3A_30] : memref<10008x128xf32, #tpu.memory_space<vmem_shared>> -> memref<632x128xf32, #tpu.memory_space<vmem_shared>>
        tpu.wait_dma2 semaphore(%run_scoped3A : memref<!tpu.dma_semaphore, #tpu.memory_space<semaphore_mem>>) src(%dma_wait3A_31 : memref<632x128xf32, #tpu.memory_space<vmem_shared>>) dst(%dma_wait3A_29 : memref<632x128xf32, #tpu.memory_space<hbm>>)
        tpu.yield
      }) : () -> ()
    } else {
    }
    %eq3A_19 = arith.constant 15 : i32
    %eq3A_20 = arith.cmpi eq, %arg1, %eq3A_19 : i32
    %convert_element_type3A_21 = arith.extui %eq3A_20 : i1 to i32
    %cond3A_22 = arith.constant 0 : i32
    %cond3A_23 = arith.cmpi ne, %convert_element_type3A_21, %cond3A_22 : i32
    scf.if %cond3A_23 {
      "tpu.region"() ({
        %run_scoped3A = tpu.sem_alloc : memref<!tpu.dma_semaphore, #tpu.memory_space<semaphore_mem>>
        %dma_start3A = arith.constant 9480 : i32
        %dma_start3A_24 = arith.constant 0 : i32
        %dma_start3A_25 = tpu.memref_slice %arg5[%arg0, %dma_start3A, %dma_start3A_24] : memref<2x10000x128xf32, #tpu.memory_space<hbm>> -> memref<1x520x128xf32, #tpu.memory_space<hbm>>
        %dma_start3A_26 = tpu.memref_squeeze %dma_start3A_25 : memref<1x520x128xf32, #tpu.memory_space<hbm>> -> memref<520x128xf32, #tpu.memory_space<hbm>>
        %dma_start3A_27 = arith.constant 9480 : i32
        %dma_start3A_28 = arith.constant 0 : i32
        %dma_start3A_29 = tpu.memref_slice %arg11[%dma_start3A_27, %dma_start3A_28] : memref<10008x128xf32, #tpu.memory_space<vmem_shared>> -> memref<520x128xf32, #tpu.memory_space<vmem_shared>>
        tpu.enqueue_dma source(%dma_start3A_29 : memref<520x128xf32, #tpu.memory_space<vmem_shared>>) target(%dma_start3A_26 : memref<520x128xf32, #tpu.memory_space<hbm>>) target_semaphore(%run_scoped3A : memref<!tpu.dma_semaphore, #tpu.memory_space<semaphore_mem>>)
        %dma_wait3A = arith.constant 9480 : i32
        %dma_wait3A_30 = arith.constant 0 : i32
        %dma_wait3A_31 = tpu.memref_slice %arg5[%arg0, %dma_wait3A, %dma_wait3A_30] : memref<2x10000x128xf32, #tpu.memory_space<hbm>> -> memref<1x520x128xf32, #tpu.memory_space<hbm>>
        %dma_wait3A_32 = tpu.memref_squeeze %dma_wait3A_31 : memref<1x520x128xf32, #tpu.memory_space<hbm>> -> memref<520x128xf32, #tpu.memory_space<hbm>>
        %dma_wait3A_33 = arith.constant 9480 : i32
        %dma_wait3A_34 = arith.constant 0 : i32
        %dma_wait3A_35 = tpu.memref_slice %arg11[%dma_wait3A_33, %dma_wait3A_34] : memref<10008x128xf32, #tpu.memory_space<vmem_shared>> -> memref<520x128xf32, #tpu.memory_space<vmem_shared>>
        tpu.wait_dma2 semaphore(%run_scoped3A : memref<!tpu.dma_semaphore, #tpu.memory_space<semaphore_mem>>) src(%dma_wait3A_35 : memref<520x128xf32, #tpu.memory_space<vmem_shared>>) dst(%dma_wait3A_32 : memref<520x128xf32, #tpu.memory_space<hbm>>)
        tpu.yield
      }) : () -> ()
    } else {
    }
    return
  }
}

module attributes {stable_mosaic.version = 14 : i64} {
  func.func @_matmul_body(%arg0: memref<10000x128xf32, #tpu.memory_space<vmem>>, %arg1: memref<128x128xf32, #tpu.memory_space<vmem>>, %arg2: memref<10000x128xf32, #tpu.memory_space<vmem>>) attributes {dimension_semantics = [], scalar_prefetch = 0 : i64, scratch_operands = 0 : i64, tpu.core_type = #tpu.core_type<tc>} {
    %get3A = arith.constant 0 : index
    %get3A_0 = arith.constant 0 : index
    %get3A_1 = vector.load %arg0[%get3A, %get3A_0] : memref<10000x128xf32, #tpu.memory_space<vmem>>, vector<10000x128xf32>
    %get3A_2 = arith.constant 0 : index
    %get3A_3 = arith.constant 0 : index
    %get3A_4 = vector.load %arg1[%get3A_2, %get3A_3] : memref<128x128xf32, #tpu.memory_space<vmem>>, vector<128x128xf32>
    %dot_general3A = arith.constant dense<0.000000e+00> : vector<10000x128xf32>
    %dot_general3A_5 = tpu.matmul %get3A_1, %get3A_4, %dot_general3A {dimension_numbers = #tpu.dot_dimension_numbers<[1], [0], [0], [1], [0, 0, 1, 1], [], []>, precision = #tpu.contract_precision<fp32>, transpose_lhs_hint = false} : vector<10000x128xf32>, vector<128x128xf32>, vector<10000x128xf32> -> vector<10000x128xf32>
    %swap3A = arith.constant 0 : index
    %swap3A_6 = arith.constant 0 : index
    %swap3A_7 = vector.load %arg2[%swap3A, %swap3A_6] : memref<10000x128xf32, #tpu.memory_space<vmem>>, vector<10000x128xf32>
    tpu.vector_store %arg2[%swap3A, %swap3A_6], %dot_general3A_5 {strides = array<i32>} : memref<10000x128xf32, #tpu.memory_space<vmem>>, vector<10000x128xf32>,
    return
  }
}

module attributes {stable_mosaic.version = 14 : i64} {
  func.func @_dinv_scale_body(%arg0: memref<32x10000xf32, #tpu.memory_space<vmem>>, %arg1: memref<10000x128xf32, #tpu.memory_space<vmem>>, %arg2: memref<10000x1xf32, #tpu.memory_space<vmem>>, %arg3: memref<10000x128xf32, #tpu.memory_space<vmem>>) attributes {dimension_semantics = [], scalar_prefetch = 0 : i64, scratch_operands = 0 : i64, tpu.core_type = #tpu.core_type<tc>} {
    %get3A = arith.constant 0 : index
    %get3A_0 = arith.constant 0 : index
    %get3A_1 = vector.load %arg0[%get3A, %get3A_0] : memref<32x10000xf32, #tpu.memory_space<vmem>>, vector<32x10000xf32>
    %reduce_sum3A = arith.constant dense<0.000000e+00> : vector<10000xf32>
    %reduce_sum3A_2 = vector.multi_reduction <add>, %get3A_1, %reduce_sum3A [0] : vector<32x10000xf32> to vector<10000xf32>
    %add3A = arith.constant 1.000000e+00 : f32
    %add3A_3 = vector.broadcast %add3A : f32 to vector<10000xf32>
    %add3A_4 = arith.addf %reduce_sum3A_2, %add3A_3 : vector<10000xf32>
    %max3A = arith.constant 9.99999996E-13 : f32
    %max3A_5 = vector.broadcast %max3A : f32 to vector<10000xf32>
    %max3A_6 = arith.maximumf %add3A_4, %max3A_5 : vector<10000xf32>
    %rsqrt3A = math.rsqrt %max3A_6 : vector<10000xf32>
    %broadcast_in_dim3A = vector.shape_cast %rsqrt3A : vector<10000xf32> to vector<10000x1xf32>
    %swap3A = arith.constant 0 : index
    %swap3A_7 = arith.constant 0 : index
    %swap3A_8 = vector.load %arg2[%swap3A, %swap3A_7] : memref<10000x1xf32, #tpu.memory_space<vmem>>, vector<10000x1xf32>
    tpu.vector_store %arg2[%swap3A, %swap3A_7], %broadcast_in_dim3A {strides = array<i32>} : memref<10000x1xf32, #tpu.memory_space<vmem>>, vector<10000x1xf32>,
    %get3A_9 = arith.constant 0 : index
    %get3A_10 = arith.constant 0 : index
    %get3A_11 = vector.load %arg1[%get3A_9, %get3A_10] : memref<10000x128xf32, #tpu.memory_space<vmem>>, vector<10000x128xf32>
    %broadcast_in_dim3A_12 = vector.shape_cast %rsqrt3A : vector<10000xf32> to vector<10000x1xf32>
    %mul3A = vector.broadcast %broadcast_in_dim3A_12 : vector<10000x1xf32> to vector<10000x128xf32>
    %mul3A_13 = arith.mulf %get3A_11, %mul3A : vector<10000x128xf32>
    %swap3A_14 = arith.constant 0 : index
    %swap3A_15 = arith.constant 0 : index
    %swap3A_16 = vector.load %arg3[%swap3A_14, %swap3A_15] : memref<10000x128xf32, #tpu.memory_space<vmem>>, vector<10000x128xf32>
    tpu.vector_store %arg3[%swap3A_14, %swap3A_15], %mul3A_13 {strides = array<i32>} : memref<10000x128xf32, #tpu.memory_space<vmem>>, vector<10000x128xf32>,
    return
  }
}

module attributes {stable_mosaic.version = 14 : i64} {
  func.func @_combine_body(%arg0: i32, %arg1: memref<2x2000x128xf32, #tpu.memory_space<vmem>>, %arg2: memref<2000x128xf32, #tpu.memory_space<vmem>>, %arg3: memref<2000x1xf32, #tpu.memory_space<vmem>>, %arg4: memref<1x128xf32, #tpu.memory_space<vmem>>, %arg5: memref<128x128xf32, #tpu.memory_space<vmem>>, %arg6: memref<2000x128xf32, #tpu.memory_space<vmem>>) attributes {dimension_semantics = [#tpu.dimension_semantics<arbitrary>], iteration_bounds = array<i64: 5>, scalar_prefetch = 0 : i64, scratch_operands = 0 : i64, tpu.core_type = #tpu.core_type<tc>, window_params = [{transform_indices = @transform_0, window_bounds = array<i64: 2, 2000, 128>}, {transform_indices = @transform_1, window_bounds = array<i64: 2000, 128>}, {transform_indices = @transform_2, window_bounds = array<i64: 2000, 1>}, {pipeline_mode = #tpu.pipeline_mode<synchronous>, transform_indices = @transform_3, window_bounds = array<i64: 1, 128>}, {pipeline_mode = #tpu.pipeline_mode<synchronous>, transform_indices = @transform_4, window_bounds = array<i64: 128, 128>}, {transform_indices = @transform_5, window_bounds = array<i64: 2000, 128>}]} {
    %get3A = arith.constant 0 : index
    %get3A_0 = arith.constant 0 : index
    %get3A_1 = arith.constant 0 : index
    %get3A_2 = vector.load %arg1[%get3A, %get3A_0, %get3A_1] : memref<2x2000x128xf32, #tpu.memory_space<vmem>>, vector<1x2000x128xf32>
    %get3A_3 = vector.shape_cast %get3A_2 : vector<1x2000x128xf32> to vector<2000x128xf32>
    %get3A_4 = arith.constant 1 : index
    %get3A_5 = arith.constant 0 : index
    %get3A_6 = arith.constant 0 : index
    %get3A_7 = vector.load %arg1[%get3A_4, %get3A_5, %get3A_6] : memref<2x2000x128xf32, #tpu.memory_space<vmem>>, vector<1x2000x128xf32>
    %get3A_8 = vector.shape_cast %get3A_7 : vector<1x2000x128xf32> to vector<2000x128xf32>
    %add3A = arith.addf %get3A_3, %get3A_8 : vector<2000x128xf32>
    %get3A_9 = arith.constant 0 : index
    %get3A_10 = arith.constant 0 : index
    %get3A_11 = vector.load %arg2[%get3A_9, %get3A_10] : memref<2000x128xf32, #tpu.memory_space<vmem>>, vector<2000x128xf32>
    %sub3A = arith.subf %add3A, %get3A_11 : vector<2000x128xf32>
    %get3A_12 = arith.constant 0 : index
    %get3A_13 = arith.constant 0 : index
    %get3A_14 = vector.load %arg3[%get3A_12, %get3A_13] : memref<2000x1xf32, #tpu.memory_space<vmem>>, vector<2000x1xf32>
    %mul3A = vector.broadcast %get3A_14 : vector<2000x1xf32> to vector<2000x128xf32>
    %mul3A_15 = arith.mulf %sub3A, %mul3A : vector<2000x128xf32>
    %get3A_16 = arith.constant 0 : index
    %get3A_17 = arith.constant 0 : index
    %get3A_18 = vector.load %arg4[%get3A_16, %get3A_17] : memref<1x128xf32, #tpu.memory_space<vmem>>, vector<1x128xf32>
    %add3A_19 = vector.broadcast %get3A_18 : vector<1x128xf32> to vector<2000x128xf32>
    %add3A_20 = arith.addf %mul3A_15, %add3A_19 : vector<2000x128xf32>
    %max3A = arith.constant 0.000000e+00 : f32
    %max3A_21 = vector.broadcast %max3A : f32 to vector<2000x128xf32>
    %max3A_22 = arith.maximumf %add3A_20, %max3A_21 : vector<2000x128xf32>
    %get3A_23 = arith.constant 0 : index
    %get3A_24 = arith.constant 0 : index
    %get3A_25 = vector.load %arg5[%get3A_23, %get3A_24] : memref<128x128xf32, #tpu.memory_space<vmem>>, vector<128x128xf32>
    %dot_general3A = arith.constant dense<0.000000e+00> : vector<2000x128xf32>
    %dot_general3A_26 = tpu.matmul %max3A_22, %get3A_25, %dot_general3A {dimension_numbers = #tpu.dot_dimension_numbers<[1], [0], [0], [1], [0, 0, 1, 1], [], []>, precision = #tpu.contract_precision<fp32>, transpose_lhs_hint = false} : vector<2000x128xf32>, vector<128x128xf32>, vector<2000x128xf32> -> vector<2000x128xf32>
    %get3A_27 = arith.constant 0 : index
    %get3A_28 = arith.constant 0 : index
    %get3A_29 = vector.load %arg3[%get3A_27, %get3A_28] : memref<2000x1xf32, #tpu.memory_space<vmem>>, vector<2000x1xf32>
    %mul3A_30 = vector.broadcast %get3A_29 : vector<2000x1xf32> to vector<2000x128xf32>
    %mul3A_31 = arith.mulf %dot_general3A_26, %mul3A_30 : vector<2000x128xf32>
    %swap3A = arith.constant 0 : index
    %swap3A_32 = arith.constant 0 : index
    %swap3A_33 = vector.load %arg6[%swap3A, %swap3A_32] : memref<2000x128xf32, #tpu.memory_space<vmem>>, vector<2000x128xf32>
    tpu.vector_store %arg6[%swap3A, %swap3A_32], %mul3A_31 {strides = array<i32>} : memref<2000x128xf32, #tpu.memory_space<vmem>>, vector<2000x128xf32>,
    return
  }
  func.func @transform_0(%arg0: i32) -> (i32, i32, i32) {
    %c0_i32 = arith.constant 0 : i32
    %c0_i32_0 = arith.constant 0 : i32
    %c0_i32_1 = arith.constant 0 : i32
    return %c0_i32, %arg0, %c0_i32_0 : i32, i32, i32
  }
  func.func @transform_1(%arg0: i32) -> (i32, i32) {
    %c0_i32 = arith.constant 0 : i32
    %c0_i32_0 = arith.constant 0 : i32
    return %arg0, %c0_i32 : i32, i32
  }
  func.func @transform_2(%arg0: i32) -> (i32, i32) {
    %c0_i32 = arith.constant 0 : i32
    %c0_i32_0 = arith.constant 0 : i32
    return %arg0, %c0_i32 : i32, i32
  }
  func.func @transform_3(%arg0: i32) -> (i32, i32) {
    %c0_i32 = arith.constant 0 : i32
    %c0_i32_0 = arith.constant 0 : i32
    %c0_i32_1 = arith.constant 0 : i32
    return %c0_i32, %c0_i32_0 : i32, i32
  }
  func.func @transform_4(%arg0: i32) -> (i32, i32) {
    %c0_i32 = arith.constant 0 : i32
    %c0_i32_0 = arith.constant 0 : i32
    %c0_i32_1 = arith.constant 0 : i32
    return %c0_i32, %c0_i32_0 : i32, i32
  }
  func.func @transform_5(%arg0: i32) -> (i32, i32) {
    %c0_i32 = arith.constant 0 : i32
    %c0_i32_0 = arith.constant 0 : i32
    return %arg0, %c0_i32 : i32, i32
  }
}

module attributes {stable_mosaic.version = 14 : i64} {
  func.func @_final_body(%arg0: i32, %arg1: memref<2x2000x128xf32, #tpu.memory_space<vmem>>, %arg2: memref<2000x128xf32, #tpu.memory_space<vmem>>, %arg3: memref<2000x1xf32, #tpu.memory_space<vmem>>, %arg4: memref<1x128xf32, #tpu.memory_space<vmem>>, %arg5: memref<2000x1xi32, #tpu.memory_space<vmem>>, %arg6: memref<128x128xf32, #tpu.memory_space<vmem>>, %arg7: memref<1x128xf32, #tpu.memory_space<vmem>>, %arg8: memref<16x128xf32, #tpu.memory_space<vmem>>, %arg9: memref<16x128xf32, #tpu.memory_space<vmem>>, %arg10: memref<16x1xf32, #tpu.memory_space<vmem>>) attributes {dimension_semantics = [#tpu.dimension_semantics<arbitrary>], iteration_bounds = array<i64: 5>, scalar_prefetch = 0 : i64, scratch_operands = 2 : i64, tpu.core_type = #tpu.core_type<tc>, window_params = [{transform_indices = @transform_0, window_bounds = array<i64: 2, 2000, 128>}, {transform_indices = @transform_1, window_bounds = array<i64: 2000, 128>}, {transform_indices = @transform_2, window_bounds = array<i64: 2000, 1>}, {pipeline_mode = #tpu.pipeline_mode<synchronous>, transform_indices = @transform_3, window_bounds = array<i64: 1, 128>}, {transform_indices = @transform_4, window_bounds = array<i64: 2000, 1>}, {pipeline_mode = #tpu.pipeline_mode<synchronous>, transform_indices = @transform_5, window_bounds = array<i64: 128, 128>}, {pipeline_mode = #tpu.pipeline_mode<synchronous>, transform_indices = @transform_6, window_bounds = array<i64: 1, 128>}, {pipeline_mode = #tpu.pipeline_mode<synchronous>, transform_indices = @transform_7, window_bounds = array<i64: 16, 128>}]} {
    %eq3A = arith.constant 0 : i32
    %eq3A_0 = arith.cmpi eq, %arg0, %eq3A : i32
    %convert_element_type3A = arith.extui %eq3A_0 : i1 to i32
    %cond3A = arith.constant 0 : i32
    %cond3A_1 = arith.cmpi ne, %convert_element_type3A, %cond3A : i32
    scf.if %cond3A_1 {
      %broadcast_in_dim3A_51 = arith.constant 0.000000e+00 : f32
      %broadcast_in_dim3A_52 = vector.broadcast %broadcast_in_dim3A_51 : f32 to vector<16x128xf32>
      %swap3A_53 = arith.constant 0 : index
      %swap3A_54 = arith.constant 0 : index
      %swap3A_55 = vector.load %arg9[%swap3A_53, %swap3A_54] : memref<16x128xf32, #tpu.memory_space<vmem>>, vector<16x128xf32>
      tpu.vector_store %arg9[%swap3A_53, %swap3A_54], %broadcast_in_dim3A_52 {strides = array<i32>} : memref<16x128xf32, #tpu.memory_space<vmem>>, vector<16x128xf32>,
      %broadcast_in_dim3A_56 = arith.constant 0.000000e+00 : f32
      %broadcast_in_dim3A_57 = vector.broadcast %broadcast_in_dim3A_56 : f32 to vector<16x1xf32>
      %swap3A_58 = arith.constant 0 : index
      %swap3A_59 = arith.constant 0 : index
      %swap3A_60 = vector.load %arg10[%swap3A_58, %swap3A_59] : memref<16x1xf32, #tpu.memory_space<vmem>>, vector<16x1xf32>
      tpu.vector_store %arg10[%swap3A_58, %swap3A_59], %broadcast_in_dim3A_57 {strides = array<i32>} : memref<16x1xf32, #tpu.memory_space<vmem>>, vector<16x1xf32>,
    } else {
    }
    %get3A = arith.constant 0 : index
    %get3A_2 = arith.constant 0 : index
    %get3A_3 = arith.constant 0 : index
    %get3A_4 = vector.load %arg1[%get3A, %get3A_2, %get3A_3] : memref<2x2000x128xf32, #tpu.memory_space<vmem>>, vector<1x2000x128xf32>
    %get3A_5 = vector.shape_cast %get3A_4 : vector<1x2000x128xf32> to vector<2000x128xf32>
    %get3A_6 = arith.constant 1 : index
    %get3A_7 = arith.constant 0 : index
    %get3A_8 = arith.constant 0 : index
    %get3A_9 = vector.load %arg1[%get3A_6, %get3A_7, %get3A_8] : memref<2x2000x128xf32, #tpu.memory_space<vmem>>, vector<1x2000x128xf32>
    %get3A_10 = vector.shape_cast %get3A_9 : vector<1x2000x128xf32> to vector<2000x128xf32>
    %add3A = arith.addf %get3A_5, %get3A_10 : vector<2000x128xf32>
    %get3A_11 = arith.constant 0 : index
    %get3A_12 = arith.constant 0 : index
    %get3A_13 = vector.load %arg2[%get3A_11, %get3A_12] : memref<2000x128xf32, #tpu.memory_space<vmem>>, vector<2000x128xf32>
    %sub3A = arith.subf %add3A, %get3A_13 : vector<2000x128xf32>
    %get3A_14 = arith.constant 0 : index
    %get3A_15 = arith.constant 0 : index
    %get3A_16 = vector.load %arg3[%get3A_14, %get3A_15] : memref<2000x1xf32, #tpu.memory_space<vmem>>, vector<2000x1xf32>
    %mul3A = vector.broadcast %get3A_16 : vector<2000x1xf32> to vector<2000x128xf32>
    %mul3A_17 = arith.mulf %sub3A, %mul3A : vector<2000x128xf32>
    %get3A_18 = arith.constant 0 : index
    %get3A_19 = arith.constant 0 : index
    %get3A_20 = vector.load %arg4[%get3A_18, %get3A_19] : memref<1x128xf32, #tpu.memory_space<vmem>>, vector<1x128xf32>
    %add3A_21 = vector.broadcast %get3A_20 : vector<1x128xf32> to vector<2000x128xf32>
    %add3A_22 = arith.addf %mul3A_17, %add3A_21 : vector<2000x128xf32>
    %get3A_23 = arith.constant 0 : index
    %get3A_24 = arith.constant 0 : index
    %get3A_25 = vector.load %arg5[%get3A_23, %get3A_24] : memref<2000x1xi32, #tpu.memory_space<vmem>>, vector<2000x1xi32>
    %squeeze3A = vector.shape_cast %get3A_25 : vector<2000x1xi32> to vector<2000xi32>
    %broadcast_in_dim3A = vector.shape_cast %squeeze3A : vector<2000xi32> to vector<1x2000xi32>
    %iota3A = tpu.iota {dimensions = array<i32: 0>} : vector<16x2000xi32>
    %eq3A_26 = vector.broadcast %broadcast_in_dim3A : vector<1x2000xi32> to vector<16x2000xi32>
    %eq3A_27 = arith.cmpi eq, %eq3A_26, %iota3A : vector<16x2000xi32>
    %convert_element_type3A_28 = arith.extui %eq3A_27 : vector<16x2000xi1> to vector<16x2000xi32>
    %convert_element_type3A_29 = arith.sitofp %convert_element_type3A_28 : vector<16x2000xi32> to vector<16x2000xf32>
    %get3A_30 = arith.constant 0 : index
    %get3A_31 = arith.constant 0 : index
    %get3A_32 = vector.load %arg9[%get3A_30, %get3A_31] : memref<16x128xf32, #tpu.memory_space<vmem>>, vector<16x128xf32>
    %dot_general3A = arith.constant dense<0.000000e+00> : vector<16x128xf32>
    %dot_general3A_33 = tpu.matmul %convert_element_type3A_29, %add3A_22, %dot_general3A {dimension_numbers = #tpu.dot_dimension_numbers<[1], [0], [0], [1], [0, 0, 1, 1], [], []>, precision = #tpu.contract_precision<fp32>, transpose_lhs_hint = false} : vector<16x2000xf32>, vector<2000x128xf32>, vector<16x128xf32> -> vector<16x128xf32>
    %add3A_34 = arith.addf %get3A_32, %dot_general3A_33 : vector<16x128xf32>
    %swap3A = arith.constant 0 : index
    %swap3A_35 = arith.constant 0 : index
    %swap3A_36 = vector.load %arg9[%swap3A, %swap3A_35] : memref<16x128xf32, #tpu.memory_space<vmem>>, vector<16x128xf32>
    tpu.vector_store %arg9[%swap3A, %swap3A_35], %add3A_34 {strides = array<i32>} : memref<16x128xf32, #tpu.memory_space<vmem>>, vector<16x128xf32>,
    %get3A_37 = arith.constant 0 : index
    %get3A_38 = arith.constant 0 : index
    %get3A_39 = vector.load %arg10[%get3A_37, %get3A_38] : memref<16x1xf32, #tpu.memory_space<vmem>>, vector<16x1xf32>
    %reduce_sum3A = arith.constant dense<0.000000e+00> : vector<16xf32>
    %reduce_sum3A_40 = vector.multi_reduction <add>, %convert_element_type3A_29, %reduce_sum3A [1] : vector<16x2000xf32> to vector<16xf32>
    %broadcast_in_dim3A_41 = vector.shape_cast %reduce_sum3A_40 : vector<16xf32> to vector<16x1xf32>
    %add3A_42 = arith.addf %get3A_39, %broadcast_in_dim3A_41 : vector<16x1xf32>
    %swap3A_43 = arith.constant 0 : index
    %swap3A_44 = arith.constant 0 : index
    %swap3A_45 = vector.load %arg10[%swap3A_43, %swap3A_44] : memref<16x1xf32, #tpu.memory_space<vmem>>, vector<16x1xf32>
    tpu.vector_store %arg10[%swap3A_43, %swap3A_44], %add3A_42 {strides = array<i32>} : memref<16x1xf32, #tpu.memory_space<vmem>>, vector<16x1xf32>,
    %eq3A_46 = arith.constant 4 : i32
    %eq3A_47 = arith.cmpi eq, %arg0, %eq3A_46 : i32
    %convert_element_type3A_48 = arith.extui %eq3A_47 : i1 to i32
    %cond3A_49 = arith.constant 0 : i32
    %cond3A_50 = arith.cmpi ne, %convert_element_type3A_48, %cond3A_49 : i32
    scf.if %cond3A_50 {
      %get3A_51 = arith.constant 0 : index
      %get3A_52 = arith.constant 0 : index
      %get3A_53 = vector.load %arg9[%get3A_51, %get3A_52] : memref<16x128xf32, #tpu.memory_space<vmem>>, vector<16x128xf32>
      %get3A_54 = arith.constant 0 : index
      %get3A_55 = arith.constant 0 : index
      %get3A_56 = vector.load %arg10[%get3A_54, %get3A_55] : memref<16x1xf32, #tpu.memory_space<vmem>>, vector<16x1xf32>
      %max3A = arith.constant 1.000000e+00 : f32
      %max3A_57 = vector.broadcast %max3A : f32 to vector<16x1xf32>
      %max3A_58 = arith.maximumf %get3A_56, %max3A_57 : vector<16x1xf32>
      %div3A = vector.broadcast %max3A_58 : vector<16x1xf32> to vector<16x128xf32>
      %div3A_59 = arith.divf %get3A_53, %div3A : vector<16x128xf32>
      %get3A_60 = arith.constant 0 : index
      %get3A_61 = arith.constant 0 : index
      %get3A_62 = vector.load %arg6[%get3A_60, %get3A_61] : memref<128x128xf32, #tpu.memory_space<vmem>>, vector<128x128xf32>
      %dot_general3A_63 = arith.constant dense<0.000000e+00> : vector<16x128xf32>
      %dot_general3A_64 = tpu.matmul %div3A_59, %get3A_62, %dot_general3A_63 {dimension_numbers = #tpu.dot_dimension_numbers<[1], [0], [0], [1], [0, 0, 1, 1], [], []>, precision = #tpu.contract_precision<fp32>, transpose_lhs_hint = false} : vector<16x128xf32>, vector<128x128xf32>, vector<16x128xf32> -> vector<16x128xf32>
      %get3A_65 = arith.constant 0 : index
      %get3A_66 = arith.constant 0 : index
      %get3A_67 = vector.load %arg7[%get3A_65, %get3A_66] : memref<1x128xf32, #tpu.memory_space<vmem>>, vector<1x128xf32>
      %add3A_68 = vector.broadcast %get3A_67 : vector<1x128xf32> to vector<16x128xf32>
      %add3A_69 = arith.addf %dot_general3A_64, %add3A_68 : vector<16x128xf32>
      %swap3A_70 = arith.constant 0 : index
      %swap3A_71 = arith.constant 0 : index
      %swap3A_72 = vector.load %arg8[%swap3A_70, %swap3A_71] : memref<16x128xf32, #tpu.memory_space<vmem>>, vector<16x128xf32>
      tpu.vector_store %arg8[%swap3A_70, %swap3A_71], %add3A_69 {strides = array<i32>} : memref<16x128xf32, #tpu.memory_space<vmem>>, vector<16x128xf32>,
    } else {
    }
    return
  }
  func.func @transform_0(%arg0: i32) -> (i32, i32, i32) {
    %c0_i32 = arith.constant 0 : i32
    %c0_i32_0 = arith.constant 0 : i32
    %c0_i32_1 = arith.constant 0 : i32
    return %c0_i32, %arg0, %c0_i32_0 : i32, i32, i32
  }
  func.func @transform_1(%arg0: i32) -> (i32, i32) {
    %c0_i32 = arith.constant 0 : i32
    %c0_i32_0 = arith.constant 0 : i32
    return %arg0, %c0_i32 : i32, i32
  }
  func.func @transform_2(%arg0: i32) -> (i32, i32) {
    %c0_i32 = arith.constant 0 : i32
    %c0_i32_0 = arith.constant 0 : i32
    return %arg0, %c0_i32 : i32, i32
  }
  func.func @transform_3(%arg0: i32) -> (i32, i32) {
    %c0_i32 = arith.constant 0 : i32
    %c0_i32_0 = arith.constant 0 : i32
    %c0_i32_1 = arith.constant 0 : i32
    return %c0_i32, %c0_i32_0 : i32, i32
  }
  func.func @transform_4(%arg0: i32) -> (i32, i32) {
    %c0_i32 = arith.constant 0 : i32
    %c0_i32_0 = arith.constant 0 : i32
    return %arg0, %c0_i32 : i32, i32
  }
  func.func @transform_5(%arg0: i32) -> (i32, i32) {
    %c0_i32 = arith.constant 0 : i32
    %c0_i32_0 = arith.constant 0 : i32
    %c0_i32_1 = arith.constant 0 : i32
    return %c0_i32, %c0_i32_0 : i32, i32
  }
  func.func @transform_6(%arg0: i32) -> (i32, i32) {
    %c0_i32 = arith.constant 0 : i32
    %c0_i32_0 = arith.constant 0 : i32
    %c0_i32_1 = arith.constant 0 : i32
    return %c0_i32, %c0_i32_0 : i32, i32
  }
  func.func @transform_7(%arg0: i32) -> (i32, i32) {
    %c0_i32 = arith.constant 0 : i32
    %c0_i32_0 = arith.constant 0 : i32
    %c0_i32_1 = arith.constant 0 : i32
    return %c0_i32, %c0_i32_0 : i32, i32
  }
}

</mosaic_0001>

<sc_bundles>
// kernel: kernel.11.cloned.1.call-start
scs
__scs_entry_jumppad:
0x0: {  	(pc) =	sbr.rel $0x88, $3  }
0x1: {  	(tag) =	ssettag $0x0;
	lr =	simm.s32 $0x1  }
0x2: {  	[smem:$0x3F96] =	sst lr;
	_ =	strace $0xD0000000  }
0x3: {  	_ = 	snop  }
0x4: {  	_ = 	snop  }
0x5: {  	_ = 	snop  }
0x6: {  	_ = 	snop  }
0x7: {  	_ = 	snop  }
__scs_overlays_trampoline_lowered:
0x8: {  	[smem:$0x3FA5] =	sst s0  }
0x9: {  	[smem:$0x3FA6] =	sst s1  }
0xa: {  	[smem:$0x3FA7] =	sst s2  }
0xb: {  	[smem:$0x3FA8] =	sst s3  }
0xc: {  	[smem:$0x3FA9] =	sst s4  }
0xd: {  	[smem:$0x3FAA] =	sst s5  }
0xe: {  	[smem:$0x3FAB] =	sst s6  }
0xf: {  	[smem:$0x3FAC] =	sst s7  }
0x10: {  	[smem:$0x3FAD] =	sst s8  }
0x11: {  	[smem:$0x3FAE] =	sst s9;
	s0 =	simm.s32 @!p0 $0x0  }
0x12: {  	s1 =	sld [smem:$0x3F94];
	s0 =	simm.s32 @p0 $0x1  }
0x13: {  	[smem:$0x3FAF] =	sst s0;
	s0 =	simm.s32 @!p1 $0x0  }
0x14: {  	s2 =	sld [smem:$0x3F93];
	s0 =	simm.s32 @p1 $0x1  }
0x15: {  	[smem:$0x3FB0] =	sst s0;
	s0 =	simm.s32 @!p2 $0x0  }
0x16: {  	s3 =	sld [smem:$0x3FDB];
	s0 =	simm.s32 @p2 $0x1  }
0x17: {  	s4 =	simm.s32 $0x1BF5;
	[smem:$0x3FB2] =	sst s0  }
0x18: {  	s0 =	sld [smem:$0x3F95];
	_ =	swait.ge [sflag:s4], $0x0  }
0x19: {  	s7 =	sld [smem:$0x3F96]  }
0x1a: {  	s8 =	sadd.s32 $0xFFFFE003, lr  }
0x1b: {  	s9 =	sadd.s32 $0xFFFFFEF7, lr;
	s5 =	simm.s32 $0xFFFFFFFF;
	p2 =	slt.u32 s8, $0xFFFFF086  }
0x1c: {  	p1 =	slt.u32 s9, $0xF7A;
	s5 =	simm.s32 @!p2 $0x0  }
0x1d: {  	s5 =	simm.s32 @p1 $0x1;
	p0 =	seq.s32 s7, s2  }
0x1e: {  	s7 =	smul.u32 @!p0 $0xF7A, s2;
	p2 =	seq.s32 @!p0 s5, $0x0  }
0x1f: {  	s9 =	smul.u32 $0xF7A, s1;
	s8 =	simm.s32 @!p0 $0x1BF5;
	p2 =	por !p2, p0  }
0x20: {  	[sflag:s8] =	ssyncset.s32 @!p0 $0xFFFFF086;
	s6 =	sadd.s32 @!p0 s3, s7;
	s7 =	simm.s32 @!p0 $0x108  }
0x21: {  	s3 =	sadd.s32 s3, s9;
	s6 =	sadd.s32 @!p0 $0x88, s6;
	s7 =	simm.s32 @p2 $0x1082  }
0x22: {  	[simem:s7], [sflag:s8] =	dma.local @!p0 [hbm:s6], $0xF7A  }
0x23: {  	s9 =	sor.u32 $0xD0000000, s2;
	s6 =	simm.s32 $0x108;
	_ =	swait.ge @!p0 [sflag:s8], $0x0  }
0x24: {  	s3 =	sadd.s32 $0x88, s3;
	s6 =	simm.s32 @!p1 $0x1082;
	[sflag:s4] =	ssyncset.s32 $0xFFFFF086  }
0x25: {  	[simem:s6], [sflag:s4] =	dma.local [hbm:s3], $0xF7A  }
0x26: {  	[smem:$0x3F96] =	sst s1;
	(tag) =	ssettag s2;
	_ =	strace s9  }
0x27: {  	s1 =	sld [smem:$0x3FA6]  }
0x28: {  	s2 =	sld [smem:$0x3FA7]  }
0x29: {  	s4 =	sld [smem:$0x3FA9]  }
0x2a: {  	p0 =	seq.s32 s5, $0x0;
	s5 =	sld [smem:$0x3FAA]  }
0x2b: {  	s6 =	sld [smem:$0x3FAB]  }
0x2c: {  	s7 =	sld [smem:$0x3FAC]  }
0x2d: {  	s3 =	simm.s32 $0x108;
	s8 =	sld [smem:$0x3FAD]  }
0x2e: {  	s3 =	simm.s32 @!p0 $0x1082;
	s9 =	sld [smem:$0x3FAE]  }
0x2f: {  	lr =	sadd.s32 s0, s3;
	s0 =	sld [smem:$0x3FA5]  }
0x30: {  	s3 =	sld [smem:$0x3FA8]  }
0x31: {  	[smem:$0x3FB1] =	sst s10  }
0x32: {  	s10 =	sld [smem:$0x3FAF];
	_ =	sdelay $0x3  }
0x33: {  	p0 =	seq.s32 s10, $0x1;
	s10 =	sld [smem:$0x3FB1];
	_ =	sdelay $0x3  }
0x34: {  	[smem:$0x3FB1] =	sst s10  }
0x35: {  	s10 =	sld [smem:$0x3FB0];
	_ =	sdelay $0x3  }
0x36: {  	p1 =	seq.s32 s10, $0x1;
	s10 =	sld [smem:$0x3FB1];
	_ =	sdelay $0x3  }
0x37: {  	[smem:$0x3FB1] =	sst s10  }
0x38: {  	s10 =	sld [smem:$0x3FB2]  }
0x39: {  	_ = 	snop;
	(pc) =	sbr.ind lr, $3  }
0x3a: {  	_ = 	snop  }
0x3b: {  	_ = 	snop  }
0x3c: {  	p2 =	seq.s32 s10, $0x1;
	s10 =	sld [smem:$0x3FB1]  }
0x3d: {  	_ =	shalt  }
0x3e: {  	_ =	shalt  }
0x3f: {  	_ =	shalt  }
0x40: {  	_ =	shalt  }
0x41: {  	_ =	shalt  }
0x42: {  	_ =	shalt  }
0x43: {  	_ =	shalt  }
0x44: {  	_ =	shalt  }
0x45: {  	_ =	shalt  }
0x46: {  	_ =	shalt  }
0x47: {  	_ =	shalt  }
0x48: {  	_ =	shalt  }
0x49: {  	_ =	shalt  }
0x4a: {  	_ =	shalt  }
0x4b: {  	_ =	shalt  }
0x4c: {  	_ =	shalt  }
0x4d: {  	_ =	shalt  }
0x4e: {  	_ =	shalt  }
0x4f: {  	_ =	shalt  }
0x50: {  	_ =	shalt  }
0x51: {  	_ =	shalt  }
0x52: {  	_ =	shalt  }
0x53: {  	_ =	shalt  }
0x54: {  	_ =	shalt  }
0x55: {  	_ =	shalt  }
0x56: {  	_ =	shalt  }
0x57: {  	_ =	shalt  }
0x58: {  	_ =	shalt  }
0x59: {  	_ =	shalt  }
0x5a: {  	_ =	shalt  }
0x5b: {  	_ =	shalt  }
0x5c: {  	_ =	shalt  }
0x5d: {  	_ =	shalt  }
0x5e: {  	_ =	shalt  }
0x5f: {  	_ =	shalt  }
0x60: {  	_ =	shalt  }
0x61: {  	_ =	shalt  }
0x62: {  	_ =	shalt  }
0x63: {  	_ =	shalt  }
0x64: {  	_ =	shalt  }
0x65: {  	_ =	shalt  }
0x66: {  	_ =	shalt  }
0x67: {  	_ =	shalt  }
0x68: {  	_ =	shalt  }
0x69: {  	_ =	shalt  }
0x6a: {  	_ =	shalt  }
0x6b: {  	_ =	shalt  }
0x6c: {  	_ =	shalt  }
0x6d: {  	_ =	shalt  }
0x6e: {  	_ =	shalt  }
0x6f: {  	_ =	shalt  }
0x70: {  	_ =	shalt  }
0x71: {  	_ =	shalt  }
0x72: {  	_ =	shalt  }
0x73: {  	_ =	shalt  }
0x74: {  	_ =	shalt  }
0x75: {  	_ =	shalt  }
0x76: {  	_ =	shalt  }
0x77: {  	_ =	shalt  }
0x78: {  	_ =	shalt  }
0x79: {  	_ =	shalt  }
0x7a: {  	_ =	shalt  }
0x7b: {  	_ =	shalt  }
0x7c: {  	_ =	shalt  }
0x7d: {  	_ =	shalt  }
0x7e: {  	_ =	shalt  }
0x7f: {  	_ =	shalt  }
0x80: {  	_ =	shalt  }
0x81: {  	_ =	shalt  }
0x82: {  	_ =	shalt  }
0x83: {  	_ =	shalt  }
0x84: {  	_ =	shalt  }
0x85: {  	_ =	shalt  }
0x86: {  	_ =	shalt  }
0x87: {  	_ =	shalt  }
.Lfunc_end0:
.L_simem_size_0:
called_computation_lowered:
.L_overlay_start_0:
0x88: {  	s2 =	sld [smem:$0x3FD9]  }
0x89: {  	s3 =	sld [smem:$0x3FFE];
	_ =	sdelay $0x1  }
0x8a: {  	s1 =	srdreg.scid  }
0x8b: {  	s0 =	sand.u32 $0x1, s1  }
0x8c: {  	s16 =	sshll.u32 s0, $0xA;
	s2 =	sadd.s32 s3, s2  }
0x8d: {  	s2 =	sadd.s32 s2, s16  }
0x8e: {  	[smem:$0x3FBD] =	sst s2  }
0x8f: {  	_ = 	snop  }
0x90: {  	(tm) =	ssettm $0x1  }
0x91: {  	s17 =	sld [smem:$0x3FFB];
	_ =	sdelay $0x3  }
0x92: {  	_ =	strace s17  }
0x93: {  	s2 =	sld [smem:$0x3FFC];
	_ =	sdelay $0x3  }
0x94: {  	_ =	strace s2  }
0x95: {  	s2 =	sld [smem:$0x3FFD];
	_ =	sdelay $0x3  }
0x96: {  	_ =	strace s2  }
0x97: {  	_ =	strace $0x8FFFFFFF  }
0x98: {  	s18 =	sld [smem:$0x3FDB];
	_ =	sdelay $0x1  }
0x99: {  	s19 =	simm.s32 $_scs_section_size  }
0x9a: {  	s4 =	simm.s32 $_size__tile_overlayer_lowered;
	s5 =	simm.s32 $_tile_overlayer_lowered  }
0x9b: {  	s22 =	simm.s32 $0x1BFF;
	s21 =	sshll.u32 s5, $0x1;
	s2 =	sadd.s32 s19, s18  }
0x9c: {  	s6 =	simm.s32 $0x0;
	s20 =	sshll.u32 s4, $0x1;
	s4 =	sadd.s32 s21, s2  }
0x9d: {  	[timem:s6], [sflag:s22] =	dma.local [hbm:s4], s20  }
0x9e: {  	_ =	swait.ge [sflag:s22], s20  }
0x9f: {  	s3 =	ssub.s32 $0x0, s20;
	[sflag:s22] =	ssyncset.done $0x0  }
0xa0: {  	[sflag:s22] =	ssyncadd.s32 s3;
	_ =	sdelay $0x1  }
0xa1: {  	s23 =	simm.s32 $0x1B8B  }
0xa2: {  	_ =	swait.ge [sflag:s23], $0x1  }
0xa3: {  	[sflag:s23] =	ssyncset.done $0x0  }
0xa4: {  	s25 =	simm.s32 $0x1B8E;
	s24 =	sld [smem:$0x3FFE];
	[sflag:s23] =	ssyncadd.s32 $0xFFFFFFFF  }
0xa5: {  	s26 =	simm.s32 $execute0_lowered;
	[smem:$0x3FD2] =	sst s25  }
0xa6: {  	s4 =	sshll.u32 s26, $0x1;
	_ =	strace $0x80000046;
	[dreg:$0x1] =	wrdreg $0xFFFFFFFF  }
0xa7: {  	s28 =	simm.s32 $_size_execute0_lowered;
	s2 =	sadd.s32 s2, s4;
	[dreg:$0x0] =	wrdreg $0x0  }
0xa8: {  	s4 =	sshll.u32 s28, $0x1;
	[dreg:$0x2] =	wrdreg s2  }
0xa9: {  	[dreg:$0x3] =	wrdreg s4  }
0xaa: {  	[dreg:$0x4] =	wrdreg $0xC0  }
0xab: {  	_ =	task [dreg:s6], $0x5FFFF  }
0xac: {  	[dreg:$0x1] =	wrdreg $0xFFFFFFFF  }
0xad: {  	[dreg:$0x0] =	wrdreg $0x60  }
0xae: {  	[dreg:$0x2] =	wrdreg s24  }
0xaf: {  	[dreg:$0x3] =	wrdreg $0x9  }
0xb0: {  	_ =	task.clear_ibuf [dreg:s6], $0x4FFFF;
	_ =	strace $0x90000046  }
0xb1: {  	s29 =	simm.s32 $0x9;
	_ =	strace $0x80000048  }
0xb2: {  	_ =	swait.ge [sflag:s29], $0x1  }
0xb3: {  	[sflag:s29] =	ssyncadd.s32 $0xFFFFFFFF  }
0xb4: {  	_ =	strace $0x90000048  }
0xb5: {  	_ =	sfence  }
0xb6: {  	s30 =	sld [smem:$0x0];
	_ =	sdelay $0x2  }
0xb7: {  	s31 =	sshll.u32 s1, $0xD;
	s1 =	sshrl.u32 s1, $0x2  }
0xb8: {  	s3 =	sand.u32 $0x4000, s31;
	s1 =	sadd.s32 s1, s30  }
0xb9: {  	s0 =	sor.u32 s3, s0;
	s1 =	sshll.u32 s1, $0x11  }
0xba: {  	s0 =	sor.u32 s1, s0  }
0xbb: {  	s0 =	sadd.s32 $0x8F2B, s0  }
0xbc: {  	[sflag:s0] =	ssyncadd.remote.s32 $0x1  }
0xbd: {  	_ =	sfence.sel $0xFFFF  }
0xbe: {  	[dreg:$0x0] =	wrdreg $0xFFFFFFFF;
	(pc) =	sbr.abs _section_cstart, $3  }
0xbf: {  	[dreg:$0x1] =	wrdreg $0xFFFFFFFF  }
0xc0: {  	_ =	task.clear_ibuf [dreg:s6], $0x2FFFF;
	_ =	strace $0x9FFFFFFF  }
0xc1: {  	(tm) =	ssettm $0x7FFFFFFF  }
tec
execute0_lowered:
.L_overlay_start_1:
0x0: {  	(tag) =	ssettag $0x1  }
0x1: {  	s0 =	srdreg.scid  }
0x2: {  	s3 =	sand.u32 $0x1, s0  }
0x3: {  	s0 =	stileid.u32;
	s1 =	sshll.u32 s3, $0x4  }
0x4: {  	s5 =	rddreg [dreg:$0x0];
	s2 =	simm.s32 $0x0;
	s1 =	sor.u32 s0, s1  }
0x5: {  	s7 =	simm.s32 $0x400;
	s8 =	simm.s32 $0x1;
	s1 =	sshrl.u32 s1, $0x3  }
0x6: {  	s9 =	simm.s32 $0x2780;
	s30 =	sshll.u32 s0, $0x7;
	s4 =	smul.u32 $0x13C00, s1  }
0x7: {  	s10 =	simm.s32 $0x0;
	s3 =	ssub.s32 $0x2, s3;
	s6 =	sand.u32 $0x380, s30  }
0x8: {  	[smem:$0x7FF] =	sst s2;
	s31 =	sshrl.u32 s3, $0x1;
	s4 =	sor.u32 s6, s4  }
0x9: {  	s1 =	rddreg [dreg:$0x1];
	_ =	strace $0x80000047;
	s4 =	sshrl.u32 s4, $0x3  }
0xa: {  	s6 =	simm.s32 $0x80;
	s4 =	sadd.s32 s4, s5;
	s5 =	ssub.s32 s3, s31  }
0xb: {  	v0 =	vimm.f32 $0.0e+00;
	v1 =	vimm.f32 $1.000000000e+00;
	s3 =	sadd.s32 $0x3A00, s4;
	s4 =	sadd.s32 $0xD800, s4;
	s5 =	smax.u32 s5, $0x1  }
.LBB2_1:
0xc: {  	[tilespmem:s2], [sflag:$0x1] =	stream.strided.gather [hbm4b:s3+s6], $0x2780, s7, s6, $0x38;
	[tilespmem:$0x4F00] =	vst v63  }
0xd: {  	_ =	swait.ge [sflag:s8], $0x2780  }
0xe: {  	[sflag:s8] =	ssyncset.done $0x0  }
0xf: {  	s11 =	simm.s32 $0x0;
	[sflag:s8] =	ssyncadd.s32 $0xFFFFD880  }
.LBB2_2:
0x10: {  	p0 =	sne.s32 s11, $0x9C00  }
.Ltmp0:
0x11: {  	_ = 	snop;
	(pc) =	sbr.rel @p0 .LBB2_2-.Ltmp0, $3  }
0x12: {  	_ =	sdelay $0x1  }
0x13: {  	s12 =	sshra.s32 s11, $0x2  }
0x14: {  	s11 =	sadd.s32 $0x40, s11;
	[tilespmem:s12+$0x2780] =	vst v0  }
0x15: {  	s12 =	simm.s32 $0x0;
	s11 =	simm.s32 $0x40  }
.LBB2_4:
0x16: {  	p0 =	sne.s32 s11, $0x9C00;
	v2 =	vld [tilespmem:s12+$0x0];
	_ =	sdelay $0x3  }
.Ltmp1:
0x17: {  	(pc) =	sbr.rel @p0 .LBB2_4-.Ltmp1, $2  }
0x18: {  	_ =	sdelay $0x2  }
0x19: {  	s12 =	sshra.s32 s11, $0x2;
	s11 =	sadd.s32 $0x40, s11;
	[tilespmem:v2+s9+$0x0] =	vst.idx.add.f32.msk $0xffff, v1  }
0x1a: {  	v2 =	vld [tilespmem:s12+$0x0];
	_ =	sdelay $0x5  }
0x1b: {  	s10 =	sadd.s32 $0x1, s10  }
0x1c: {  	p0 =	sne.s32 s10, s5  }
.Ltmp2:
0x1d: {  	[tilespmem:v2+s9+$0x0] =	vst.idx.add.f32.msk $0xffff, v1;
	(pc) =	sbr.rel @p0 .LBB2_1-.Ltmp2, $4  }
0x1e: {  	[hbm4b:s4+s6] =	stream.strided.scatter [tilespmem:s9], [sflag:$0x1], $0x2780, s7, s6, $0x38;
	[tilespmem:$0x4F00] =	vst v63  }
0x1f: {  	_ =	swait.ge [sflag:s8], $0x2780  }
0x20: {  	[sflag:s8] =	ssyncset.done $0x0  }
0x21: {  	[sflag:s8] =	ssyncadd.s32 $0xFFFFD880  }
0x22: {  	_ =	sfence.sel $0x180000  }
0x23: {  	[bflag:$0x0] =	sbarrier.arrive $0xFFFF  }
0x24: {  	p0 =	sne.s32 s0, $0x0;
	_ =	strace $0x90000047  }
0x25: {  	s0 =	sadd.s32 @!p0 $0x100000, s1;
	[bflag:$0x2] =	sbarrier.arrive $0xFFFF  }
0x26: {  	[sflag:s0] =	ssyncadd.tile.s32 @!p0 $0x1;
	_ =	shalt  }
.Lfunc_end2:
_tile_overlayer_lowered:
.L_overlay_start_2:
0x27: {  	(tag) =	ssettag $0x2  }
0x28: {  	s0 =	rddreg [dreg:$0x0];
	s2 =	stileid.u32  }
0x29: {  	s1 =	rddreg [dreg:$0x1];
	p0 =	sne.s32 s2, $0x0  }
0x2a: {  	s3 =	rddreg [dreg:$0x2];
	[bflag:$0x3] =	sbarrier.arrive $0xFFFF;
	s2 =	simm.s32 @!p0 $0x1C01  }
0x2b: {  	[timem:s3], [sflag:s2] =	dma.local @!p0 [hbm:s0], s1  }
0x2c: {  	s0 =	simm.s32 @!p0 $0x1  }
0x2d: {  	_ =	swait.ge @!p0 [sflag:s0], s1  }
0x2e: {  	s1 =	ssub.s32 @!p0 $0x0, s1;
	[sflag:s0] =	ssyncset.done @!p0 $0x0  }
0x2f: {  	[sflag:s0] =	ssyncadd.s32 @!p0 s1  }
0x30: {  	[bflag:$0x3] =	sbarrier.arrive $0xFFFF  }
0x31: {  	_ =	shalt  }

// kernel: kernel.14.cloned.1.call-start
scs
__scs_entry_jumppad:
0x0: {  	(pc) =	sbr.rel $0x88, $3  }
0x1: {  	(tag) =	ssettag $0x0;
	lr =	simm.s32 $0x1  }
0x2: {  	[smem:$0x3F96] =	sst lr;
	_ =	strace $0xD0000000  }
0x3: {  	_ = 	snop  }
0x4: {  	_ = 	snop  }
0x5: {  	_ = 	snop  }
0x6: {  	_ = 	snop  }
0x7: {  	_ = 	snop  }
__scs_overlays_trampoline_lowered:
0x8: {  	[smem:$0x3FA5] =	sst s0  }
0x9: {  	[smem:$0x3FA6] =	sst s1  }
0xa: {  	[smem:$0x3FA7] =	sst s2  }
0xb: {  	[smem:$0x3FA8] =	sst s3  }
0xc: {  	[smem:$0x3FA9] =	sst s4  }
0xd: {  	[smem:$0x3FAA] =	sst s5  }
0xe: {  	[smem:$0x3FAB] =	sst s6  }
0xf: {  	[smem:$0x3FAC] =	sst s7  }
0x10: {  	[smem:$0x3FAD] =	sst s8  }
0x11: {  	[smem:$0x3FAE] =	sst s9;
	s0 =	simm.s32 @!p0 $0x0  }
0x12: {  	s1 =	sld [smem:$0x3F94];
	s0 =	simm.s32 @p0 $0x1  }
0x13: {  	[smem:$0x3FAF] =	sst s0;
	s0 =	simm.s32 @!p1 $0x0  }
0x14: {  	s2 =	sld [smem:$0x3F93];
	s0 =	simm.s32 @p1 $0x1  }
0x15: {  	[smem:$0x3FB0] =	sst s0;
	s0 =	simm.s32 @!p2 $0x0  }
0x16: {  	s3 =	sld [smem:$0x3FDB];
	s0 =	simm.s32 @p2 $0x1  }
0x17: {  	s4 =	simm.s32 $0x1BF5;
	[smem:$0x3FB2] =	sst s0  }
0x18: {  	s0 =	sld [smem:$0x3F95];
	_ =	swait.ge [sflag:s4], $0x0  }
0x19: {  	s7 =	sld [smem:$0x3F96]  }
0x1a: {  	s8 =	sadd.s32 $0xFFFFE003, lr  }
0x1b: {  	s9 =	sadd.s32 $0xFFFFFEF7, lr;
	s5 =	simm.s32 $0xFFFFFFFF;
	p2 =	slt.u32 s8, $0xFFFFF086  }
0x1c: {  	p1 =	slt.u32 s9, $0xF7A;
	s5 =	simm.s32 @!p2 $0x0  }
0x1d: {  	s5 =	simm.s32 @p1 $0x1;
	p0 =	seq.s32 s7, s2  }
0x1e: {  	s7 =	smul.u32 @!p0 $0xF7A, s2;
	p2 =	seq.s32 @!p0 s5, $0x0  }
0x1f: {  	s9 =	smul.u32 $0xF7A, s1;
	s8 =	simm.s32 @!p0 $0x1BF5;
	p2 =	por !p2, p0  }
0x20: {  	[sflag:s8] =	ssyncset.s32 @!p0 $0xFFFFF086;
	s6 =	sadd.s32 @!p0 s3, s7;
	s7 =	simm.s32 @!p0 $0x108  }
0x21: {  	s3 =	sadd.s32 s3, s9;
	s6 =	sadd.s32 @!p0 $0x88, s6;
	s7 =	simm.s32 @p2 $0x1082  }
0x22: {  	[simem:s7], [sflag:s8] =	dma.local @!p0 [hbm:s6], $0xF7A  }
0x23: {  	s9 =	sor.u32 $0xD0000000, s2;
	s6 =	simm.s32 $0x108;
	_ =	swait.ge @!p0 [sflag:s8], $0x0  }
0x24: {  	s3 =	sadd.s32 $0x88, s3;
	s6 =	simm.s32 @!p1 $0x1082;
	[sflag:s4] =	ssyncset.s32 $0xFFFFF086  }
0x25: {  	[simem:s6], [sflag:s4] =	dma.local [hbm:s3], $0xF7A  }
0x26: {  	[smem:$0x3F96] =	sst s1;
	(tag) =	ssettag s2;
	_ =	strace s9  }
0x27: {  	s1 =	sld [smem:$0x3FA6]  }
0x28: {  	s2 =	sld [smem:$0x3FA7]  }
0x29: {  	s4 =	sld [smem:$0x3FA9]  }
0x2a: {  	p0 =	seq.s32 s5, $0x0;
	s5 =	sld [smem:$0x3FAA]  }
0x2b: {  	s6 =	sld [smem:$0x3FAB]  }
0x2c: {  	s7 =	sld [smem:$0x3FAC]  }
0x2d: {  	s3 =	simm.s32 $0x108;
	s8 =	sld [smem:$0x3FAD]  }
0x2e: {  	s3 =	simm.s32 @!p0 $0x1082;
	s9 =	sld [smem:$0x3FAE]  }
0x2f: {  	lr =	sadd.s32 s0, s3;
	s0 =	sld [smem:$0x3FA5]  }
0x30: {  	s3 =	sld [smem:$0x3FA8]  }
0x31: {  	[smem:$0x3FB1] =	sst s10  }
0x32: {  	s10 =	sld [smem:$0x3FAF];
	_ =	sdelay $0x3  }
0x33: {  	p0 =	seq.s32 s10, $0x1;
	s10 =	sld [smem:$0x3FB1];
	_ =	sdelay $0x3  }
0x34: {  	[smem:$0x3FB1] =	sst s10  }
0x35: {  	s10 =	sld [smem:$0x3FB0];
	_ =	sdelay $0x3  }
0x36: {  	p1 =	seq.s32 s10, $0x1;
	s10 =	sld [smem:$0x3FB1];
	_ =	sdelay $0x3  }
0x37: {  	[smem:$0x3FB1] =	sst s10  }
0x38: {  	s10 =	sld [smem:$0x3FB2]  }
0x39: {  	_ = 	snop;
	(pc) =	sbr.ind lr, $3  }
0x3a: {  	_ = 	snop  }
0x3b: {  	_ = 	snop  }
0x3c: {  	p2 =	seq.s32 s10, $0x1;
	s10 =	sld [smem:$0x3FB1]  }
0x3d: {  	_ =	shalt  }
0x3e: {  	_ =	shalt  }
0x3f: {  	_ =	shalt  }
0x40: {  	_ =	shalt  }
0x41: {  	_ =	shalt  }
0x42: {  	_ =	shalt  }
0x43: {  	_ =	shalt  }
0x44: {  	_ =	shalt  }
0x45: {  	_ =	shalt  }
0x46: {  	_ =	shalt  }
0x47: {  	_ =	shalt  }
0x48: {  	_ =	shalt  }
0x49: {  	_ =	shalt  }
0x4a: {  	_ =	shalt  }
0x4b: {  	_ =	shalt  }
0x4c: {  	_ =	shalt  }
0x4d: {  	_ =	shalt  }
0x4e: {  	_ =	shalt  }
0x4f: {  	_ =	shalt  }
0x50: {  	_ =	shalt  }
0x51: {  	_ =	shalt  }
0x52: {  	_ =	shalt  }
0x53: {  	_ =	shalt  }
0x54: {  	_ =	shalt  }
0x55: {  	_ =	shalt  }
0x56: {  	_ =	shalt  }
0x57: {  	_ =	shalt  }
0x58: {  	_ =	shalt  }
0x59: {  	_ =	shalt  }
0x5a: {  	_ =	shalt  }
0x5b: {  	_ =	shalt  }
0x5c: {  	_ =	shalt  }
0x5d: {  	_ =	shalt  }
0x5e: {  	_ =	shalt  }
0x5f: {  	_ =	shalt  }
0x60: {  	_ =	shalt  }
0x61: {  	_ =	shalt  }
0x62: {  	_ =	shalt  }
0x63: {  	_ =	shalt  }
0x64: {  	_ =	shalt  }
0x65: {  	_ =	shalt  }
0x66: {  	_ =	shalt  }
0x67: {  	_ =	shalt  }
0x68: {  	_ =	shalt  }
0x69: {  	_ =	shalt  }
0x6a: {  	_ =	shalt  }
0x6b: {  	_ =	shalt  }
0x6c: {  	_ =	shalt  }
0x6d: {  	_ =	shalt  }
0x6e: {  	_ =	shalt  }
0x6f: {  	_ =	shalt  }
0x70: {  	_ =	shalt  }
0x71: {  	_ =	shalt  }
0x72: {  	_ =	shalt  }
0x73: {  	_ =	shalt  }
0x74: {  	_ =	shalt  }
0x75: {  	_ =	shalt  }
0x76: {  	_ =	shalt  }
0x77: {  	_ =	shalt  }
0x78: {  	_ =	shalt  }
0x79: {  	_ =	shalt  }
0x7a: {  	_ =	shalt  }
0x7b: {  	_ =	shalt  }
0x7c: {  	_ =	shalt  }
0x7d: {  	_ =	shalt  }
0x7e: {  	_ =	shalt  }
0x7f: {  	_ =	shalt  }
0x80: {  	_ =	shalt  }
0x81: {  	_ =	shalt  }
0x82: {  	_ =	shalt  }
0x83: {  	_ =	shalt  }
0x84: {  	_ =	shalt  }
0x85: {  	_ =	shalt  }
0x86: {  	_ =	shalt  }
0x87: {  	_ =	shalt  }
.Lfunc_end0:
.L_simem_size_0:
called_computation.1_lowered:
.L_overlay_start_0:
0x88: {  	s2 =	sld [smem:$0x3FD9]  }
0x89: {  	s3 =	sld [smem:$0x3FFE];
	_ =	sdelay $0x1  }
0x8a: {  	s1 =	srdreg.scid  }
0x8b: {  	s0 =	sand.u32 $0x1, s1  }
0x8c: {  	s16 =	sshll.u32 s0, $0xA;
	s2 =	sadd.s32 s3, s2  }
0x8d: {  	s2 =	sadd.s32 s2, s16  }
0x8e: {  	[smem:$0x3FBD] =	sst s2  }
0x8f: {  	_ = 	snop  }
0x90: {  	(tm) =	ssettm $0x1  }
0x91: {  	s17 =	sld [smem:$0x3FFB];
	_ =	sdelay $0x3  }
0x92: {  	_ =	strace s17  }
0x93: {  	s2 =	sld [smem:$0x3FFC];
	_ =	sdelay $0x3  }
0x94: {  	_ =	strace s2  }
0x95: {  	s2 =	sld [smem:$0x3FFD];
	_ =	sdelay $0x3  }
0x96: {  	_ =	strace s2  }
0x97: {  	_ =	strace $0x8FFFFFFF  }
0x98: {  	s18 =	sld [smem:$0x3FDB];
	_ =	sdelay $0x1  }
0x99: {  	s19 =	simm.s32 $_scs_section_size  }
0x9a: {  	s4 =	simm.s32 $_size__tile_overlayer_lowered;
	s5 =	simm.s32 $_tile_overlayer_lowered  }
0x9b: {  	s22 =	simm.s32 $0x1BFF;
	s21 =	sshll.u32 s5, $0x1;
	s2 =	sadd.s32 s19, s18  }
0x9c: {  	s6 =	simm.s32 $0x0;
	s20 =	sshll.u32 s4, $0x1;
	s4 =	sadd.s32 s21, s2  }
0x9d: {  	[timem:s6], [sflag:s22] =	dma.local [hbm:s4], s20  }
0x9e: {  	_ =	swait.ge [sflag:s22], s20  }
0x9f: {  	s3 =	ssub.s32 $0x0, s20;
	[sflag:s22] =	ssyncset.done $0x0  }
0xa0: {  	[sflag:s22] =	ssyncadd.s32 s3;
	_ =	sdelay $0x1  }
0xa1: {  	s23 =	simm.s32 $0x1B8B  }
0xa2: {  	_ =	swait.ge [sflag:s23], $0x1  }
0xa3: {  	[sflag:s23] =	ssyncset.done $0x0  }
0xa4: {  	s25 =	simm.s32 $0x1B8E;
	s24 =	sld [smem:$0x3FFE];
	[sflag:s23] =	ssyncadd.s32 $0xFFFFFFFF  }
0xa5: {  	s26 =	simm.s32 $execute0_lowered;
	[smem:$0x3FD2] =	sst s25  }
0xa6: {  	s4 =	sshll.u32 s26, $0x1;
	_ =	strace $0x80000049;
	[dreg:$0x1] =	wrdreg $0xFFFFFFFF  }
0xa7: {  	s28 =	simm.s32 $_size_execute0_lowered;
	s2 =	sadd.s32 s2, s4;
	[dreg:$0x0] =	wrdreg $0x0  }
0xa8: {  	s4 =	sshll.u32 s28, $0x1;
	[dreg:$0x2] =	wrdreg s2  }
0xa9: {  	[dreg:$0x3] =	wrdreg s4  }
0xaa: {  	[dreg:$0x4] =	wrdreg $0xC0  }
0xab: {  	_ =	task [dreg:s6], $0x5FFFF  }
0xac: {  	[dreg:$0x1] =	wrdreg $0xFFFFFFFF  }
0xad: {  	[dreg:$0x0] =	wrdreg $0x60  }
0xae: {  	[dreg:$0x2] =	wrdreg s24  }
0xaf: {  	[dreg:$0x3] =	wrdreg $0xA8000  }
0xb0: {  	[dreg:$0x4] =	wrdreg $0x9  }
0xb1: {  	_ =	task.clear_ibuf [dreg:s6], $0x5FFFF;
	_ =	strace $0x90000049  }
0xb2: {  	s29 =	simm.s32 $0x9;
	_ =	strace $0x8000004B  }
0xb3: {  	_ =	swait.ge [sflag:s29], $0x1  }
0xb4: {  	[sflag:s29] =	ssyncadd.s32 $0xFFFFFFFF  }
0xb5: {  	_ =	strace $0x9000004B  }
0xb6: {  	_ =	sfence  }
0xb7: {  	s30 =	sld [smem:$0x0];
	_ =	sdelay $0x2  }
0xb8: {  	s31 =	sshll.u32 s1, $0xD;
	s1 =	sshrl.u32 s1, $0x2  }
0xb9: {  	s3 =	sand.u32 $0x4000, s31;
	s1 =	sadd.s32 s1, s30  }
0xba: {  	s0 =	sor.u32 s3, s0;
	s1 =	sshll.u32 s1, $0x11  }
0xbb: {  	s0 =	sor.u32 s1, s0  }
0xbc: {  	s0 =	sadd.s32 $0x8F2B, s0  }
0xbd: {  	[sflag:s0] =	ssyncadd.remote.s32 $0x1  }
0xbe: {  	_ =	sfence.sel $0xFFFF  }
0xbf: {  	[dreg:$0x0] =	wrdreg $0xFFFFFFFF;
	(pc) =	sbr.abs _section_cstart, $3  }
0xc0: {  	[dreg:$0x1] =	wrdreg $0xFFFFFFFF  }
0xc1: {  	_ =	task.clear_ibuf [dreg:s6], $0x2FFFF;
	_ =	strace $0x9FFFFFFF  }
0xc2: {  	(tm) =	ssettm $0x7FFFFFFF  }
0xc3: {  	_ =	shalt  }
tec
execute0_lowered:
.L_overlay_start_1:
0x0: {  	(tag) =	ssettag $0x1  }
0x1: {  	s0 =	rddreg [dreg:$0x0]  }
0x2: {  	s1 =	rddreg [dreg:$0x1];
	s2 =	simm.s32 $0x0;
	s3 =	srdreg.scid  }
0x3: {  	s14 =	stileid.u32;
	s16 =	simm.s32 $0x7;
	s17 =	simm.s32 $0x1800  }
0x4: {  	s18 =	simm.s32 $0x50;
	s19 =	simm.s32 $0x3000;
	s20 =	simm.s32 $0x80  }
0x5: {  	s21 =	simm.s32 $0x5800;
	s22 =	simm.s32 $0x1;
	s23 =	simm.s32 $0x100  }
0x6: {  	s24 =	simm.s32 $0x8000;
	s28 =	simm.s32 $0x3;
	s29 =	simm.s32 $0x5  }
0x7: {  	s30 =	simm.s32 $0x6;
	s31 =	simm.s32 $0x2C00;
	[smem:$0x7FF] =	sst s2  }
0x8: {  	s4 =	sadd.s32 $0x3B600, s0;
	s5 =	sadd.s32 $0x29600, s0;
	s8 =	smul.u32 $0x4F000, s14  }
0x9: {  	s3 =	sand.u32 $0x1, s3;
	s6 =	sadd.s32 $0x17600, s0;
	s11 =	smul.u32 $0x2780, s14  }
0xa: {  	s10 =	sadd.s32 $0x62800, s0;
	s12 =	smul.u32 $0x13C00, s14;
	s13 =	sadd.s32 $0x128400, s1  }
0xb: {  	s0 =	sadd.s32 $0x60680, s0;
	p0 =	seq.s32 s14, $0xF;
	_ =	strace $0x8000004A  }
0xc: {  	s7 =	ssub.s32 $0x2, s3;
	s25 =	sshll.u32 s3, $0x4;
	s3 =	smul.u32 $0x138800, s3  }
0xd: {  	[dreg:$0x4] =	wrdreg s0;
	s13 =	sshrl.u32 @p0 s13, $0x3;
	s9 =	sshrl.u32 s7, $0x1  }
0xe: {  	s8 =	sshrl.u32 s8, $0x2;
	s11 =	sadd.s32 s4, s11;
	s7 =	ssub.s32 s7, s9  }
0xf: {  	s9 =	sor.u32 s14, s25;
	s8 =	sadd.s32 s8, s1;
	[dreg:$0x3] =	wrdreg s11  }
0x10: {  	s26 =	sadd.s32 s12, s3;
	s3 =	sshrl.u32 s3, $0x3;
	s25 =	simm.s32 $0x2  }
0x11: {  	s9 =	smul.u32 $0x4800, s9;
	s0 =	sshrl.u32 s26, $0x3;
	s3 =	sadd.s32 s10, s3  }
0x12: {  	s12 =	smax.u32 s7, $0x1;
	s15 =	sshrl.u32 @!p0 s8, $0x3;
	s0 =	sadd.s32 s10, s0  }
0x13: {  	s26 =	simm.s32 $0x4;
	[dreg:$0x5] =	wrdreg s0;
	s0 =	sshll.u32 @!p0 s14, $0x6  }
0x14: {  	s11 =	sadd.s32 $0x25080, s3;
	s14 =	sor.u32 @!p0 $0x1C07, s0;
	s0 =	simm.s32 $0x2C80  }
.LBB2_1:
0x15: {  	s3 =	simm.s32 @p0 $0x1FC7;
	s7 =	rddreg [dreg:$0x4]  }
0x16: {  	[spmem:s13], [sflag:s3] =	dma.local @p0 [hbm:s7], $0x2080  }
0x17: {  	s3 =	simm.s32 @p0 $0x7  }
0x18: {  	_ =	swait.ge @p0 [sflag:s3], $0x2080  }
0x19: {  	[sflag:s3] =	ssyncset.done @p0 $0x0  }
0x1a: {  	[sflag:s3] =	ssyncadd.s32 @p0 $0xFFFFDF80;
	s3 =	rddreg [dreg:$0x3]  }
0x1b: {  	[spmem:s15], [sflag:s14] =	dma.local @!p0 [hbm:s3], $0x2780  }
0x1c: {  	s3 =	simm.s32 @!p0 $0x7  }
0x1d: {  	_ =	swait.ge @!p0 [sflag:s3], $0x2780  }
0x1e: {  	[sflag:s3] =	ssyncset.done @!p0 $0x0  }
0x1f: {  	[sflag:s3] =	ssyncadd.s32 @!p0 $0xFFFFD880  }
0x20: {  	s3 =	simm.s32 $0x0;
	[bflag:$0x0] =	sbarrier.arrive $0xFFFF  }
.LBB2_2:
0x21: {  	s7 =	smul.u32 $0x1800, s3;
	_ =	sdelay $0x1  }
0x22: {  	s7 =	sadd.s32 s9, s7  }
0x23: {  	s7 =	sshrl.u32 s7, $0x3  }
0x24: {  	s10 =	simm.s32 $0x0;
	s8 =	sadd.s32 s5, s7  }
0x25: {  	[tilespmem:s10], [sflag:$0x7] =	stream.linear.gather [hbm4b:s8+s10], $0x1500, $0x38;
	[tilespmem:$0x1E0C0] =	vst v63  }
0x26: {  	_ =	swait.ge [sflag:s16], $0x1500  }
0x27: {  	[sflag:s16] =	ssyncset.done $0x0  }
0x28: {  	s7 =	sadd.s32 s6, s7;
	[sflag:s16] =	ssyncadd.s32 $0xFFFFEB00  }
0x29: {  	[tilespmem:s17], [sflag:$0x7] =	stream.linear.gather [hbm4b:s7+s10], $0x1500, $0x38;
	[tilespmem:$0x1E0C0] =	vst v63  }
0x2a: {  	_ =	swait.ge [sflag:s16], $0x1500  }
0x2b: {  	[sflag:s16] =	ssyncset.done $0x0  }
0x2c: {  	[sflag:s16] =	ssyncadd.s32 $0xFFFFEB00  }
0x2d: {  	[tilespmem:s19], [sflag:$0x1] =	stream.indirect.gather [hbm4b:s4+s18], $0x80, s10, s18, $0xb8;
	[tilespmem:$0x1E0C0] =	vst v63  }
0x2e: {  	_ = 	snop  }
0x2f: {  	[tilespmem:s21], [sflag:$0x2] =	stream.indirect.gather [hbm4b:s4+s18], $0x80, s20, s18, $0xb8;
	[tilespmem:$0x1E0C0] =	vst v63  }
0x30: {  	_ =	swait.ge [sflag:s22], $0x2800  }
0x31: {  	[sflag:s22] =	ssyncset.done $0x0  }
0x32: {  	[sflag:s22] =	ssyncadd.s32 $0xFFFFD800  }
0x33: {  	[spmem:s1] =	stream.indirect.scatter.add.f32 [tilespmem:s19], [sflag:$0x4], $0x80, s17, s18, $0xb8;
	[tilespmem:$0x1E0C0] =	vst v63  }
0x34: {  	_ = 	snop  }
0x35: {  	[tilespmem:s24], [sflag:$0x3] =	stream.indirect.gather [hbm4b:s4+s18], $0x80, s23, s18, $0xb8;
	[tilespmem:$0x1E0C0] =	vst v63  }
0x36: {  	_ =	swait.ge [sflag:s25], $0x2800  }
0x37: {  	[sflag:s25] =	ssyncset.done $0x0  }
0x38: {  	s10 =	simm.s32 $0x1880;
	[sflag:s25] =	ssyncadd.s32 $0xFFFFD800  }
0x39: {  	[spmem:s1] =	stream.indirect.scatter.add.f32 [tilespmem:s21], [sflag:$0x5], $0x80, s10, s18, $0xb8;
	[tilespmem:$0x1E0C0] =	vst v63  }
0x3a: {  	_ =	swait.ge [sflag:s26], $0x2800  }
0x3b: {  	[sflag:s26] =	ssyncset.done $0x0  }
0x3c: {  	s8 =	simm.s32 $0x180;
	[sflag:s26] =	ssyncadd.s32 $0xFFFFD800  }
0x3d: {  	[tilespmem:s19], [sflag:$0x1] =	stream.indirect.gather [hbm4b:s4+s18], $0x80, s8, s18, $0xb8;
	[tilespmem:$0x1E0C0] =	vst v63  }
0x3e: {  	_ =	swait.ge [sflag:s28], $0x2800  }
0x3f: {  	[sflag:s28] =	ssyncset.done $0x0  }
0x40: {  	s10 =	simm.s32 $0x1900;
	[sflag:s28] =	ssyncadd.s32 $0xFFFFD800  }
0x41: {  	[spmem:s1] =	stream.indirect.scatter.add.f32 [tilespmem:s24], [sflag:$0x6], $0x80, s10, s18, $0xb8;
	[tilespmem:$0x1E0C0] =	vst v63  }
0x42: {  	_ =	swait.ge [sflag:s29], $0x2800  }
0x43: {  	[sflag:s29] =	ssyncset.done $0x0  }
0x44: {  	s8 =	simm.s32 $0x200;
	[sflag:s29] =	ssyncadd.s32 $0xFFFFD800  }
0x45: {  	[tilespmem:s21], [sflag:$0x2] =	stream.indirect.gather [hbm4b:s4+s18], $0x80, s8, s18, $0xb8;
	[tilespmem:$0x1E0C0] =	vst v63  }
0x46: {  	_ =	swait.ge [sflag:s22], $0x2800  }
0x47: {  	[sflag:s22] =	ssyncset.done $0x0  }
0x48: {  	s10 =	simm.s32 $0x1980;
	[sflag:s22] =	ssyncadd.s32 $0xFFFFD800  }
0x49: {  	[spmem:s1] =	stream.indirect.scatter.add.f32 [tilespmem:s19], [sflag:$0x4], $0x80, s10, s18, $0xb8;
	[tilespmem:$0x1E0C0] =	vst v63  }
0x4a: {  	_ =	swait.ge [sflag:s30], $0x2800  }
0x4b: {  	[sflag:s30] =	ssyncset.done $0x0  }
0x4c: {  	s7 =	simm.s32 $0x600;
	s8 =	simm.s32 $0x280;
	[sflag:s30] =	ssyncadd.s32 $0xFFFFD800  }
.LBB2_3:
0x4d: {  	[tilespmem:s24], [sflag:$0x3] =	stream.indirect.gather [hbm4b:s4+s18], $0x80, s8, s18, $0xb8;
	[tilespmem:$0x1E0C0] =	vst v63  }
0x4e: {  	s8 =	smov.u32 s7  }
0x4f: {  	p1 =	sne.s32 s7, $0x4800;
	s7 =	sadd.s32 $0x600, s7;
	_ =	swait.ge [sflag:s25], $0x2800  }
0x50: {  	s8 =	sshra.s32 s8, $0x2;
	[sflag:s25] =	ssyncset.done $0x0  }
0x51: {  	s10 =	sadd.s32 $0x1880, s8;
	[sflag:s25] =	ssyncadd.s32 $0xFFFFD800  }
0x52: {  	[spmem:s1] =	stream.indirect.scatter.add.f32 [tilespmem:s21], [sflag:$0x5], $0x80, s10, s18, $0xb8;
	[tilespmem:$0x1E0C0] =	vst v63  }
0x53: {  	_ =	swait.ge [sflag:s26], $0x2800  }
0x54: {  	[sflag:s26] =	ssyncset.done $0x0  }
0x55: {  	s10 =	sadd.s32 $0x180, s8;
	[sflag:s26] =	ssyncadd.s32 $0xFFFFD800  }
0x56: {  	[tilespmem:s19], [sflag:$0x1] =	stream.indirect.gather [hbm4b:s4+s18], $0x80, s10, s18, $0xb8;
	[tilespmem:$0x1E0C0] =	vst v63  }
0x57: {  	_ =	swait.ge [sflag:s28], $0x2800  }
0x58: {  	[sflag:s28] =	ssyncset.done $0x0  }
0x59: {  	s10 =	sadd.s32 $0x1900, s8;
	[sflag:s28] =	ssyncadd.s32 $0xFFFFD800  }
0x5a: {  	[spmem:s1] =	stream.indirect.scatter.add.f32 [tilespmem:s24], [sflag:$0x6], $0x80, s10, s18, $0xb8;
	[tilespmem:$0x1E0C0] =	vst v63  }
0x5b: {  	_ =	swait.ge [sflag:s29], $0x2800  }
0x5c: {  	[sflag:s29] =	ssyncset.done $0x0  }
0x5d: {  	s10 =	sadd.s32 $0x200, s8;
	[sflag:s29] =	ssyncadd.s32 $0xFFFFD800  }
0x5e: {  	[tilespmem:s21], [sflag:$0x2] =	stream.indirect.gather [hbm4b:s4+s18], $0x80, s10, s18, $0xb8;
	[tilespmem:$0x1E0C0] =	vst v63  }
0x5f: {  	_ =	swait.ge [sflag:s22], $0x2800  }
0x60: {  	[sflag:s22] =	ssyncset.done $0x0  }
.Ltmp0:
0x61: {  	s10 =	sadd.s32 $0x1980, s8;
	[sflag:s22] =	ssyncadd.s32 $0xFFFFD800;
	(pc) =	sbr.rel @p1 .LBB2_3-.Ltmp0, $4  }
0x62: {  	[spmem:s1] =	stream.indirect.scatter.add.f32 [tilespmem:s19], [sflag:$0x4], $0x80, s10, s18, $0xb8;
	[tilespmem:$0x1E0C0] =	vst v63  }
0x63: {  	_ =	swait.ge [sflag:s30], $0x2800  }
0x64: {  	[sflag:s30] =	ssyncset.done $0x0  }
0x65: {  	s8 =	sadd.s32 $0x280, s8;
	[sflag:s30] =	ssyncadd.s32 $0xFFFFD800  }
0x66: {  	[tilespmem:s24], [sflag:$0x3] =	stream.indirect.gather [hbm4b:s4+s18], $0x80, s8, s18, $0xb8;
	[tilespmem:$0x1E0C0] =	vst v63  }
0x67: {  	_ =	swait.ge [sflag:s25], $0x2800  }
0x68: {  	[sflag:s25] =	ssyncset.done $0x0  }
0x69: {  	[sflag:s25] =	ssyncadd.s32 $0xFFFFD800  }
0x6a: {  	[spmem:s1] =	stream.indirect.scatter.add.f32 [tilespmem:s21], [sflag:$0x5], $0x80, s31, s18, $0xb8;
	[tilespmem:$0x1E0C0] =	vst v63  }
0x6b: {  	_ =	swait.ge [sflag:s28], $0x2800  }
0x6c: {  	[sflag:s28] =	ssyncset.done $0x0  }
0x6d: {  	[sflag:s28] =	ssyncadd.s32 $0xFFFFD800  }
0x6e: {  	[spmem:s1] =	stream.indirect.scatter.add.f32 [tilespmem:s24], [sflag:$0x6], $0x80, s0, s18, $0xb8;
	[tilespmem:$0x1E0C0] =	vst v63  }
0x6f: {  	_ =	swait.ge [sflag:s26], $0x2800  }
0x70: {  	[sflag:s26] =	ssyncset.done $0x0  }
0x71: {  	s3 =	sadd.s32 $0x1, s3;
	[sflag:s26] =	ssyncadd.s32 $0xFFFFD800  }
0x72: {  	p1 =	sne.s32 s3, $0x3;
	_ =	swait.ge [sflag:s29], $0x2800  }
.Ltmp1:
0x73: {  	[sflag:s29] =	ssyncset.done $0x0;
	(pc) =	sbr.rel @p1 .LBB2_2-.Ltmp1, $4  }
0x74: {  	[sflag:s29] =	ssyncadd.s32 $0xFFFFD800  }
0x75: {  	_ =	swait.ge [sflag:s30], $0x2800  }
0x76: {  	[sflag:s30] =	ssyncset.done $0x0  }
0x77: {  	[sflag:s30] =	ssyncadd.s32 $0xFFFFD800  }
0x78: {  	[bflag:$0x0] =	sbarrier.arrive $0xFFFF;
	s3 =	simm.s32 @p0 $0x1FC7  }
0x79: {  	[hbm:s11], [sflag:s3] =	dma.local @p0 [spmem:s13], $0x2080  }
0x7a: {  	s3 =	simm.s32 @p0 $0x7  }
0x7b: {  	_ =	swait.ge @p0 [sflag:s3], $0x2080  }
0x7c: {  	s2 =	sadd.s32 $0x1, s2;
	[sflag:s3] =	ssyncset.done @p0 $0x0  }
0x7d: {  	p1 =	sne.s32 s2, s12;
	[sflag:s3] =	ssyncadd.s32 @p0 $0xFFFFDF80;
	s3 =	rddreg [dreg:$0x5]  }
0x7e: {  	[hbm:s3], [sflag:s14] =	dma.local @!p0 [spmem:s15], $0x2780  }
.Ltmp2:
0x7f: {  	_ = 	snop;
	(pc) =	sbr.rel @p1 .LBB2_1-.Ltmp2, $4  }
0x80: {  	s3 =	simm.s32 @!p0 $0x7  }
0x81: {  	_ =	swait.ge @!p0 [sflag:s3], $0x2780  }
0x82: {  	[sflag:s3] =	ssyncset.done @!p0 $0x0  }
0x83: {  	[sflag:s3] =	ssyncadd.s32 @!p0 $0xFFFFD880  }
0x84: {  	_ =	sfence.sel $0x180000  }
0x85: {  	[bflag:$0x0] =	sbarrier.arrive $0xFFFF  }
0x86: {  	_ =	strace $0x9000004A  }
0x87: {  	s0 =	stileid.u32;
	[bflag:$0x2] =	sbarrier.arrive $0xFFFF  }
0x88: {  	p0 =	sne.s32 s0, $0x0;
	s0 =	rddreg [dreg:$0x2]  }
0x89: {  	s0 =	sadd.s32 @!p0 $0x100000, s0  }
0x8a: {  	[sflag:s0] =	ssyncadd.tile.s32 @!p0 $0x1;
	_ =	shalt  }
.Lfunc_end2:
_tile_overlayer_lowered:
.L_overlay_start_2:
0x8b: {  	(tag) =	ssettag $0x2  }
0x8c: {  	s0 =	rddreg [dreg:$0x0];
	s2 =	stileid.u32  }
0x8d: {  	s1 =	rddreg [dreg:$0x1];
	p0 =	sne.s32 s2, $0x0  }
0x8e: {  	s3 =	rddreg [dreg:$0x2];
	[bflag:$0x3] =	sbarrier.arrive $0xFFFF;
	s2 =	simm.s32 @!p0 $0x1C07  }
0x8f: {  	[timem:s3], [sflag:s2] =	dma.local @!p0 [hbm:s0], s1  }
0x90: {  	s0 =	simm.s32 @!p0 $0x7  }
0x91: {  	_ =	swait.ge @!p0 [sflag:s0], s1  }
0x92: {  	s1 =	ssub.s32 @!p0 $0x0, s1;
	[sflag:s0] =	ssyncset.done @!p0 $0x0  }
0x93: {  	[sflag:s0] =	ssyncadd.s32 @!p0 s1  }
0x94: {  	[bflag:$0x3] =	sbarrier.arrive $0xFFFF  }
0x95: {  	_ =	shalt  }

// kernel: kernel.17.cloned.1.call-start
scs
__scs_entry_jumppad:
0x0: {  	(pc) =	sbr.rel $0x88, $3  }
0x1: {  	(tag) =	ssettag $0x0;
	lr =	simm.s32 $0x1  }
0x2: {  	[smem:$0x3F96] =	sst lr;
	_ =	strace $0xD0000000  }
0x3: {  	_ = 	snop  }
0x4: {  	_ = 	snop  }
0x5: {  	_ = 	snop  }
0x6: {  	_ = 	snop  }
0x7: {  	_ = 	snop  }
__scs_overlays_trampoline_lowered:
0x8: {  	[smem:$0x3FA5] =	sst s0  }
0x9: {  	[smem:$0x3FA6] =	sst s1  }
0xa: {  	[smem:$0x3FA7] =	sst s2  }
0xb: {  	[smem:$0x3FA8] =	sst s3  }
0xc: {  	[smem:$0x3FA9] =	sst s4  }
0xd: {  	[smem:$0x3FAA] =	sst s5  }
0xe: {  	[smem:$0x3FAB] =	sst s6  }
0xf: {  	[smem:$0x3FAC] =	sst s7  }
0x10: {  	[smem:$0x3FAD] =	sst s8  }
0x11: {  	[smem:$0x3FAE] =	sst s9;
	s0 =	simm.s32 @!p0 $0x0  }
0x12: {  	s1 =	sld [smem:$0x3F94];
	s0 =	simm.s32 @p0 $0x1  }
0x13: {  	[smem:$0x3FAF] =	sst s0;
	s0 =	simm.s32 @!p1 $0x0  }
0x14: {  	s2 =	sld [smem:$0x3F93];
	s0 =	simm.s32 @p1 $0x1  }
0x15: {  	[smem:$0x3FB0] =	sst s0;
	s0 =	simm.s32 @!p2 $0x0  }
0x16: {  	s3 =	sld [smem:$0x3FDB];
	s0 =	simm.s32 @p2 $0x1  }
0x17: {  	s4 =	simm.s32 $0x1BF5;
	[smem:$0x3FB2] =	sst s0  }
0x18: {  	s0 =	sld [smem:$0x3F95];
	_ =	swait.ge [sflag:s4], $0x0  }
0x19: {  	s7 =	sld [smem:$0x3F96]  }
0x1a: {  	s8 =	sadd.s32 $0xFFFFE003, lr  }
0x1b: {  	s9 =	sadd.s32 $0xFFFFFEF7, lr;
	s5 =	simm.s32 $0xFFFFFFFF;
	p2 =	slt.u32 s8, $0xFFFFF086  }
0x1c: {  	p1 =	slt.u32 s9, $0xF7A;
	s5 =	simm.s32 @!p2 $0x0  }
0x1d: {  	s5 =	simm.s32 @p1 $0x1;
	p0 =	seq.s32 s7, s2  }
0x1e: {  	s7 =	smul.u32 @!p0 $0xF7A, s2;
	p2 =	seq.s32 @!p0 s5, $0x0  }
0x1f: {  	s9 =	smul.u32 $0xF7A, s1;
	s8 =	simm.s32 @!p0 $0x1BF5;
	p2 =	por !p2, p0  }
0x20: {  	[sflag:s8] =	ssyncset.s32 @!p0 $0xFFFFF086;
	s6 =	sadd.s32 @!p0 s3, s7;
	s7 =	simm.s32 @!p0 $0x108  }
0x21: {  	s3 =	sadd.s32 s3, s9;
	s6 =	sadd.s32 @!p0 $0x88, s6;
	s7 =	simm.s32 @p2 $0x1082  }
0x22: {  	[simem:s7], [sflag:s8] =	dma.local @!p0 [hbm:s6], $0xF7A  }
0x23: {  	s9 =	sor.u32 $0xD0000000, s2;
	s6 =	simm.s32 $0x108;
	_ =	swait.ge @!p0 [sflag:s8], $0x0  }
0x24: {  	s3 =	sadd.s32 $0x88, s3;
	s6 =	simm.s32 @!p1 $0x1082;
	[sflag:s4] =	ssyncset.s32 $0xFFFFF086  }
0x25: {  	[simem:s6], [sflag:s4] =	dma.local [hbm:s3], $0xF7A  }
0x26: {  	[smem:$0x3F96] =	sst s1;
	(tag) =	ssettag s2;
	_ =	strace s9  }
0x27: {  	s1 =	sld [smem:$0x3FA6]  }
0x28: {  	s2 =	sld [smem:$0x3FA7]  }
0x29: {  	s4 =	sld [smem:$0x3FA9]  }
0x2a: {  	p0 =	seq.s32 s5, $0x0;
	s5 =	sld [smem:$0x3FAA]  }
0x2b: {  	s6 =	sld [smem:$0x3FAB]  }
0x2c: {  	s7 =	sld [smem:$0x3FAC]  }
0x2d: {  	s3 =	simm.s32 $0x108;
	s8 =	sld [smem:$0x3FAD]  }
0x2e: {  	s3 =	simm.s32 @!p0 $0x1082;
	s9 =	sld [smem:$0x3FAE]  }
0x2f: {  	lr =	sadd.s32 s0, s3;
	s0 =	sld [smem:$0x3FA5]  }
0x30: {  	s3 =	sld [smem:$0x3FA8]  }
0x31: {  	[smem:$0x3FB1] =	sst s10  }
0x32: {  	s10 =	sld [smem:$0x3FAF];
	_ =	sdelay $0x3  }
0x33: {  	p0 =	seq.s32 s10, $0x1;
	s10 =	sld [smem:$0x3FB1];
	_ =	sdelay $0x3  }
0x34: {  	[smem:$0x3FB1] =	sst s10  }
0x35: {  	s10 =	sld [smem:$0x3FB0];
	_ =	sdelay $0x3  }
0x36: {  	p1 =	seq.s32 s10, $0x1;
	s10 =	sld [smem:$0x3FB1];
	_ =	sdelay $0x3  }
0x37: {  	[smem:$0x3FB1] =	sst s10  }
0x38: {  	s10 =	sld [smem:$0x3FB2]  }
0x39: {  	_ = 	snop;
	(pc) =	sbr.ind lr, $3  }
0x3a: {  	_ = 	snop  }
0x3b: {  	_ = 	snop  }
0x3c: {  	p2 =	seq.s32 s10, $0x1;
	s10 =	sld [smem:$0x3FB1]  }
0x3d: {  	_ =	shalt  }
0x3e: {  	_ =	shalt  }
0x3f: {  	_ =	shalt  }
0x40: {  	_ =	shalt  }
0x41: {  	_ =	shalt  }
0x42: {  	_ =	shalt  }
0x43: {  	_ =	shalt  }
0x44: {  	_ =	shalt  }
0x45: {  	_ =	shalt  }
0x46: {  	_ =	shalt  }
0x47: {  	_ =	shalt  }
0x48: {  	_ =	shalt  }
0x49: {  	_ =	shalt  }
0x4a: {  	_ =	shalt  }
0x4b: {  	_ =	shalt  }
0x4c: {  	_ =	shalt  }
0x4d: {  	_ =	shalt  }
0x4e: {  	_ =	shalt  }
0x4f: {  	_ =	shalt  }
0x50: {  	_ =	shalt  }
0x51: {  	_ =	shalt  }
0x52: {  	_ =	shalt  }
0x53: {  	_ =	shalt  }
0x54: {  	_ =	shalt  }
0x55: {  	_ =	shalt  }
0x56: {  	_ =	shalt  }
0x57: {  	_ =	shalt  }
0x58: {  	_ =	shalt  }
0x59: {  	_ =	shalt  }
0x5a: {  	_ =	shalt  }
0x5b: {  	_ =	shalt  }
0x5c: {  	_ =	shalt  }
0x5d: {  	_ =	shalt  }
0x5e: {  	_ =	shalt  }
0x5f: {  	_ =	shalt  }
0x60: {  	_ =	shalt  }
0x61: {  	_ =	shalt  }
0x62: {  	_ =	shalt  }
0x63: {  	_ =	shalt  }
0x64: {  	_ =	shalt  }
0x65: {  	_ =	shalt  }
0x66: {  	_ =	shalt  }
0x67: {  	_ =	shalt  }
0x68: {  	_ =	shalt  }
0x69: {  	_ =	shalt  }
0x6a: {  	_ =	shalt  }
0x6b: {  	_ =	shalt  }
0x6c: {  	_ =	shalt  }
0x6d: {  	_ =	shalt  }
0x6e: {  	_ =	shalt  }
0x6f: {  	_ =	shalt  }
0x70: {  	_ =	shalt  }
0x71: {  	_ =	shalt  }
0x72: {  	_ =	shalt  }
0x73: {  	_ =	shalt  }
0x74: {  	_ =	shalt  }
0x75: {  	_ =	shalt  }
0x76: {  	_ =	shalt  }
0x77: {  	_ =	shalt  }
0x78: {  	_ =	shalt  }
0x79: {  	_ =	shalt  }
0x7a: {  	_ =	shalt  }
0x7b: {  	_ =	shalt  }
0x7c: {  	_ =	shalt  }
0x7d: {  	_ =	shalt  }
0x7e: {  	_ =	shalt  }
0x7f: {  	_ =	shalt  }
0x80: {  	_ =	shalt  }
0x81: {  	_ =	shalt  }
0x82: {  	_ =	shalt  }
0x83: {  	_ =	shalt  }
0x84: {  	_ =	shalt  }
0x85: {  	_ =	shalt  }
0x86: {  	_ =	shalt  }
0x87: {  	_ =	shalt  }
.Lfunc_end0:
.L_simem_size_0:
called_computation.2_lowered:
.L_overlay_start_0:
0x88: {  	s2 =	sld [smem:$0x3FD9]  }
0x89: {  	s3 =	sld [smem:$0x3FFE];
	_ =	sdelay $0x1  }
0x8a: {  	s1 =	srdreg.scid  }
0x8b: {  	s0 =	sand.u32 $0x1, s1  }
0x8c: {  	s16 =	sshll.u32 s0, $0xA;
	s2 =	sadd.s32 s3, s2  }
0x8d: {  	s2 =	sadd.s32 s2, s16  }
0x8e: {  	[smem:$0x3FBD] =	sst s2  }
0x8f: {  	_ = 	snop  }
0x90: {  	(tm) =	ssettm $0x1  }
0x91: {  	s17 =	sld [smem:$0x3FFB];
	_ =	sdelay $0x3  }
0x92: {  	_ =	strace s17  }
0x93: {  	s2 =	sld [smem:$0x3FFC];
	_ =	sdelay $0x3  }
0x94: {  	_ =	strace s2  }
0x95: {  	s2 =	sld [smem:$0x3FFD];
	_ =	sdelay $0x3  }
0x96: {  	_ =	strace s2  }
0x97: {  	_ =	strace $0x8FFFFFFF  }
0x98: {  	s18 =	sld [smem:$0x3FDB];
	_ =	sdelay $0x1  }
0x99: {  	s19 =	simm.s32 $_scs_section_size  }
0x9a: {  	s4 =	simm.s32 $_size__tile_overlayer_lowered;
	s5 =	simm.s32 $_tile_overlayer_lowered  }
0x9b: {  	s22 =	simm.s32 $0x1BFF;
	s21 =	sshll.u32 s5, $0x1;
	s2 =	sadd.s32 s19, s18  }
0x9c: {  	s6 =	simm.s32 $0x0;
	s20 =	sshll.u32 s4, $0x1;
	s4 =	sadd.s32 s21, s2  }
0x9d: {  	[timem:s6], [sflag:s22] =	dma.local [hbm:s4], s20  }
0x9e: {  	_ =	swait.ge [sflag:s22], s20  }
0x9f: {  	s3 =	ssub.s32 $0x0, s20;
	[sflag:s22] =	ssyncset.done $0x0  }
0xa0: {  	[sflag:s22] =	ssyncadd.s32 s3;
	_ =	sdelay $0x1  }
0xa1: {  	s23 =	simm.s32 $0x1B8B  }
0xa2: {  	_ =	swait.ge [sflag:s23], $0x1  }
0xa3: {  	[sflag:s23] =	ssyncset.done $0x0  }
0xa4: {  	s25 =	simm.s32 $0x1B8E;
	s24 =	sld [smem:$0x3FFE];
	[sflag:s23] =	ssyncadd.s32 $0xFFFFFFFF  }
0xa5: {  	s26 =	simm.s32 $execute0_lowered;
	[smem:$0x3FD2] =	sst s25  }
0xa6: {  	s4 =	sshll.u32 s26, $0x1;
	_ =	strace $0x8000004C;
	[dreg:$0x1] =	wrdreg $0xFFFFFFFF  }
0xa7: {  	s28 =	simm.s32 $_size_execute0_lowered;
	s2 =	sadd.s32 s2, s4;
	[dreg:$0x0] =	wrdreg $0x0  }
0xa8: {  	s4 =	sshll.u32 s28, $0x1;
	[dreg:$0x2] =	wrdreg s2  }
0xa9: {  	[dreg:$0x3] =	wrdreg s4  }
0xaa: {  	[dreg:$0x4] =	wrdreg $0xC0  }
0xab: {  	_ =	task [dreg:s6], $0x5FFFF  }
0xac: {  	[dreg:$0x1] =	wrdreg $0xFFFFFFFF  }
0xad: {  	[dreg:$0x0] =	wrdreg $0x60  }
0xae: {  	[dreg:$0x2] =	wrdreg s24  }
0xaf: {  	[dreg:$0x3] =	wrdreg $0xA8000  }
0xb0: {  	[dreg:$0x4] =	wrdreg $0x9  }
0xb1: {  	_ =	task.clear_ibuf [dreg:s6], $0x5FFFF;
	_ =	strace $0x9000004C  }
0xb2: {  	s29 =	simm.s32 $0x9;
	_ =	strace $0x8000004E  }
0xb3: {  	_ =	swait.ge [sflag:s29], $0x1  }
0xb4: {  	[sflag:s29] =	ssyncadd.s32 $0xFFFFFFFF  }
0xb5: {  	_ =	strace $0x9000004E  }
0xb6: {  	_ =	sfence  }
0xb7: {  	s30 =	sld [smem:$0x0];
	_ =	sdelay $0x2  }
0xb8: {  	s31 =	sshll.u32 s1, $0xD;
	s1 =	sshrl.u32 s1, $0x2  }
0xb9: {  	s3 =	sand.u32 $0x4000, s31;
	s1 =	sadd.s32 s1, s30  }
0xba: {  	s0 =	sor.u32 s3, s0;
	s1 =	sshll.u32 s1, $0x11  }
0xbb: {  	s0 =	sor.u32 s1, s0  }
0xbc: {  	s0 =	sadd.s32 $0x8F2B, s0  }
0xbd: {  	[sflag:s0] =	ssyncadd.remote.s32 $0x1  }
0xbe: {  	_ =	sfence.sel $0xFFFF  }
0xbf: {  	[dreg:$0x0] =	wrdreg $0xFFFFFFFF;
	(pc) =	sbr.abs _section_cstart, $3  }
0xc0: {  	[dreg:$0x1] =	wrdreg $0xFFFFFFFF  }
0xc1: {  	_ =	task.clear_ibuf [dreg:s6], $0x2FFFF;
	_ =	strace $0x9FFFFFFF  }
0xc2: {  	(tm) =	ssettm $0x7FFFFFFF  }
0xc3: {  	_ =	shalt  }
tec
execute0_lowered:
.L_overlay_start_1:
0x0: {  	(tag) =	ssettag $0x1  }
0x1: {  	s0 =	rddreg [dreg:$0x0]  }
0x2: {  	s1 =	rddreg [dreg:$0x1];
	s2 =	simm.s32 $0x0;
	s3 =	srdreg.scid  }
0x3: {  	s14 =	stileid.u32;
	s16 =	simm.s32 $0x7;
	s17 =	simm.s32 $0x1800  }
0x4: {  	s18 =	simm.s32 $0x50;
	s19 =	simm.s32 $0x3000;
	s20 =	simm.s32 $0x80  }
0x5: {  	s21 =	simm.s32 $0x5800;
	s22 =	simm.s32 $0x1;
	s23 =	simm.s32 $0x100  }
0x6: {  	s24 =	simm.s32 $0x8000;
	s28 =	simm.s32 $0x3;
	s29 =	simm.s32 $0x5  }
0x7: {  	s30 =	simm.s32 $0x6;
	s31 =	simm.s32 $0x2C00;
	[smem:$0x7FF] =	sst s2  }
0x8: {  	s4 =	sadd.s32 $0x3B600, s0;
	s5 =	sadd.s32 $0x29600, s0;
	s8 =	smul.u32 $0x4F000, s14  }
0x9: {  	s3 =	sand.u32 $0x1, s3;
	s6 =	sadd.s32 $0x17600, s0;
	s11 =	smul.u32 $0x2780, s14  }
0xa: {  	s10 =	sadd.s32 $0x62800, s0;
	s12 =	smul.u32 $0x13C00, s14;
	s13 =	sadd.s32 $0x128400, s1  }
0xb: {  	s0 =	sadd.s32 $0x60680, s0;
	p0 =	seq.s32 s14, $0xF;
	_ =	strace $0x8000004D  }
0xc: {  	s7 =	ssub.s32 $0x2, s3;
	s25 =	sshll.u32 s3, $0x4;
	s3 =	smul.u32 $0x138800, s3  }
0xd: {  	[dreg:$0x4] =	wrdreg s0;
	s13 =	sshrl.u32 @p0 s13, $0x3;
	s9 =	sshrl.u32 s7, $0x1  }
0xe: {  	s8 =	sshrl.u32 s8, $0x2;
	s11 =	sadd.s32 s4, s11;
	s7 =	ssub.s32 s7, s9  }
0xf: {  	s9 =	sor.u32 s14, s25;
	s8 =	sadd.s32 s8, s1;
	[dreg:$0x3] =	wrdreg s11  }
0x10: {  	s26 =	sadd.s32 s12, s3;
	s3 =	sshrl.u32 s3, $0x3;
	s25 =	simm.s32 $0x2  }
0x11: {  	s9 =	smul.u32 $0x4800, s9;
	s0 =	sshrl.u32 s26, $0x3;
	s3 =	sadd.s32 s10, s3  }
0x12: {  	s12 =	smax.u32 s7, $0x1;
	s15 =	sshrl.u32 @!p0 s8, $0x3;
	s0 =	sadd.s32 s10, s0  }
0x13: {  	s26 =	simm.s32 $0x4;
	[dreg:$0x5] =	wrdreg s0;
	s0 =	sshll.u32 @!p0 s14, $0x6  }
0x14: {  	s11 =	sadd.s32 $0x25080, s3;
	s14 =	sor.u32 @!p0 $0x1C07, s0;
	s0 =	simm.s32 $0x2C80  }
.LBB2_1:
0x15: {  	s3 =	simm.s32 @p0 $0x1FC7;
	s7 =	rddreg [dreg:$0x4]  }
0x16: {  	[spmem:s13], [sflag:s3] =	dma.local @p0 [hbm:s7], $0x2080  }
0x17: {  	s3 =	simm.s32 @p0 $0x7  }
0x18: {  	_ =	swait.ge @p0 [sflag:s3], $0x2080  }
0x19: {  	[sflag:s3] =	ssyncset.done @p0 $0x0  }
0x1a: {  	[sflag:s3] =	ssyncadd.s32 @p0 $0xFFFFDF80;
	s3 =	rddreg [dreg:$0x3]  }
0x1b: {  	[spmem:s15], [sflag:s14] =	dma.local @!p0 [hbm:s3], $0x2780  }
0x1c: {  	s3 =	simm.s32 @!p0 $0x7  }
0x1d: {  	_ =	swait.ge @!p0 [sflag:s3], $0x2780  }
0x1e: {  	[sflag:s3] =	ssyncset.done @!p0 $0x0  }
0x1f: {  	[sflag:s3] =	ssyncadd.s32 @!p0 $0xFFFFD880  }
0x20: {  	s3 =	simm.s32 $0x0;
	[bflag:$0x0] =	sbarrier.arrive $0xFFFF  }
.LBB2_2:
0x21: {  	s7 =	smul.u32 $0x1800, s3;
	_ =	sdelay $0x1  }
0x22: {  	s7 =	sadd.s32 s9, s7  }
0x23: {  	s7 =	sshrl.u32 s7, $0x3  }
0x24: {  	s10 =	simm.s32 $0x0;
	s8 =	sadd.s32 s5, s7  }
0x25: {  	[tilespmem:s10], [sflag:$0x7] =	stream.linear.gather [hbm4b:s8+s10], $0x1500, $0x38;
	[tilespmem:$0x1E0C0] =	vst v63  }
0x26: {  	_ =	swait.ge [sflag:s16], $0x1500  }
0x27: {  	[sflag:s16] =	ssyncset.done $0x0  }
0x28: {  	s7 =	sadd.s32 s6, s7;
	[sflag:s16] =	ssyncadd.s32 $0xFFFFEB00  }
0x29: {  	[tilespmem:s17], [sflag:$0x7] =	stream.linear.gather [hbm4b:s7+s10], $0x1500, $0x38;
	[tilespmem:$0x1E0C0] =	vst v63  }
0x2a: {  	_ =	swait.ge [sflag:s16], $0x1500  }
0x2b: {  	[sflag:s16] =	ssyncset.done $0x0  }
0x2c: {  	[sflag:s16] =	ssyncadd.s32 $0xFFFFEB00  }
0x2d: {  	[tilespmem:s19], [sflag:$0x1] =	stream.indirect.gather [hbm4b:s4+s18], $0x80, s10, s18, $0xb8;
	[tilespmem:$0x1E0C0] =	vst v63  }
0x2e: {  	_ = 	snop  }
0x2f: {  	[tilespmem:s21], [sflag:$0x2] =	stream.indirect.gather [hbm4b:s4+s18], $0x80, s20, s18, $0xb8;
	[tilespmem:$0x1E0C0] =	vst v63  }
0x30: {  	_ =	swait.ge [sflag:s22], $0x2800  }
0x31: {  	[sflag:s22] =	ssyncset.done $0x0  }
0x32: {  	[sflag:s22] =	ssyncadd.s32 $0xFFFFD800  }
0x33: {  	[spmem:s1] =	stream.indirect.scatter.add.f32 [tilespmem:s19], [sflag:$0x4], $0x80, s17, s18, $0xb8;
	[tilespmem:$0x1E0C0] =	vst v63  }
0x34: {  	_ = 	snop  }
0x35: {  	[tilespmem:s24], [sflag:$0x3] =	stream.indirect.gather [hbm4b:s4+s18], $0x80, s23, s18, $0xb8;
	[tilespmem:$0x1E0C0] =	vst v63  }
0x36: {  	_ =	swait.ge [sflag:s25], $0x2800  }
0x37: {  	[sflag:s25] =	ssyncset.done $0x0  }
0x38: {  	s10 =	simm.s32 $0x1880;
	[sflag:s25] =	ssyncadd.s32 $0xFFFFD800  }
0x39: {  	[spmem:s1] =	stream.indirect.scatter.add.f32 [tilespmem:s21], [sflag:$0x5], $0x80, s10, s18, $0xb8;
	[tilespmem:$0x1E0C0] =	vst v63  }
0x3a: {  	_ =	swait.ge [sflag:s26], $0x2800  }
0x3b: {  	[sflag:s26] =	ssyncset.done $0x0  }
0x3c: {  	s8 =	simm.s32 $0x180;
	[sflag:s26] =	ssyncadd.s32 $0xFFFFD800  }
0x3d: {  	[tilespmem:s19], [sflag:$0x1] =	stream.indirect.gather [hbm4b:s4+s18], $0x80, s8, s18, $0xb8;
	[tilespmem:$0x1E0C0] =	vst v63  }
0x3e: {  	_ =	swait.ge [sflag:s28], $0x2800  }
0x3f: {  	[sflag:s28] =	ssyncset.done $0x0  }
0x40: {  	s10 =	simm.s32 $0x1900;
	[sflag:s28] =	ssyncadd.s32 $0xFFFFD800  }
0x41: {  	[spmem:s1] =	stream.indirect.scatter.add.f32 [tilespmem:s24], [sflag:$0x6], $0x80, s10, s18, $0xb8;
	[tilespmem:$0x1E0C0] =	vst v63  }
0x42: {  	_ =	swait.ge [sflag:s29], $0x2800  }
0x43: {  	[sflag:s29] =	ssyncset.done $0x0  }
0x44: {  	s8 =	simm.s32 $0x200;
	[sflag:s29] =	ssyncadd.s32 $0xFFFFD800  }
0x45: {  	[tilespmem:s21], [sflag:$0x2] =	stream.indirect.gather [hbm4b:s4+s18], $0x80, s8, s18, $0xb8;
	[tilespmem:$0x1E0C0] =	vst v63  }
0x46: {  	_ =	swait.ge [sflag:s22], $0x2800  }
0x47: {  	[sflag:s22] =	ssyncset.done $0x0  }
0x48: {  	s10 =	simm.s32 $0x1980;
	[sflag:s22] =	ssyncadd.s32 $0xFFFFD800  }
0x49: {  	[spmem:s1] =	stream.indirect.scatter.add.f32 [tilespmem:s19], [sflag:$0x4], $0x80, s10, s18, $0xb8;
	[tilespmem:$0x1E0C0] =	vst v63  }
0x4a: {  	_ =	swait.ge [sflag:s30], $0x2800  }
0x4b: {  	[sflag:s30] =	ssyncset.done $0x0  }
0x4c: {  	s7 =	simm.s32 $0x600;
	s8 =	simm.s32 $0x280;
	[sflag:s30] =	ssyncadd.s32 $0xFFFFD800  }
.LBB2_3:
0x4d: {  	[tilespmem:s24], [sflag:$0x3] =	stream.indirect.gather [hbm4b:s4+s18], $0x80, s8, s18, $0xb8;
	[tilespmem:$0x1E0C0] =	vst v63  }
0x4e: {  	s8 =	smov.u32 s7  }
0x4f: {  	p1 =	sne.s32 s7, $0x4800;
	s7 =	sadd.s32 $0x600, s7;
	_ =	swait.ge [sflag:s25], $0x2800  }
0x50: {  	s8 =	sshra.s32 s8, $0x2;
	[sflag:s25] =	ssyncset.done $0x0  }
0x51: {  	s10 =	sadd.s32 $0x1880, s8;
	[sflag:s25] =	ssyncadd.s32 $0xFFFFD800  }
0x52: {  	[spmem:s1] =	stream.indirect.scatter.add.f32 [tilespmem:s21], [sflag:$0x5], $0x80, s10, s18, $0xb8;
	[tilespmem:$0x1E0C0] =	vst v63  }
0x53: {  	_ =	swait.ge [sflag:s26], $0x2800  }
0x54: {  	[sflag:s26] =	ssyncset.done $0x0  }
0x55: {  	s10 =	sadd.s32 $0x180, s8;
	[sflag:s26] =	ssyncadd.s32 $0xFFFFD800  }
0x56: {  	[tilespmem:s19], [sflag:$0x1] =	stream.indirect.gather [hbm4b:s4+s18], $0x80, s10, s18, $0xb8;
	[tilespmem:$0x1E0C0] =	vst v63  }
0x57: {  	_ =	swait.ge [sflag:s28], $0x2800  }
0x58: {  	[sflag:s28] =	ssyncset.done $0x0  }
0x59: {  	s10 =	sadd.s32 $0x1900, s8;
	[sflag:s28] =	ssyncadd.s32 $0xFFFFD800  }
0x5a: {  	[spmem:s1] =	stream.indirect.scatter.add.f32 [tilespmem:s24], [sflag:$0x6], $0x80, s10, s18, $0xb8;
	[tilespmem:$0x1E0C0] =	vst v63  }
0x5b: {  	_ =	swait.ge [sflag:s29], $0x2800  }
0x5c: {  	[sflag:s29] =	ssyncset.done $0x0  }
0x5d: {  	s10 =	sadd.s32 $0x200, s8;
	[sflag:s29] =	ssyncadd.s32 $0xFFFFD800  }
0x5e: {  	[tilespmem:s21], [sflag:$0x2] =	stream.indirect.gather [hbm4b:s4+s18], $0x80, s10, s18, $0xb8;
	[tilespmem:$0x1E0C0] =	vst v63  }
0x5f: {  	_ =	swait.ge [sflag:s22], $0x2800  }
0x60: {  	[sflag:s22] =	ssyncset.done $0x0  }
.Ltmp0:
0x61: {  	s10 =	sadd.s32 $0x1980, s8;
	[sflag:s22] =	ssyncadd.s32 $0xFFFFD800;
	(pc) =	sbr.rel @p1 .LBB2_3-.Ltmp0, $4  }
0x62: {  	[spmem:s1] =	stream.indirect.scatter.add.f32 [tilespmem:s19], [sflag:$0x4], $0x80, s10, s18, $0xb8;
	[tilespmem:$0x1E0C0] =	vst v63  }
0x63: {  	_ =	swait.ge [sflag:s30], $0x2800  }
0x64: {  	[sflag:s30] =	ssyncset.done $0x0  }
0x65: {  	s8 =	sadd.s32 $0x280, s8;
	[sflag:s30] =	ssyncadd.s32 $0xFFFFD800  }
0x66: {  	[tilespmem:s24], [sflag:$0x3] =	stream.indirect.gather [hbm4b:s4+s18], $0x80, s8, s18, $0xb8;
	[tilespmem:$0x1E0C0] =	vst v63  }
0x67: {  	_ =	swait.ge [sflag:s25], $0x2800  }
0x68: {  	[sflag:s25] =	ssyncset.done $0x0  }
0x69: {  	[sflag:s25] =	ssyncadd.s32 $0xFFFFD800  }
0x6a: {  	[spmem:s1] =	stream.indirect.scatter.add.f32 [tilespmem:s21], [sflag:$0x5], $0x80, s31, s18, $0xb8;
	[tilespmem:$0x1E0C0] =	vst v63  }
0x6b: {  	_ =	swait.ge [sflag:s28], $0x2800  }
0x6c: {  	[sflag:s28] =	ssyncset.done $0x0  }
0x6d: {  	[sflag:s28] =	ssyncadd.s32 $0xFFFFD800  }
0x6e: {  	[spmem:s1] =	stream.indirect.scatter.add.f32 [tilespmem:s24], [sflag:$0x6], $0x80, s0, s18, $0xb8;
	[tilespmem:$0x1E0C0] =	vst v63  }
0x6f: {  	_ =	swait.ge [sflag:s26], $0x2800  }
0x70: {  	[sflag:s26] =	ssyncset.done $0x0  }
0x71: {  	s3 =	sadd.s32 $0x1, s3;
	[sflag:s26] =	ssyncadd.s32 $0xFFFFD800  }
0x72: {  	p1 =	sne.s32 s3, $0x3;
	_ =	swait.ge [sflag:s29], $0x2800  }
.Ltmp1:
0x73: {  	[sflag:s29] =	ssyncset.done $0x0;
	(pc) =	sbr.rel @p1 .LBB2_2-.Ltmp1, $4  }
0x74: {  	[sflag:s29] =	ssyncadd.s32 $0xFFFFD800  }
0x75: {  	_ =	swait.ge [sflag:s30], $0x2800  }
0x76: {  	[sflag:s30] =	ssyncset.done $0x0  }
0x77: {  	[sflag:s30] =	ssyncadd.s32 $0xFFFFD800  }
0x78: {  	[bflag:$0x0] =	sbarrier.arrive $0xFFFF;
	s3 =	simm.s32 @p0 $0x1FC7  }
0x79: {  	[hbm:s11], [sflag:s3] =	dma.local @p0 [spmem:s13], $0x2080  }
0x7a: {  	s3 =	simm.s32 @p0 $0x7  }
0x7b: {  	_ =	swait.ge @p0 [sflag:s3], $0x2080  }
0x7c: {  	s2 =	sadd.s32 $0x1, s2;
	[sflag:s3] =	ssyncset.done @p0 $0x0  }
0x7d: {  	p1 =	sne.s32 s2, s12;
	[sflag:s3] =	ssyncadd.s32 @p0 $0xFFFFDF80;
	s3 =	rddreg [dreg:$0x5]  }
0x7e: {  	[hbm:s3], [sflag:s14] =	dma.local @!p0 [spmem:s15], $0x2780  }
.Ltmp2:
0x7f: {  	_ = 	snop;
	(pc) =	sbr.rel @p1 .LBB2_1-.Ltmp2, $4  }
0x80: {  	s3 =	simm.s32 @!p0 $0x7  }
0x81: {  	_ =	swait.ge @!p0 [sflag:s3], $0x2780  }
0x82: {  	[sflag:s3] =	ssyncset.done @!p0 $0x0  }
0x83: {  	[sflag:s3] =	ssyncadd.s32 @!p0 $0xFFFFD880  }
0x84: {  	_ =	sfence.sel $0x180000  }
0x85: {  	[bflag:$0x0] =	sbarrier.arrive $0xFFFF  }
0x86: {  	_ =	strace $0x9000004D  }
0x87: {  	s0 =	stileid.u32;
	[bflag:$0x2] =	sbarrier.arrive $0xFFFF  }
0x88: {  	p0 =	sne.s32 s0, $0x0;
	s0 =	rddreg [dreg:$0x2]  }
0x89: {  	s0 =	sadd.s32 @!p0 $0x100000, s0  }
0x8a: {  	[sflag:s0] =	ssyncadd.tile.s32 @!p0 $0x1;
	_ =	shalt  }
.Lfunc_end2:
_tile_overlayer_lowered:
.L_overlay_start_2:
0x8b: {  	(tag) =	ssettag $0x2  }
0x8c: {  	s0 =	rddreg [dreg:$0x0];
	s2 =	stileid.u32  }
0x8d: {  	s1 =	rddreg [dreg:$0x1];
	p0 =	sne.s32 s2, $0x0  }
0x8e: {  	s3 =	rddreg [dreg:$0x2];
	[bflag:$0x3] =	sbarrier.arrive $0xFFFF;
	s2 =	simm.s32 @!p0 $0x1C07  }
0x8f: {  	[timem:s3], [sflag:s2] =	dma.local @!p0 [hbm:s0], s1  }
0x90: {  	s0 =	simm.s32 @!p0 $0x7  }
0x91: {  	_ =	swait.ge @!p0 [sflag:s0], s1  }
0x92: {  	s1 =	ssub.s32 @!p0 $0x0, s1;
	[sflag:s0] =	ssyncset.done @!p0 $0x0  }
0x93: {  	[sflag:s0] =	ssyncadd.s32 @!p0 s1  }
0x94: {  	[bflag:$0x3] =	sbarrier.arrive $0xFFFF  }
0x95: {  	_ =	shalt  }

// kernel: kernel.20.cloned.1.call-start
scs
__scs_entry_jumppad:
0x0: {  	(pc) =	sbr.rel $0x88, $3  }
0x1: {  	(tag) =	ssettag $0x0;
	lr =	simm.s32 $0x1  }
0x2: {  	[smem:$0x3F96] =	sst lr;
	_ =	strace $0xD0000000  }
0x3: {  	_ = 	snop  }
0x4: {  	_ = 	snop  }
0x5: {  	_ = 	snop  }
0x6: {  	_ = 	snop  }
0x7: {  	_ = 	snop  }
__scs_overlays_trampoline_lowered:
0x8: {  	[smem:$0x3FA5] =	sst s0  }
0x9: {  	[smem:$0x3FA6] =	sst s1  }
0xa: {  	[smem:$0x3FA7] =	sst s2  }
0xb: {  	[smem:$0x3FA8] =	sst s3  }
0xc: {  	[smem:$0x3FA9] =	sst s4  }
0xd: {  	[smem:$0x3FAA] =	sst s5  }
0xe: {  	[smem:$0x3FAB] =	sst s6  }
0xf: {  	[smem:$0x3FAC] =	sst s7  }
0x10: {  	[smem:$0x3FAD] =	sst s8  }
0x11: {  	[smem:$0x3FAE] =	sst s9;
	s0 =	simm.s32 @!p0 $0x0  }
0x12: {  	s1 =	sld [smem:$0x3F94];
	s0 =	simm.s32 @p0 $0x1  }
0x13: {  	[smem:$0x3FAF] =	sst s0;
	s0 =	simm.s32 @!p1 $0x0  }
0x14: {  	s2 =	sld [smem:$0x3F93];
	s0 =	simm.s32 @p1 $0x1  }
0x15: {  	[smem:$0x3FB0] =	sst s0;
	s0 =	simm.s32 @!p2 $0x0  }
0x16: {  	s3 =	sld [smem:$0x3FDB];
	s0 =	simm.s32 @p2 $0x1  }
0x17: {  	s4 =	simm.s32 $0x1BF5;
	[smem:$0x3FB2] =	sst s0  }
0x18: {  	s0 =	sld [smem:$0x3F95];
	_ =	swait.ge [sflag:s4], $0x0  }
0x19: {  	s7 =	sld [smem:$0x3F96]  }
0x1a: {  	s8 =	sadd.s32 $0xFFFFE003, lr  }
0x1b: {  	s9 =	sadd.s32 $0xFFFFFEF7, lr;
	s5 =	simm.s32 $0xFFFFFFFF;
	p2 =	slt.u32 s8, $0xFFFFF086  }
0x1c: {  	p1 =	slt.u32 s9, $0xF7A;
	s5 =	simm.s32 @!p2 $0x0  }
0x1d: {  	s5 =	simm.s32 @p1 $0x1;
	p0 =	seq.s32 s7, s2  }
0x1e: {  	s7 =	smul.u32 @!p0 $0xF7A, s2;
	p2 =	seq.s32 @!p0 s5, $0x0  }
0x1f: {  	s9 =	smul.u32 $0xF7A, s1;
	s8 =	simm.s32 @!p0 $0x1BF5;
	p2 =	por !p2, p0  }
0x20: {  	[sflag:s8] =	ssyncset.s32 @!p0 $0xFFFFF086;
	s6 =	sadd.s32 @!p0 s3, s7;
	s7 =	simm.s32 @!p0 $0x108  }
0x21: {  	s3 =	sadd.s32 s3, s9;
	s6 =	sadd.s32 @!p0 $0x88, s6;
	s7 =	simm.s32 @p2 $0x1082  }
0x22: {  	[simem:s7], [sflag:s8] =	dma.local @!p0 [hbm:s6], $0xF7A  }
0x23: {  	s9 =	sor.u32 $0xD0000000, s2;
	s6 =	simm.s32 $0x108;
	_ =	swait.ge @!p0 [sflag:s8], $0x0  }
0x24: {  	s3 =	sadd.s32 $0x88, s3;
	s6 =	simm.s32 @!p1 $0x1082;
	[sflag:s4] =	ssyncset.s32 $0xFFFFF086  }
0x25: {  	[simem:s6], [sflag:s4] =	dma.local [hbm:s3], $0xF7A  }
0x26: {  	[smem:$0x3F96] =	sst s1;
	(tag) =	ssettag s2;
	_ =	strace s9  }
0x27: {  	s1 =	sld [smem:$0x3FA6]  }
0x28: {  	s2 =	sld [smem:$0x3FA7]  }
0x29: {  	s4 =	sld [smem:$0x3FA9]  }
0x2a: {  	p0 =	seq.s32 s5, $0x0;
	s5 =	sld [smem:$0x3FAA]  }
0x2b: {  	s6 =	sld [smem:$0x3FAB]  }
0x2c: {  	s7 =	sld [smem:$0x3FAC]  }
0x2d: {  	s3 =	simm.s32 $0x108;
	s8 =	sld [smem:$0x3FAD]  }
0x2e: {  	s3 =	simm.s32 @!p0 $0x1082;
	s9 =	sld [smem:$0x3FAE]  }
0x2f: {  	lr =	sadd.s32 s0, s3;
	s0 =	sld [smem:$0x3FA5]  }
0x30: {  	s3 =	sld [smem:$0x3FA8]  }
0x31: {  	[smem:$0x3FB1] =	sst s10  }
0x32: {  	s10 =	sld [smem:$0x3FAF];
	_ =	sdelay $0x3  }
0x33: {  	p0 =	seq.s32 s10, $0x1;
	s10 =	sld [smem:$0x3FB1];
	_ =	sdelay $0x3  }
0x34: {  	[smem:$0x3FB1] =	sst s10  }
0x35: {  	s10 =	sld [smem:$0x3FB0];
	_ =	sdelay $0x3  }
0x36: {  	p1 =	seq.s32 s10, $0x1;
	s10 =	sld [smem:$0x3FB1];
	_ =	sdelay $0x3  }
0x37: {  	[smem:$0x3FB1] =	sst s10  }
0x38: {  	s10 =	sld [smem:$0x3FB2]  }
0x39: {  	_ = 	snop;
	(pc) =	sbr.ind lr, $3  }
0x3a: {  	_ = 	snop  }
0x3b: {  	_ = 	snop  }
0x3c: {  	p2 =	seq.s32 s10, $0x1;
	s10 =	sld [smem:$0x3FB1]  }
0x3d: {  	_ =	shalt  }
0x3e: {  	_ =	shalt  }
0x3f: {  	_ =	shalt  }
0x40: {  	_ =	shalt  }
0x41: {  	_ =	shalt  }
0x42: {  	_ =	shalt  }
0x43: {  	_ =	shalt  }
0x44: {  	_ =	shalt  }
0x45: {  	_ =	shalt  }
0x46: {  	_ =	shalt  }
0x47: {  	_ =	shalt  }
0x48: {  	_ =	shalt  }
0x49: {  	_ =	shalt  }
0x4a: {  	_ =	shalt  }
0x4b: {  	_ =	shalt  }
0x4c: {  	_ =	shalt  }
0x4d: {  	_ =	shalt  }
0x4e: {  	_ =	shalt  }
0x4f: {  	_ =	shalt  }
0x50: {  	_ =	shalt  }
0x51: {  	_ =	shalt  }
0x52: {  	_ =	shalt  }
0x53: {  	_ =	shalt  }
0x54: {  	_ =	shalt  }
0x55: {  	_ =	shalt  }
0x56: {  	_ =	shalt  }
0x57: {  	_ =	shalt  }
0x58: {  	_ =	shalt  }
0x59: {  	_ =	shalt  }
0x5a: {  	_ =	shalt  }
0x5b: {  	_ =	shalt  }
0x5c: {  	_ =	shalt  }
0x5d: {  	_ =	shalt  }
0x5e: {  	_ =	shalt  }
0x5f: {  	_ =	shalt  }
0x60: {  	_ =	shalt  }
0x61: {  	_ =	shalt  }
0x62: {  	_ =	shalt  }
0x63: {  	_ =	shalt  }
0x64: {  	_ =	shalt  }
0x65: {  	_ =	shalt  }
0x66: {  	_ =	shalt  }
0x67: {  	_ =	shalt  }
0x68: {  	_ =	shalt  }
0x69: {  	_ =	shalt  }
0x6a: {  	_ =	shalt  }
0x6b: {  	_ =	shalt  }
0x6c: {  	_ =	shalt  }
0x6d: {  	_ =	shalt  }
0x6e: {  	_ =	shalt  }
0x6f: {  	_ =	shalt  }
0x70: {  	_ =	shalt  }
0x71: {  	_ =	shalt  }
0x72: {  	_ =	shalt  }
0x73: {  	_ =	shalt  }
0x74: {  	_ =	shalt  }
0x75: {  	_ =	shalt  }
0x76: {  	_ =	shalt  }
0x77: {  	_ =	shalt  }
0x78: {  	_ =	shalt  }
0x79: {  	_ =	shalt  }
0x7a: {  	_ =	shalt  }
0x7b: {  	_ =	shalt  }
0x7c: {  	_ =	shalt  }
0x7d: {  	_ =	shalt  }
0x7e: {  	_ =	shalt  }
0x7f: {  	_ =	shalt  }
0x80: {  	_ =	shalt  }
0x81: {  	_ =	shalt  }
0x82: {  	_ =	shalt  }
0x83: {  	_ =	shalt  }
0x84: {  	_ =	shalt  }
0x85: {  	_ =	shalt  }
0x86: {  	_ =	shalt  }
0x87: {  	_ =	shalt  }
.Lfunc_end0:
.L_simem_size_0:
called_computation.3_lowered:
.L_overlay_start_0:
0x88: {  	s2 =	sld [smem:$0x3FD9]  }
0x89: {  	s3 =	sld [smem:$0x3FFE];
	_ =	sdelay $0x1  }
0x8a: {  	s1 =	srdreg.scid  }
0x8b: {  	s0 =	sand.u32 $0x1, s1  }
0x8c: {  	s16 =	sshll.u32 s0, $0xA;
	s2 =	sadd.s32 s3, s2  }
0x8d: {  	s2 =	sadd.s32 s2, s16  }
0x8e: {  	[smem:$0x3FBD] =	sst s2  }
0x8f: {  	_ = 	snop  }
0x90: {  	(tm) =	ssettm $0x1  }
0x91: {  	s17 =	sld [smem:$0x3FFB];
	_ =	sdelay $0x3  }
0x92: {  	_ =	strace s17  }
0x93: {  	s2 =	sld [smem:$0x3FFC];
	_ =	sdelay $0x3  }
0x94: {  	_ =	strace s2  }
0x95: {  	s2 =	sld [smem:$0x3FFD];
	_ =	sdelay $0x3  }
0x96: {  	_ =	strace s2  }
0x97: {  	_ =	strace $0x8FFFFFFF  }
0x98: {  	s18 =	sld [smem:$0x3FDB];
	_ =	sdelay $0x1  }
0x99: {  	s19 =	simm.s32 $_scs_section_size  }
0x9a: {  	s4 =	simm.s32 $_size__tile_overlayer_lowered;
	s5 =	simm.s32 $_tile_overlayer_lowered  }
0x9b: {  	s22 =	simm.s32 $0x1BFF;
	s21 =	sshll.u32 s5, $0x1;
	s2 =	sadd.s32 s19, s18  }
0x9c: {  	s6 =	simm.s32 $0x0;
	s20 =	sshll.u32 s4, $0x1;
	s4 =	sadd.s32 s21, s2  }
0x9d: {  	[timem:s6], [sflag:s22] =	dma.local [hbm:s4], s20  }
0x9e: {  	_ =	swait.ge [sflag:s22], s20  }
0x9f: {  	s3 =	ssub.s32 $0x0, s20;
	[sflag:s22] =	ssyncset.done $0x0  }
0xa0: {  	[sflag:s22] =	ssyncadd.s32 s3;
	_ =	sdelay $0x1  }
0xa1: {  	s23 =	simm.s32 $0x1B8B  }
0xa2: {  	_ =	swait.ge [sflag:s23], $0x1  }
0xa3: {  	[sflag:s23] =	ssyncset.done $0x0  }
0xa4: {  	s25 =	simm.s32 $0x1B8E;
	s24 =	sld [smem:$0x3FFE];
	[sflag:s23] =	ssyncadd.s32 $0xFFFFFFFF  }
0xa5: {  	s26 =	simm.s32 $execute0_lowered;
	[smem:$0x3FD2] =	sst s25  }
0xa6: {  	s4 =	sshll.u32 s26, $0x1;
	_ =	strace $0x8000004F;
	[dreg:$0x1] =	wrdreg $0xFFFFFFFF  }
0xa7: {  	s28 =	simm.s32 $_size_execute0_lowered;
	s2 =	sadd.s32 s2, s4;
	[dreg:$0x0] =	wrdreg $0x0  }
0xa8: {  	s4 =	sshll.u32 s28, $0x1;
	[dreg:$0x2] =	wrdreg s2  }
0xa9: {  	[dreg:$0x3] =	wrdreg s4  }
0xaa: {  	[dreg:$0x4] =	wrdreg $0xC0  }
0xab: {  	_ =	task [dreg:s6], $0x5FFFF  }
0xac: {  	[dreg:$0x1] =	wrdreg $0xFFFFFFFF  }
0xad: {  	[dreg:$0x0] =	wrdreg $0x60  }
0xae: {  	[dreg:$0x2] =	wrdreg s24  }
0xaf: {  	[dreg:$0x3] =	wrdreg $0xA8000  }
0xb0: {  	[dreg:$0x4] =	wrdreg $0x9  }
0xb1: {  	_ =	task.clear_ibuf [dreg:s6], $0x5FFFF;
	_ =	strace $0x9000004F  }
0xb2: {  	s29 =	simm.s32 $0x9;
	_ =	strace $0x80000051  }
0xb3: {  	_ =	swait.ge [sflag:s29], $0x1  }
0xb4: {  	[sflag:s29] =	ssyncadd.s32 $0xFFFFFFFF  }
0xb5: {  	_ =	strace $0x90000051  }
0xb6: {  	_ =	sfence  }
0xb7: {  	s30 =	sld [smem:$0x0];
	_ =	sdelay $0x2  }
0xb8: {  	s31 =	sshll.u32 s1, $0xD;
	s1 =	sshrl.u32 s1, $0x2  }
0xb9: {  	s3 =	sand.u32 $0x4000, s31;
	s1 =	sadd.s32 s1, s30  }
0xba: {  	s0 =	sor.u32 s3, s0;
	s1 =	sshll.u32 s1, $0x11  }
0xbb: {  	s0 =	sor.u32 s1, s0  }
0xbc: {  	s0 =	sadd.s32 $0x8F2B, s0  }
0xbd: {  	[sflag:s0] =	ssyncadd.remote.s32 $0x1  }
0xbe: {  	_ =	sfence.sel $0xFFFF  }
0xbf: {  	[dreg:$0x0] =	wrdreg $0xFFFFFFFF;
	(pc) =	sbr.abs _section_cstart, $3  }
0xc0: {  	[dreg:$0x1] =	wrdreg $0xFFFFFFFF  }
0xc1: {  	_ =	task.clear_ibuf [dreg:s6], $0x2FFFF;
	_ =	strace $0x9FFFFFFF  }
0xc2: {  	(tm) =	ssettm $0x7FFFFFFF  }
0xc3: {  	_ =	shalt  }
tec
execute0_lowered:
.L_overlay_start_1:
0x0: {  	(tag) =	ssettag $0x1  }
0x1: {  	s0 =	rddreg [dreg:$0x0]  }
0x2: {  	s1 =	rddreg [dreg:$0x1];
	s2 =	simm.s32 $0x0;
	s3 =	srdreg.scid  }
0x3: {  	s14 =	stileid.u32;
	s16 =	simm.s32 $0x7;
	s17 =	simm.s32 $0x1800  }
0x4: {  	s18 =	simm.s32 $0x50;
	s19 =	simm.s32 $0x3000;
	s20 =	simm.s32 $0x80  }
0x5: {  	s21 =	simm.s32 $0x5800;
	s22 =	simm.s32 $0x1;
	s23 =	simm.s32 $0x100  }
0x6: {  	s24 =	simm.s32 $0x8000;
	s28 =	simm.s32 $0x3;
	s29 =	simm.s32 $0x5  }
0x7: {  	s30 =	simm.s32 $0x6;
	s31 =	simm.s32 $0x2C00;
	[smem:$0x7FF] =	sst s2  }
0x8: {  	s4 =	sadd.s32 $0x3B600, s0;
	s5 =	sadd.s32 $0x29600, s0;
	s8 =	smul.u32 $0x4F000, s14  }
0x9: {  	s3 =	sand.u32 $0x1, s3;
	s6 =	sadd.s32 $0x17600, s0;
	s11 =	smul.u32 $0x2780, s14  }
0xa: {  	s10 =	sadd.s32 $0x62800, s0;
	s12 =	smul.u32 $0x13C00, s14;
	s13 =	sadd.s32 $0x128400, s1  }
0xb: {  	s0 =	sadd.s32 $0x60680, s0;
	p0 =	seq.s32 s14, $0xF;
	_ =	strace $0x80000050  }
0xc: {  	s7 =	ssub.s32 $0x2, s3;
	s25 =	sshll.u32 s3, $0x4;
	s3 =	smul.u32 $0x138800, s3  }
0xd: {  	[dreg:$0x4] =	wrdreg s0;
	s13 =	sshrl.u32 @p0 s13, $0x3;
	s9 =	sshrl.u32 s7, $0x1  }
0xe: {  	s8 =	sshrl.u32 s8, $0x2;
	s11 =	sadd.s32 s4, s11;
	s7 =	ssub.s32 s7, s9  }
0xf: {  	s9 =	sor.u32 s14, s25;
	s8 =	sadd.s32 s8, s1;
	[dreg:$0x3] =	wrdreg s11  }
0x10: {  	s26 =	sadd.s32 s12, s3;
	s3 =	sshrl.u32 s3, $0x3;
	s25 =	simm.s32 $0x2  }
0x11: {  	s9 =	smul.u32 $0x4800, s9;
	s0 =	sshrl.u32 s26, $0x3;
	s3 =	sadd.s32 s10, s3  }
0x12: {  	s12 =	smax.u32 s7, $0x1;
	s15 =	sshrl.u32 @!p0 s8, $0x3;
	s0 =	sadd.s32 s10, s0  }
0x13: {  	s26 =	simm.s32 $0x4;
	[dreg:$0x5] =	wrdreg s0;
	s0 =	sshll.u32 @!p0 s14, $0x6  }
0x14: {  	s11 =	sadd.s32 $0x25080, s3;
	s14 =	sor.u32 @!p0 $0x1C07, s0;
	s0 =	simm.s32 $0x2C80  }
.LBB2_1:
0x15: {  	s3 =	simm.s32 @p0 $0x1FC7;
	s7 =	rddreg [dreg:$0x4]  }
0x16: {  	[spmem:s13], [sflag:s3] =	dma.local @p0 [hbm:s7], $0x2080  }
0x17: {  	s3 =	simm.s32 @p0 $0x7  }
0x18: {  	_ =	swait.ge @p0 [sflag:s3], $0x2080  }
0x19: {  	[sflag:s3] =	ssyncset.done @p0 $0x0  }
0x1a: {  	[sflag:s3] =	ssyncadd.s32 @p0 $0xFFFFDF80;
	s3 =	rddreg [dreg:$0x3]  }
0x1b: {  	[spmem:s15], [sflag:s14] =	dma.local @!p0 [hbm:s3], $0x2780  }
0x1c: {  	s3 =	simm.s32 @!p0 $0x7  }
0x1d: {  	_ =	swait.ge @!p0 [sflag:s3], $0x2780  }
0x1e: {  	[sflag:s3] =	ssyncset.done @!p0 $0x0  }
0x1f: {  	[sflag:s3] =	ssyncadd.s32 @!p0 $0xFFFFD880  }
0x20: {  	s3 =	simm.s32 $0x0;
	[bflag:$0x0] =	sbarrier.arrive $0xFFFF  }
.LBB2_2:
0x21: {  	s7 =	smul.u32 $0x1800, s3;
	_ =	sdelay $0x1  }
0x22: {  	s7 =	sadd.s32 s9, s7  }
0x23: {  	s7 =	sshrl.u32 s7, $0x3  }
0x24: {  	s10 =	simm.s32 $0x0;
	s8 =	sadd.s32 s5, s7  }
0x25: {  	[tilespmem:s10], [sflag:$0x7] =	stream.linear.gather [hbm4b:s8+s10], $0x1500, $0x38;
	[tilespmem:$0x1E0C0] =	vst v63  }
0x26: {  	_ =	swait.ge [sflag:s16], $0x1500  }
0x27: {  	[sflag:s16] =	ssyncset.done $0x0  }
0x28: {  	s7 =	sadd.s32 s6, s7;
	[sflag:s16] =	ssyncadd.s32 $0xFFFFEB00  }
0x29: {  	[tilespmem:s17], [sflag:$0x7] =	stream.linear.gather [hbm4b:s7+s10], $0x1500, $0x38;
	[tilespmem:$0x1E0C0] =	vst v63  }
0x2a: {  	_ =	swait.ge [sflag:s16], $0x1500  }
0x2b: {  	[sflag:s16] =	ssyncset.done $0x0  }
0x2c: {  	[sflag:s16] =	ssyncadd.s32 $0xFFFFEB00  }
0x2d: {  	[tilespmem:s19], [sflag:$0x1] =	stream.indirect.gather [hbm4b:s4+s18], $0x80, s10, s18, $0xb8;
	[tilespmem:$0x1E0C0] =	vst v63  }
0x2e: {  	_ = 	snop  }
0x2f: {  	[tilespmem:s21], [sflag:$0x2] =	stream.indirect.gather [hbm4b:s4+s18], $0x80, s20, s18, $0xb8;
	[tilespmem:$0x1E0C0] =	vst v63  }
0x30: {  	_ =	swait.ge [sflag:s22], $0x2800  }
0x31: {  	[sflag:s22] =	ssyncset.done $0x0  }
0x32: {  	[sflag:s22] =	ssyncadd.s32 $0xFFFFD800  }
0x33: {  	[spmem:s1] =	stream.indirect.scatter.add.f32 [tilespmem:s19], [sflag:$0x4], $0x80, s17, s18, $0xb8;
	[tilespmem:$0x1E0C0] =	vst v63  }
0x34: {  	_ = 	snop  }
0x35: {  	[tilespmem:s24], [sflag:$0x3] =	stream.indirect.gather [hbm4b:s4+s18], $0x80, s23, s18, $0xb8;
	[tilespmem:$0x1E0C0] =	vst v63  }
0x36: {  	_ =	swait.ge [sflag:s25], $0x2800  }
0x37: {  	[sflag:s25] =	ssyncset.done $0x0  }
0x38: {  	s10 =	simm.s32 $0x1880;
	[sflag:s25] =	ssyncadd.s32 $0xFFFFD800  }
0x39: {  	[spmem:s1] =	stream.indirect.scatter.add.f32 [tilespmem:s21], [sflag:$0x5], $0x80, s10, s18, $0xb8;
	[tilespmem:$0x1E0C0] =	vst v63  }
0x3a: {  	_ =	swait.ge [sflag:s26], $0x2800  }
0x3b: {  	[sflag:s26] =	ssyncset.done $0x0  }
0x3c: {  	s8 =	simm.s32 $0x180;
	[sflag:s26] =	ssyncadd.s32 $0xFFFFD800  }
0x3d: {  	[tilespmem:s19], [sflag:$0x1] =	stream.indirect.gather [hbm4b:s4+s18], $0x80, s8, s18, $0xb8;
	[tilespmem:$0x1E0C0] =	vst v63  }
0x3e: {  	_ =	swait.ge [sflag:s28], $0x2800  }
0x3f: {  	[sflag:s28] =	ssyncset.done $0x0  }
0x40: {  	s10 =	simm.s32 $0x1900;
	[sflag:s28] =	ssyncadd.s32 $0xFFFFD800  }
0x41: {  	[spmem:s1] =	stream.indirect.scatter.add.f32 [tilespmem:s24], [sflag:$0x6], $0x80, s10, s18, $0xb8;
	[tilespmem:$0x1E0C0] =	vst v63  }
0x42: {  	_ =	swait.ge [sflag:s29], $0x2800  }
0x43: {  	[sflag:s29] =	ssyncset.done $0x0  }
0x44: {  	s8 =	simm.s32 $0x200;
	[sflag:s29] =	ssyncadd.s32 $0xFFFFD800  }
0x45: {  	[tilespmem:s21], [sflag:$0x2] =	stream.indirect.gather [hbm4b:s4+s18], $0x80, s8, s18, $0xb8;
	[tilespmem:$0x1E0C0] =	vst v63  }
0x46: {  	_ =	swait.ge [sflag:s22], $0x2800  }
0x47: {  	[sflag:s22] =	ssyncset.done $0x0  }
0x48: {  	s10 =	simm.s32 $0x1980;
	[sflag:s22] =	ssyncadd.s32 $0xFFFFD800  }
0x49: {  	[spmem:s1] =	stream.indirect.scatter.add.f32 [tilespmem:s19], [sflag:$0x4], $0x80, s10, s18, $0xb8;
	[tilespmem:$0x1E0C0] =	vst v63  }
0x4a: {  	_ =	swait.ge [sflag:s30], $0x2800  }
0x4b: {  	[sflag:s30] =	ssyncset.done $0x0  }
0x4c: {  	s7 =	simm.s32 $0x600;
	s8 =	simm.s32 $0x280;
	[sflag:s30] =	ssyncadd.s32 $0xFFFFD800  }
.LBB2_3:
0x4d: {  	[tilespmem:s24], [sflag:$0x3] =	stream.indirect.gather [hbm4b:s4+s18], $0x80, s8, s18, $0xb8;
	[tilespmem:$0x1E0C0] =	vst v63  }
0x4e: {  	s8 =	smov.u32 s7  }
0x4f: {  	p1 =	sne.s32 s7, $0x4800;
	s7 =	sadd.s32 $0x600, s7;
	_ =	swait.ge [sflag:s25], $0x2800  }
0x50: {  	s8 =	sshra.s32 s8, $0x2;
	[sflag:s25] =	ssyncset.done $0x0  }
0x51: {  	s10 =	sadd.s32 $0x1880, s8;
	[sflag:s25] =	ssyncadd.s32 $0xFFFFD800  }
0x52: {  	[spmem:s1] =	stream.indirect.scatter.add.f32 [tilespmem:s21], [sflag:$0x5], $0x80, s10, s18, $0xb8;
	[tilespmem:$0x1E0C0] =	vst v63  }
0x53: {  	_ =	swait.ge [sflag:s26], $0x2800  }
0x54: {  	[sflag:s26] =	ssyncset.done $0x0  }
0x55: {  	s10 =	sadd.s32 $0x180, s8;
	[sflag:s26] =	ssyncadd.s32 $0xFFFFD800  }
0x56: {  	[tilespmem:s19], [sflag:$0x1] =	stream.indirect.gather [hbm4b:s4+s18], $0x80, s10, s18, $0xb8;
	[tilespmem:$0x1E0C0] =	vst v63  }
0x57: {  	_ =	swait.ge [sflag:s28], $0x2800  }
0x58: {  	[sflag:s28] =	ssyncset.done $0x0  }
0x59: {  	s10 =	sadd.s32 $0x1900, s8;
	[sflag:s28] =	ssyncadd.s32 $0xFFFFD800  }
0x5a: {  	[spmem:s1] =	stream.indirect.scatter.add.f32 [tilespmem:s24], [sflag:$0x6], $0x80, s10, s18, $0xb8;
	[tilespmem:$0x1E0C0] =	vst v63  }
0x5b: {  	_ =	swait.ge [sflag:s29], $0x2800  }
0x5c: {  	[sflag:s29] =	ssyncset.done $0x0  }
0x5d: {  	s10 =	sadd.s32 $0x200, s8;
	[sflag:s29] =	ssyncadd.s32 $0xFFFFD800  }
0x5e: {  	[tilespmem:s21], [sflag:$0x2] =	stream.indirect.gather [hbm4b:s4+s18], $0x80, s10, s18, $0xb8;
	[tilespmem:$0x1E0C0] =	vst v63  }
0x5f: {  	_ =	swait.ge [sflag:s22], $0x2800  }
0x60: {  	[sflag:s22] =	ssyncset.done $0x0  }
.Ltmp0:
0x61: {  	s10 =	sadd.s32 $0x1980, s8;
	[sflag:s22] =	ssyncadd.s32 $0xFFFFD800;
	(pc) =	sbr.rel @p1 .LBB2_3-.Ltmp0, $4  }
0x62: {  	[spmem:s1] =	stream.indirect.scatter.add.f32 [tilespmem:s19], [sflag:$0x4], $0x80, s10, s18, $0xb8;
	[tilespmem:$0x1E0C0] =	vst v63  }
0x63: {  	_ =	swait.ge [sflag:s30], $0x2800  }
0x64: {  	[sflag:s30] =	ssyncset.done $0x0  }
0x65: {  	s8 =	sadd.s32 $0x280, s8;
	[sflag:s30] =	ssyncadd.s32 $0xFFFFD800  }
0x66: {  	[tilespmem:s24], [sflag:$0x3] =	stream.indirect.gather [hbm4b:s4+s18], $0x80, s8, s18, $0xb8;
	[tilespmem:$0x1E0C0] =	vst v63  }
0x67: {  	_ =	swait.ge [sflag:s25], $0x2800  }
0x68: {  	[sflag:s25] =	ssyncset.done $0x0  }
0x69: {  	[sflag:s25] =	ssyncadd.s32 $0xFFFFD800  }
0x6a: {  	[spmem:s1] =	stream.indirect.scatter.add.f32 [tilespmem:s21], [sflag:$0x5], $0x80, s31, s18, $0xb8;
	[tilespmem:$0x1E0C0] =	vst v63  }
0x6b: {  	_ =	swait.ge [sflag:s28], $0x2800  }
0x6c: {  	[sflag:s28] =	ssyncset.done $0x0  }
0x6d: {  	[sflag:s28] =	ssyncadd.s32 $0xFFFFD800  }
0x6e: {  	[spmem:s1] =	stream.indirect.scatter.add.f32 [tilespmem:s24], [sflag:$0x6], $0x80, s0, s18, $0xb8;
	[tilespmem:$0x1E0C0] =	vst v63  }
0x6f: {  	_ =	swait.ge [sflag:s26], $0x2800  }
0x70: {  	[sflag:s26] =	ssyncset.done $0x0  }
0x71: {  	s3 =	sadd.s32 $0x1, s3;
	[sflag:s26] =	ssyncadd.s32 $0xFFFFD800  }
0x72: {  	p1 =	sne.s32 s3, $0x3;
	_ =	swait.ge [sflag:s29], $0x2800  }
.Ltmp1:
0x73: {  	[sflag:s29] =	ssyncset.done $0x0;
	(pc) =	sbr.rel @p1 .LBB2_2-.Ltmp1, $4  }
0x74: {  	[sflag:s29] =	ssyncadd.s32 $0xFFFFD800  }
0x75: {  	_ =	swait.ge [sflag:s30], $0x2800  }
0x76: {  	[sflag:s30] =	ssyncset.done $0x0  }
0x77: {  	[sflag:s30] =	ssyncadd.s32 $0xFFFFD800  }
0x78: {  	[bflag:$0x0] =	sbarrier.arrive $0xFFFF;
	s3 =	simm.s32 @p0 $0x1FC7  }
0x79: {  	[hbm:s11], [sflag:s3] =	dma.local @p0 [spmem:s13], $0x2080  }
0x7a: {  	s3 =	simm.s32 @p0 $0x7  }
0x7b: {  	_ =	swait.ge @p0 [sflag:s3], $0x2080  }
0x7c: {  	s2 =	sadd.s32 $0x1, s2;
	[sflag:s3] =	ssyncset.done @p0 $0x0  }
0x7d: {  	p1 =	sne.s32 s2, s12;
	[sflag:s3] =	ssyncadd.s32 @p0 $0xFFFFDF80;
	s3 =	rddreg [dreg:$0x5]  }
0x7e: {  	[hbm:s3], [sflag:s14] =	dma.local @!p0 [spmem:s15], $0x2780  }
.Ltmp2:
0x7f: {  	_ = 	snop;
	(pc) =	sbr.rel @p1 .LBB2_1-.Ltmp2, $4  }
0x80: {  	s3 =	simm.s32 @!p0 $0x7  }
0x81: {  	_ =	swait.ge @!p0 [sflag:s3], $0x2780  }
0x82: {  	[sflag:s3] =	ssyncset.done @!p0 $0x0  }
0x83: {  	[sflag:s3] =	ssyncadd.s32 @!p0 $0xFFFFD880  }
0x84: {  	_ =	sfence.sel $0x180000  }
0x85: {  	[bflag:$0x0] =	sbarrier.arrive $0xFFFF  }
0x86: {  	_ =	strace $0x90000050  }
0x87: {  	s0 =	stileid.u32;
	[bflag:$0x2] =	sbarrier.arrive $0xFFFF  }
0x88: {  	p0 =	sne.s32 s0, $0x0;
	s0 =	rddreg [dreg:$0x2]  }
0x89: {  	s0 =	sadd.s32 @!p0 $0x100000, s0  }
0x8a: {  	[sflag:s0] =	ssyncadd.tile.s32 @!p0 $0x1;
	_ =	shalt  }
.Lfunc_end2:
_tile_overlayer_lowered:
.L_overlay_start_2:
0x8b: {  	(tag) =	ssettag $0x2  }
0x8c: {  	s0 =	rddreg [dreg:$0x0];
	s2 =	stileid.u32  }
0x8d: {  	s1 =	rddreg [dreg:$0x1];
	p0 =	sne.s32 s2, $0x0  }
0x8e: {  	s3 =	rddreg [dreg:$0x2];
	[bflag:$0x3] =	sbarrier.arrive $0xFFFF;
	s2 =	simm.s32 @!p0 $0x1C07  }
0x8f: {  	[timem:s3], [sflag:s2] =	dma.local @!p0 [hbm:s0], s1  }
0x90: {  	s0 =	simm.s32 @!p0 $0x7  }
0x91: {  	_ =	swait.ge @!p0 [sflag:s0], s1  }
0x92: {  	s1 =	ssub.s32 @!p0 $0x0, s1;
	[sflag:s0] =	ssyncset.done @!p0 $0x0  }
0x93: {  	[sflag:s0] =	ssyncadd.s32 @!p0 s1  }
0x94: {  	[bflag:$0x3] =	sbarrier.arrive $0xFFFF  }
0x95: {  	_ =	shalt  }

</sc_bundles>
